<compile_context>
chip_gen: v7x
topology: tpu7x:2x2x1
jax: 0.10.2.dev20260603
libtpu: 0.0.44.dev20260713+nightly
codegen_flags: <defaults>
</compile_context>

<pallas_src>
import functools

import jax
import jax.numpy as jnp
from jax import lax
from jax.experimental import pallas as pl
from jax.experimental.pallas import tpu as pltpu
from jax.experimental.pallas import tpu_sc as plsc

B = 4096
D = 2048
E = 16
H = 512
T = 2
K = 2

BLK = 256
R = T * B * K
XR = R + E * BLK
G = XR // BLK

_NC = 2
_NS = 16
_NW = _NC * _NS


def _gate_body(x_ref, wcat_ref, eps_ref, meta_ref, xpk_ref):
    x = x_ref[...]
    r = lax.bitcast_convert_type(x, jnp.int32)
    rb = r + 0x7FFF + ((r >> 16) & 1)
    hi = rb[:, :D // 2] & jnp.int32(-65536)
    lo = lax.shift_right_logical(rb[:, D // 2:], 16)
    xpk_ref[...] = hi | lo
    proj = jnp.dot(x, wcat_ref[...], preferred_element_type=jnp.float32)
    ii = jax.lax.broadcasted_iota(jnp.int32, (x.shape[0], E), 1)
    lane8 = jax.lax.broadcasted_iota(jnp.int32, (x.shape[0], 8), 1)
    for t in range(T):
        mean = proj[:, t * E:(t + 1) * E]
        npj = proj[:, (T + t) * E:(T + t + 1) * E]
        std = jnp.maximum(npj, 0.0) + jnp.log1p(jnp.exp(-jnp.abs(npj)))
        noisy = mean + eps_ref[t] * std
        v1 = jnp.max(noisy, axis=1, keepdims=True)
        first1 = jnp.min(jnp.where(noisy == v1, ii, E), axis=1, keepdims=True)
        n2 = jnp.where(ii == first1, -jnp.inf, noisy)
        v2 = jnp.max(n2, axis=1, keepdims=True)
        first2 = jnp.min(jnp.where(n2 == v2, ii, E), axis=1, keepdims=True)
        z = jnp.exp(v2 - v1)
        w1 = 1.0 / (1.0 + z)
        w2 = 1.0 - w1
        m = jnp.where(lane8 == 0, first1.astype(jnp.float32),
            jnp.where(lane8 == 1, first2.astype(jnp.float32),
            jnp.where(lane8 == 2, w1, jnp.where(lane8 == 3, w2, 0.0))))
        meta_ref[t] = m


def _grouped_body(be_s, xg_ref, we0_ref, be0_ref, we1_ref, be1_ref, out_ref):
    u = xg_ref[...]
    xa = lax.bitcast_convert_type(
        u & jnp.int32(-65536), jnp.float32).astype(jnp.bfloat16)
    xb = lax.bitcast_convert_type(
        lax.shift_left(u, 16), jnp.float32).astype(jnp.bfloat16)
    w0 = we0_ref[0].astype(jnp.bfloat16)
    acc = (jnp.dot(xa, w0[:D // 2], preferred_element_type=jnp.float32)
           + jnp.dot(xb, w0[D // 2:], preferred_element_type=jnp.float32))
    h = jnp.maximum(acc + be0_ref[0], 0.0).astype(jnp.bfloat16)
    w1 = we1_ref[0].astype(jnp.bfloat16)
    o = jnp.dot(h, w1, preferred_element_type=jnp.float32) + be1_ref[0]
    out_ref[...] = o


def _grouped_body_alias(be_s, xg_ref, we0_ref, be0_ref, we1_ref, be1_ref,
                        prev_ref, out_ref):
    _grouped_body(be_s, xg_ref, we0_ref, be0_ref, we1_ref, be1_ref, out_ref)


def _heads_body(rc_ref, w0_ref, w1_ref, wh0_ref, bh0_ref, wh1_ref, bh1_ref,
                wh2_ref, bh2_ref, out_ref):
    go = w0_ref[0] * rc_ref[0, 0] + w1_ref[0] * rc_ref[1, 0]
    a = jnp.maximum(jnp.dot(go, wh0_ref[0],
                            preferred_element_type=jnp.float32) + bh0_ref[0],
                    0.0)
    b = jnp.maximum(jnp.dot(a, wh1_ref[0],
                            preferred_element_type=jnp.float32) + bh1_ref[0],
                    0.0)
    out_ref[0] = jnp.dot(b, wh2_ref[0],
                         preferred_element_type=jnp.float32) + bh2_ref[0]


def _sc_gather(table, idx, n_rows, chunk):
    dd = table.shape[1]
    per_w = n_rows // _NW
    n_chunks = per_w // chunk
    assert per_w % chunk == 0
    nb = 3
    n_main = (n_chunks // nb) * nb
    mesh = plsc.VectorSubcoreMesh(core_axis_name="c", subcore_axis_name="s")

    @functools.partial(
        pl.kernel, mesh=mesh,
        out_type=jax.ShapeDtypeStruct((n_rows, dd), table.dtype),
        scratch_types=(
            [pltpu.VMEM((chunk,), jnp.int32) for _ in range(nb)]
            + [pltpu.VMEM((chunk, dd), table.dtype) for _ in range(nb)]
            + [pltpu.SemaphoreType.DMA, pltpu.SemaphoreType.DMA]
        ),
    )
    def k(table_hbm, idx_hbm, out_hbm, i0, i1, i2, b0, b1, b2, gsem, osem):
        idxs = [i0, i1, i2]
        bufs = [b0, b1, b2]
        wid = lax.axis_index("s") * _NC + lax.axis_index("c")
        base = wid * per_w

        def drain(l, drain_i):
            pltpu.make_async_copy(
                bufs[l],
                out_hbm.at[pl.ds(base + drain_i * chunk, chunk)],
                osem).wait()

        def chunk_step(i, l, drain_i, guard):
            if guard:
                @pl.when(drain_i >= 0)
                def _():
                    drain(l, drain_i)
            elif drain_i >= 0:
                drain(l, drain_i)
            pltpu.sync_copy(idx_hbm.at[pl.ds(base + i * chunk, chunk)],
                            idxs[l])
            pltpu.async_copy(table_hbm.at[idxs[l]], bufs[l], gsem).wait()
            pltpu.async_copy(
                bufs[l], out_hbm.at[pl.ds(base + i * chunk, chunk)], osem)

        def body(j, carry):
            for l in range(nb):
                i = j * nb + l
                chunk_step(i, l, i - nb, True)
            return carry

        lax.fori_loop(0, n_main // nb, body, 0)
        for i in range(n_main, n_chunks):
            chunk_step(i, i % nb, i - nb, False)
        for i in range(max(0, n_chunks - nb), n_chunks):
            pltpu.make_async_copy(
                bufs[i % nb],
                out_hbm.at[pl.ds(base + i * chunk, chunk)], osem).wait()

    return k(table, idx)


def kernel(x, We0, be0, We1, be1, Wg, Wn, Wh0, bh0, Wh1, bh1, Wh2, bh2):
    eps_key = jax.random.key(42)
    eps = jnp.stack([
        jax.random.normal(jax.random.fold_in(eps_key, i), (B, E), jnp.float32)
        for i in range(T)])
    wcat = jnp.concatenate([Wg[0], Wg[1], Wn[0], Wn[1]], axis=1)

    GB = 1024
    meta = pl.pallas_call(
        _gate_body,
        grid=(B // GB,),
        in_specs=[
            pl.BlockSpec((GB, D), lambda i: (i, 0)),
            pl.BlockSpec((D, 4 * E), lambda i: (0, 0)),
            pl.BlockSpec((T, GB, E), lambda i: (0, i, 0)),
        ],
        out_specs=[
            pl.BlockSpec((T, GB, 8), lambda i: (0, i, 0)),
            pl.BlockSpec((GB, D // 2), lambda i: (i, 0)),
        ],
        out_shape=[
            jax.ShapeDtypeStruct((T, B, 8), jnp.float32),
            jax.ShapeDtypeStruct((B, D // 2), jnp.int32),
        ],
    )(x, wcat, eps)
    meta, x_pk = meta

    idx = meta[:, :, 0:2].astype(jnp.int32)
    e_flat = idx.reshape(-1)
    tok_flat = jnp.broadcast_to(jnp.arange(B)[None, :, None],
                                (T, B, K)).reshape(-1)
    oh = (e_flat[:, None] == jnp.arange(E)[None, :]).astype(jnp.int32)
    counts = jnp.sum(oh, axis=0)
    rank = jnp.take_along_axis(jnp.cumsum(oh, axis=0), e_flat[:, None],
                               axis=1)[:, 0] - 1
    P = ((counts + BLK - 1) // BLK) * BLK
    cp = jnp.cumsum(P)
    poff = cp - P
    pos = poff[e_flat] + rank
    row_token = jnp.zeros((XR,), jnp.int32).at[pos].set(tok_flat)
    block_expert = jnp.minimum(
        jnp.searchsorted(cp // BLK, jnp.arange(G), side='right'),
        E - 1).astype(jnp.int32)

    xg = _sc_gather(x_pk, row_token, XR, 32)

    out_rows = pl.pallas_call(
        _grouped_body,
        grid_spec=pltpu.PrefetchScalarGridSpec(
            num_scalar_prefetch=1,
            grid=(G,),
            in_specs=[
                pl.BlockSpec((BLK, D // 2), lambda g, be: (g, 0)),
                pl.BlockSpec((1, D, H), lambda g, be: (be[g], 0, 0)),
                pl.BlockSpec((1, 1, H), lambda g, be: (be[g], 0, 0)),
                pl.BlockSpec((1, H, H), lambda g, be: (be[g], 0, 0)),
                pl.BlockSpec((1, 1, H), lambda g, be: (be[g], 0, 0)),
            ],
            out_specs=pl.BlockSpec((BLK, H), lambda g, be: (g, 0)),
        ),
        out_shape=jax.ShapeDtypeStruct((XR, H), jnp.float32),
    )(block_expert, xg, We0, be0[:, None, :], We1, be1[:, None, :])

    pos2 = pos.reshape(T, B, K)
    pos_cat = jnp.concatenate(
        [pos2[:, :, 0].reshape(-1), pos2[:, :, 1].reshape(-1)])
    rows_cat = _sc_gather(out_rows, pos_cat, 2 * T * B, 64)
    rc = rows_cat.reshape(2, T, B, H)

    HB = 2048
    out = pl.pallas_call(
        _heads_body,
        grid=(T, B // HB),
        in_specs=[
            pl.BlockSpec((2, 1, HB, H), lambda t, i: (0, t, i, 0)),
            pl.BlockSpec((1, HB, 1), lambda t, i: (t, i, 0)),
            pl.BlockSpec((1, HB, 1), lambda t, i: (t, i, 0)),
            pl.BlockSpec((1, H, 512), lambda t, i: (t, 0, 0)),
            pl.BlockSpec((1, 1, 512), lambda t, i: (t, 0, 0)),
            pl.BlockSpec((1, 512, 256), lambda t, i: (t, 0, 0)),
            pl.BlockSpec((1, 1, 256), lambda t, i: (t, 0, 0)),
            pl.BlockSpec((1, 256, 1), lambda t, i: (t, 0, 0)),
            pl.BlockSpec((1, 1, 1), lambda t, i: (t, 0, 0)),
        ],
        out_specs=pl.BlockSpec((1, HB, 1), lambda t, i: (t, i, 0)),
        out_shape=jax.ShapeDtypeStruct((T, B, 1), jnp.float32),
    )(rc, meta[:, :, 2:3], meta[:, :, 3:4], Wh0, bh0[:, None, :], Wh1,
      bh1[:, None, :], Wh2, bh2[:, None, :])
    return out

# --- scband reference (transcript-rebuilt; emitter-appended) ---
"""Pipeline reference for scband-multiplexed-final-ranker-mmo-e-23218593202346 (READ-ONLY COPY).

The authoritative reference and input builder live on the scoring server;
editing this copy changes nothing except your own understanding.
"""

import jax, jax.numpy as jnp
import numpy as np

B = 4096
D = 2048
E = 16
H = 512
TOPK = 2
NTASK = 2

def _xavier(key, shape):
    fan_in, fan_out = shape[-2], shape[-1]
    std = (2.0 / (fan_in + fan_out)) ** 0.5
    return jax.random.normal(key, shape, dtype=jnp.float32) * std

def setup_inputs(seed: int = 0) -> dict:
    key = jax.random.key(seed)
    ks = jax.random.split(key, 12)
    x = jax.random.normal(ks[0], (B, D), dtype=jnp.float32)
    We0 = _xavier(ks[1], (E, D, H)); be0 = jnp.zeros((E, H), jnp.float32)
    We1 = _xavier(ks[2], (E, H, H)); be1 = jnp.zeros((E, H), jnp.float32)
    Wg = _xavier(ks[3], (NTASK, D, E))
    Wn = _xavier(ks[4], (NTASK, D, E))
    Wh0 = _xavier(ks[5], (NTASK, H, 512)); bh0 = jnp.zeros((NTASK, 512), jnp.float32)
    Wh1 = _xavier(ks[6], (NTASK, 512, 256)); bh1 = jnp.zeros((NTASK, 256), jnp.float32)
    Wh2 = _xavier(ks[7], (NTASK, 256, 1)); bh2 = jnp.zeros((NTASK, 1), jnp.float32)
    return dict(x=x, We0=We0, be0=be0, We1=We1, be1=be1, Wg=Wg, Wn=Wn,
                Wh0=Wh0, bh0=bh0, Wh1=Wh1, bh1=bh1, Wh2=Wh2, bh2=bh2)

def _forward(x, We0, be0, We1, be1, Wg, Wn, Wh0, bh0, Wh1, bh1, Wh2, bh2):
    # all experts applied densely to every token (MMoE), then gate-weighted sum
    h = jax.nn.relu(jnp.einsum('bd,edh->beh', x, We0) + be0[None, :, :])
    expert_outputs = jnp.einsum('beh,ehk->bek', h, We1) + be1[None, :, :]  # (B, E, H)
    eps_key = jax.random.key(42)
    task_outs = []
    for i in range(NTASK):
        mean = x @ Wg[i]                                   # (B, E)
        std = jax.nn.softplus(x @ Wn[i])
        eps = jax.random.normal(jax.random.fold_in(eps_key, i), mean.shape, mean.dtype)
        noisy = mean + eps * std                           # noisy top-k gating
        top_vals, _ = jax.lax.top_k(noisy, TOPK + 1)
        k_largest = top_vals[:, TOPK - 1][:, None]
        k_next = top_vals[:, TOPK][:, None]
        routing = jnp.where(noisy < k_largest, -1e30, noisy)
        is_kth = noisy == k_largest
        thr = jnp.where(is_kth, k_next, k_largest)
        z = (thr - mean) / (std + 1e-9)
        i_prob = jax.scipy.stats.norm.cdf(-z)              # load (side output, unused)
        g = jax.nn.softmax(routing, axis=1)                # (B, E)
        go = jnp.sum(g[:, :, None] * expert_outputs, axis=1)  # (B, H)
        t = jax.nn.relu(go @ Wh0[i] + bh0[i])
        t = jax.nn.relu(t @ Wh1[i] + bh1[i])
        t = t @ Wh2[i] + bh2[i]                            # (B, 1)
        task_outs.append(t)
    return jnp.stack(task_outs, axis=0)                    # (NTASK, B, 1)

def reference(x, We0, be0, We1, be1, Wg, Wn, Wh0, bh0, Wh1, bh1, Wh2, bh2):
    return _forward(x, We0, be0, We1, be1, Wg, Wn, Wh0, bh0, Wh1, bh1, Wh2, bh2)

if __name__ == "__main__":
    import jax
    _d = setup_inputs()
    print(jax.jit(kernel)(*tuple(_d.values())))

</pallas_src>

<mosaic_0001>
#map = affine_map<(d0, d1) -> (0, 0)>
#map1 = affine_map<(d0, d1) -> (0)>
module attributes {stable_mosaic.version = 14 : i64} {
  func.func @k(%arg0: i32, %arg1: i32, %arg2: memref<4096x1024xi32, #tpu.memory_space<hbm>>, %arg3: memref<20480xi32, #tpu.memory_space<hbm>>, %arg4: memref<20480x1024xi32, #tpu.memory_space<hbm>>, %arg5: memref<32xi32, #tpu.memory_space<vmem>>, %arg6: memref<32xi32, #tpu.memory_space<vmem>>, %arg7: memref<32xi32, #tpu.memory_space<vmem>>, %arg8: memref<32x1024xi32, #tpu.memory_space<vmem>>, %arg9: memref<32x1024xi32, #tpu.memory_space<vmem>>, %arg10: memref<32x1024xi32, #tpu.memory_space<vmem>>, %arg11: memref<!tpu.dma_semaphore, #tpu.memory_space<semaphore_mem>>, %arg12: memref<!tpu.dma_semaphore, #tpu.memory_space<semaphore_mem>>) attributes {dimension_semantics = [#tpu.dimension_semantics<core_parallel>, #tpu.dimension_semantics<subcore_parallel>], iteration_bounds = array<i64: 2, 16>, scalar_prefetch = 0 : i64, scratch_operands = 8 : i64, tpu.core_type = #tpu.core_type<sc_vector_subcore>, window_params = [{transform_indices = #map}, {transform_indices = #map1}, {transform_indices = #map}]} {
    %mul3A = arith.constant 2 : i32
    %mul3A_0 = arith.muli %arg1, %mul3A : i32
    %add3A = arith.addi %mul3A_0, %arg0 : i32
    %mul3A_1 = arith.constant 640 : i32
    %mul3A_2 = arith.muli %add3A, %mul3A_1 : i32
    %scan3A = arith.constant 0 : i32
    %scan3A_3 = arith.constant 0 : i32
    %scan3A_4 = arith.constant 6 : i32
    %scan3A_5 = arith.addi %scan3A_3, %scan3A_4 : i32
    %scan3A_6 = arith.constant 1 : i32
    scf.for %scan3A_64 = %scan3A_3 to %scan3A_5 step %scan3A_6  : i32 {
      %mul3A_65 = arith.constant 3 : i32
      %mul3A_66 = arith.muli %scan3A_64, %mul3A_65 : i32
      %add3A_67 = arith.constant 0 : i32
      %add3A_68 = arith.addi %mul3A_66, %add3A_67 : i32
      %sub3A = arith.constant 3 : i32
      %sub3A_69 = arith.subi %add3A_68, %sub3A : i32
      %ge3A = arith.constant 0 : i32
      %ge3A_70 = arith.cmpi sge, %sub3A_69, %ge3A : i32
      %convert_element_type3A = arith.extui %ge3A_70 : i1 to i32
      %cond3A = arith.constant 0 : i32
      %cond3A_71 = arith.cmpi ne, %convert_element_type3A, %cond3A : i32
      scf.if %cond3A_71 {
        %mul3A_142 = arith.constant 32 : i32
        %mul3A_143 = arith.muli %sub3A_69, %mul3A_142 : i32
        %add3A_144 = arith.addi %mul3A_2, %mul3A_143 : i32
        %dma_wait3A_145 = arith.constant 0 : i32
        %dma_wait3A_146 = tpu.memref_slice %arg4[%add3A_144, %dma_wait3A_145] : memref<20480x1024xi32, #tpu.memory_space<hbm>> -> memref<32x1024xi32, #tpu.memory_space<hbm>>
        %dma_wait3A_147 = arith.constant 0 : i32
        %dma_wait3A_148 = tpu.memref_slice %arg4[%add3A_144, %dma_wait3A_147] : memref<20480x1024xi32, #tpu.memory_space<hbm>> -> memref<32x1024xi32, #tpu.memory_space<hbm>>
        tpu.wait_dma2 semaphore(%arg12 : memref<!tpu.dma_semaphore, #tpu.memory_space<semaphore_mem>>) src(%arg8 : memref<32x1024xi32, #tpu.memory_space<vmem>>) dst(%dma_wait3A_148 : memref<32x1024xi32, #tpu.memory_space<hbm>>)
      } else {
      }
      %mul3A_72 = arith.constant 32 : i32
      %mul3A_73 = arith.muli %add3A_68, %mul3A_72 : i32
      %add3A_74 = arith.addi %mul3A_2, %mul3A_73 : i32
      "tpu.region"() ({
        %run_scoped3A = tpu.sem_alloc : memref<!tpu.dma_semaphore, #tpu.memory_space<semaphore_mem>>
        %dma_start3A_142 = tpu.memref_slice %arg3[%add3A_74] : memref<20480xi32, #tpu.memory_space<hbm>> -> memref<32xi32, #tpu.memory_space<hbm>>
        %dma_start3A_143 = tpu.memref_slice %arg3[%add3A_74] : memref<20480xi32, #tpu.memory_space<hbm>> -> memref<32xi32, #tpu.memory_space<hbm>>
        tpu.enqueue_dma source(%dma_start3A_143 : memref<32xi32, #tpu.memory_space<hbm>>) target(%arg5 : memref<32xi32, #tpu.memory_space<vmem>>) target_semaphore(%run_scoped3A : memref<!tpu.dma_semaphore, #tpu.memory_space<semaphore_mem>>)
        %dma_wait3A_144 = tpu.memref_slice %arg3[%add3A_74] : memref<20480xi32, #tpu.memory_space<hbm>> -> memref<32xi32, #tpu.memory_space<hbm>>
        %dma_wait3A_145 = tpu.memref_slice %arg3[%add3A_74] : memref<20480xi32, #tpu.memory_space<hbm>> -> memref<32xi32, #tpu.memory_space<hbm>>
        tpu.wait_dma2 semaphore(%run_scoped3A : memref<!tpu.dma_semaphore, #tpu.memory_space<semaphore_mem>>) src(%dma_wait3A_145 : memref<32xi32, #tpu.memory_space<hbm>>) dst(%arg5 : memref<32xi32, #tpu.memory_space<vmem>>)
        tpu.yield
      }) : () -> ()
      %dma_start3A_75 = arith.constant 0 : i32
      %dma_start3A_76 = arith.constant 0 : i32
      %dma_start3A_77 = tpu.memref_slice %arg2[%dma_start3A_75, %dma_start3A_76] : memref<4096x1024xi32, #tpu.memory_space<hbm>> -> memref<4096x1024xi32, #tpu.memory_space<hbm>>
      tpu.enqueue_indirect_dma source(%dma_start3A_77 : memref<4096x1024xi32, #tpu.memory_space<hbm>>) target(%arg8 : memref<32x1024xi32, #tpu.memory_space<vmem>>) offsets(%arg5 : memref<32xi32, #tpu.memory_space<vmem>>) semaphore(%arg11 : memref<!tpu.dma_semaphore, #tpu.memory_space<semaphore_mem>>)
      %dma_wait3A_78 = arith.constant 0 : i32
      %dma_wait3A_79 = arith.constant 0 : i32
      %dma_wait3A_80 = tpu.memref_slice %arg2[%dma_wait3A_78, %dma_wait3A_79] : memref<4096x1024xi32, #tpu.memory_space<hbm>> -> memref<4096x1024xi32, #tpu.memory_space<hbm>>
      tpu.wait_indirect_dma semaphore(%arg11 : memref<!tpu.dma_semaphore, #tpu.memory_space<semaphore_mem>>) src(%dma_wait3A_80 : memref<4096x1024xi32, #tpu.memory_space<hbm>>) dst(%arg8 : memref<32x1024xi32, #tpu.memory_space<vmem>>)
      %mul3A_81 = arith.constant 32 : i32
      %mul3A_82 = arith.muli %add3A_68, %mul3A_81 : i32
      %add3A_83 = arith.addi %mul3A_2, %mul3A_82 : i32
      %dma_start3A_84 = arith.constant 0 : i32
      %dma_start3A_85 = tpu.memref_slice %arg4[%add3A_83, %dma_start3A_84] : memref<20480x1024xi32, #tpu.memory_space<hbm>> -> memref<32x1024xi32, #tpu.memory_space<hbm>>
      %dma_start3A_86 = arith.constant 0 : i32
      %dma_start3A_87 = tpu.memref_slice %arg4[%add3A_83, %dma_start3A_86] : memref<20480x1024xi32, #tpu.memory_space<hbm>> -> memref<32x1024xi32, #tpu.memory_space<hbm>>
      tpu.enqueue_dma source(%arg8 : memref<32x1024xi32, #tpu.memory_space<vmem>>) target(%dma_start3A_87 : memref<32x1024xi32, #tpu.memory_space<hbm>>) target_semaphore(%arg12 : memref<!tpu.dma_semaphore, #tpu.memory_space<semaphore_mem>>)
      %mul3A_88 = arith.constant 3 : i32
      %mul3A_89 = arith.muli %scan3A_64, %mul3A_88 : i32
      %add3A_90 = arith.constant 1 : i32
      %add3A_91 = arith.addi %mul3A_89, %add3A_90 : i32
      %sub3A_92 = arith.constant 3 : i32
      %sub3A_93 = arith.subi %add3A_91, %sub3A_92 : i32
      %ge3A_94 = arith.constant 0 : i32
      %ge3A_95 = arith.cmpi sge, %sub3A_93, %ge3A_94 : i32
      %convert_element_type3A_96 = arith.extui %ge3A_95 : i1 to i32
      %cond3A_97 = arith.constant 0 : i32
      %cond3A_98 = arith.cmpi ne, %convert_element_type3A_96, %cond3A_97 : i32
      scf.if %cond3A_98 {
        %mul3A_142 = arith.constant 32 : i32
        %mul3A_143 = arith.muli %sub3A_93, %mul3A_142 : i32
        %add3A_144 = arith.addi %mul3A_2, %mul3A_143 : i32
        %dma_wait3A_145 = arith.constant 0 : i32
        %dma_wait3A_146 = tpu.memref_slice %arg4[%add3A_144, %dma_wait3A_145] : memref<20480x1024xi32, #tpu.memory_space<hbm>> -> memref<32x1024xi32, #tpu.memory_space<hbm>>
        %dma_wait3A_147 = arith.constant 0 : i32
        %dma_wait3A_148 = tpu.memref_slice %arg4[%add3A_144, %dma_wait3A_147] : memref<20480x1024xi32, #tpu.memory_space<hbm>> -> memref<32x1024xi32, #tpu.memory_space<hbm>>
        tpu.wait_dma2 semaphore(%arg12 : memref<!tpu.dma_semaphore, #tpu.memory_space<semaphore_mem>>) src(%arg9 : memref<32x1024xi32, #tpu.memory_space<vmem>>) dst(%dma_wait3A_148 : memref<32x1024xi32, #tpu.memory_space<hbm>>)
      } else {
      }
      %mul3A_99 = arith.constant 32 : i32
      %mul3A_100 = arith.muli %add3A_91, %mul3A_99 : i32
      %add3A_101 = arith.addi %mul3A_2, %mul3A_100 : i32
      "tpu.region"() ({
        %run_scoped3A = tpu.sem_alloc : memref<!tpu.dma_semaphore, #tpu.memory_space<semaphore_mem>>
        %dma_start3A_142 = tpu.memref_slice %arg3[%add3A_101] : memref<20480xi32, #tpu.memory_space<hbm>> -> memref<32xi32, #tpu.memory_space<hbm>>
        %dma_start3A_143 = tpu.memref_slice %arg3[%add3A_101] : memref<20480xi32, #tpu.memory_space<hbm>> -> memref<32xi32, #tpu.memory_space<hbm>>
        tpu.enqueue_dma source(%dma_start3A_143 : memref<32xi32, #tpu.memory_space<hbm>>) target(%arg6 : memref<32xi32, #tpu.memory_space<vmem>>) target_semaphore(%run_scoped3A : memref<!tpu.dma_semaphore, #tpu.memory_space<semaphore_mem>>)
        %dma_wait3A_144 = tpu.memref_slice %arg3[%add3A_101] : memref<20480xi32, #tpu.memory_space<hbm>> -> memref<32xi32, #tpu.memory_space<hbm>>
        %dma_wait3A_145 = tpu.memref_slice %arg3[%add3A_101] : memref<20480xi32, #tpu.memory_space<hbm>> -> memref<32xi32, #tpu.memory_space<hbm>>
        tpu.wait_dma2 semaphore(%run_scoped3A : memref<!tpu.dma_semaphore, #tpu.memory_space<semaphore_mem>>) src(%dma_wait3A_145 : memref<32xi32, #tpu.memory_space<hbm>>) dst(%arg6 : memref<32xi32, #tpu.memory_space<vmem>>)
        tpu.yield
      }) : () -> ()
      %dma_start3A_102 = arith.constant 0 : i32
      %dma_start3A_103 = arith.constant 0 : i32
      %dma_start3A_104 = tpu.memref_slice %arg2[%dma_start3A_102, %dma_start3A_103] : memref<4096x1024xi32, #tpu.memory_space<hbm>> -> memref<4096x1024xi32, #tpu.memory_space<hbm>>
      tpu.enqueue_indirect_dma source(%dma_start3A_104 : memref<4096x1024xi32, #tpu.memory_space<hbm>>) target(%arg9 : memref<32x1024xi32, #tpu.memory_space<vmem>>) offsets(%arg6 : memref<32xi32, #tpu.memory_space<vmem>>) semaphore(%arg11 : memref<!tpu.dma_semaphore, #tpu.memory_space<semaphore_mem>>)
      %dma_wait3A_105 = arith.constant 0 : i32
      %dma_wait3A_106 = arith.constant 0 : i32
      %dma_wait3A_107 = tpu.memref_slice %arg2[%dma_wait3A_105, %dma_wait3A_106] : memref<4096x1024xi32, #tpu.memory_space<hbm>> -> memref<4096x1024xi32, #tpu.memory_space<hbm>>
      tpu.wait_indirect_dma semaphore(%arg11 : memref<!tpu.dma_semaphore, #tpu.memory_space<semaphore_mem>>) src(%dma_wait3A_107 : memref<4096x1024xi32, #tpu.memory_space<hbm>>) dst(%arg9 : memref<32x1024xi32, #tpu.memory_space<vmem>>)
      %mul3A_108 = arith.constant 32 : i32
      %mul3A_109 = arith.muli %add3A_91, %mul3A_108 : i32
      %add3A_110 = arith.addi %mul3A_2, %mul3A_109 : i32
      %dma_start3A_111 = arith.constant 0 : i32
      %dma_start3A_112 = tpu.memref_slice %arg4[%add3A_110, %dma_start3A_111] : memref<20480x1024xi32, #tpu.memory_space<hbm>> -> memref<32x1024xi32, #tpu.memory_space<hbm>>
      %dma_start3A_113 = arith.constant 0 : i32
      %dma_start3A_114 = tpu.memref_slice %arg4[%add3A_110, %dma_start3A_113] : memref<20480x1024xi32, #tpu.memory_space<hbm>> -> memref<32x1024xi32, #tpu.memory_space<hbm>>
      tpu.enqueue_dma source(%arg9 : memref<32x1024xi32, #tpu.memory_space<vmem>>) target(%dma_start3A_114 : memref<32x1024xi32, #tpu.memory_space<hbm>>) target_semaphore(%arg12 : memref<!tpu.dma_semaphore, #tpu.memory_space<semaphore_mem>>)
      %mul3A_115 = arith.constant 3 : i32
      %mul3A_116 = arith.muli %scan3A_64, %mul3A_115 : i32
      %add3A_117 = arith.constant 2 : i32
      %add3A_118 = arith.addi %mul3A_116, %add3A_117 : i32
      %sub3A_119 = arith.constant 3 : i32
      %sub3A_120 = arith.subi %add3A_118, %sub3A_119 : i32
      %ge3A_121 = arith.constant 0 : i32
      %ge3A_122 = arith.cmpi sge, %sub3A_120, %ge3A_121 : i32
      %convert_element_type3A_123 = arith.extui %ge3A_122 : i1 to i32
      %cond3A_124 = arith.constant 0 : i32
      %cond3A_125 = arith.cmpi ne, %convert_element_type3A_123, %cond3A_124 : i32
      scf.if %cond3A_125 {
        %mul3A_142 = arith.constant 32 : i32
        %mul3A_143 = arith.muli %sub3A_120, %mul3A_142 : i32
        %add3A_144 = arith.addi %mul3A_2, %mul3A_143 : i32
        %dma_wait3A_145 = arith.constant 0 : i32
        %dma_wait3A_146 = tpu.memref_slice %arg4[%add3A_144, %dma_wait3A_145] : memref<20480x1024xi32, #tpu.memory_space<hbm>> -> memref<32x1024xi32, #tpu.memory_space<hbm>>
        %dma_wait3A_147 = arith.constant 0 : i32
        %dma_wait3A_148 = tpu.memref_slice %arg4[%add3A_144, %dma_wait3A_147] : memref<20480x1024xi32, #tpu.memory_space<hbm>> -> memref<32x1024xi32, #tpu.memory_space<hbm>>
        tpu.wait_dma2 semaphore(%arg12 : memref<!tpu.dma_semaphore, #tpu.memory_space<semaphore_mem>>) src(%arg10 : memref<32x1024xi32, #tpu.memory_space<vmem>>) dst(%dma_wait3A_148 : memref<32x1024xi32, #tpu.memory_space<hbm>>)
      } else {
      }
      %mul3A_126 = arith.constant 32 : i32
      %mul3A_127 = arith.muli %add3A_118, %mul3A_126 : i32
      %add3A_128 = arith.addi %mul3A_2, %mul3A_127 : i32
      "tpu.region"() ({
        %run_scoped3A = tpu.sem_alloc : memref<!tpu.dma_semaphore, #tpu.memory_space<semaphore_mem>>
        %dma_start3A_142 = tpu.memref_slice %arg3[%add3A_128] : memref<20480xi32, #tpu.memory_space<hbm>> -> memref<32xi32, #tpu.memory_space<hbm>>
        %dma_start3A_143 = tpu.memref_slice %arg3[%add3A_128] : memref<20480xi32, #tpu.memory_space<hbm>> -> memref<32xi32, #tpu.memory_space<hbm>>
        tpu.enqueue_dma source(%dma_start3A_143 : memref<32xi32, #tpu.memory_space<hbm>>) target(%arg7 : memref<32xi32, #tpu.memory_space<vmem>>) target_semaphore(%run_scoped3A : memref<!tpu.dma_semaphore, #tpu.memory_space<semaphore_mem>>)
        %dma_wait3A_144 = tpu.memref_slice %arg3[%add3A_128] : memref<20480xi32, #tpu.memory_space<hbm>> -> memref<32xi32, #tpu.memory_space<hbm>>
        %dma_wait3A_145 = tpu.memref_slice %arg3[%add3A_128] : memref<20480xi32, #tpu.memory_space<hbm>> -> memref<32xi32, #tpu.memory_space<hbm>>
        tpu.wait_dma2 semaphore(%run_scoped3A : memref<!tpu.dma_semaphore, #tpu.memory_space<semaphore_mem>>) src(%dma_wait3A_145 : memref<32xi32, #tpu.memory_space<hbm>>) dst(%arg7 : memref<32xi32, #tpu.memory_space<vmem>>)
        tpu.yield
      }) : () -> ()
      %dma_start3A_129 = arith.constant 0 : i32
      %dma_start3A_130 = arith.constant 0 : i32
      %dma_start3A_131 = tpu.memref_slice %arg2[%dma_start3A_129, %dma_start3A_130] : memref<4096x1024xi32, #tpu.memory_space<hbm>> -> memref<4096x1024xi32, #tpu.memory_space<hbm>>
      tpu.enqueue_indirect_dma source(%dma_start3A_131 : memref<4096x1024xi32, #tpu.memory_space<hbm>>) target(%arg10 : memref<32x1024xi32, #tpu.memory_space<vmem>>) offsets(%arg7 : memref<32xi32, #tpu.memory_space<vmem>>) semaphore(%arg11 : memref<!tpu.dma_semaphore, #tpu.memory_space<semaphore_mem>>)
      %dma_wait3A_132 = arith.constant 0 : i32
      %dma_wait3A_133 = arith.constant 0 : i32
      %dma_wait3A_134 = tpu.memref_slice %arg2[%dma_wait3A_132, %dma_wait3A_133] : memref<4096x1024xi32, #tpu.memory_space<hbm>> -> memref<4096x1024xi32, #tpu.memory_space<hbm>>
      tpu.wait_indirect_dma semaphore(%arg11 : memref<!tpu.dma_semaphore, #tpu.memory_space<semaphore_mem>>) src(%dma_wait3A_134 : memref<4096x1024xi32, #tpu.memory_space<hbm>>) dst(%arg10 : memref<32x1024xi32, #tpu.memory_space<vmem>>)
      %mul3A_135 = arith.constant 32 : i32
      %mul3A_136 = arith.muli %add3A_118, %mul3A_135 : i32
      %add3A_137 = arith.addi %mul3A_2, %mul3A_136 : i32
      %dma_start3A_138 = arith.constant 0 : i32
      %dma_start3A_139 = tpu.memref_slice %arg4[%add3A_137, %dma_start3A_138] : memref<20480x1024xi32, #tpu.memory_space<hbm>> -> memref<32x1024xi32, #tpu.memory_space<hbm>>
      %dma_start3A_140 = arith.constant 0 : i32
      %dma_start3A_141 = tpu.memref_slice %arg4[%add3A_137, %dma_start3A_140] : memref<20480x1024xi32, #tpu.memory_space<hbm>> -> memref<32x1024xi32, #tpu.memory_space<hbm>>
      tpu.enqueue_dma source(%arg10 : memref<32x1024xi32, #tpu.memory_space<vmem>>) target(%dma_start3A_141 : memref<32x1024xi32, #tpu.memory_space<hbm>>) target_semaphore(%arg12 : memref<!tpu.dma_semaphore, #tpu.memory_space<semaphore_mem>>)
    }
    %scan3A_7 = arith.constant 6 : i32
    %add3A_8 = arith.constant 480 : i32
    %add3A_9 = arith.addi %mul3A_2, %add3A_8 : i32
    %dma_wait3A = arith.constant 0 : i32
    %dma_wait3A_10 = tpu.memref_slice %arg4[%add3A_9, %dma_wait3A] : memref<20480x1024xi32, #tpu.memory_space<hbm>> -> memref<32x1024xi32, #tpu.memory_space<hbm>>
    %dma_wait3A_11 = arith.constant 0 : i32
    %dma_wait3A_12 = tpu.memref_slice %arg4[%add3A_9, %dma_wait3A_11] : memref<20480x1024xi32, #tpu.memory_space<hbm>> -> memref<32x1024xi32, #tpu.memory_space<hbm>>
    tpu.wait_dma2 semaphore(%arg12 : memref<!tpu.dma_semaphore, #tpu.memory_space<semaphore_mem>>) src(%arg8 : memref<32x1024xi32, #tpu.memory_space<vmem>>) dst(%dma_wait3A_12 : memref<32x1024xi32, #tpu.memory_space<hbm>>)
    %add3A_13 = arith.constant 576 : i32
    %add3A_14 = arith.addi %mul3A_2, %add3A_13 : i32
    "tpu.region"() ({
      %run_scoped3A = tpu.sem_alloc : memref<!tpu.dma_semaphore, #tpu.memory_space<semaphore_mem>>
      %dma_start3A_64 = tpu.memref_slice %arg3[%add3A_14] : memref<20480xi32, #tpu.memory_space<hbm>> -> memref<32xi32, #tpu.memory_space<hbm>>
      %dma_start3A_65 = tpu.memref_slice %arg3[%add3A_14] : memref<20480xi32, #tpu.memory_space<hbm>> -> memref<32xi32, #tpu.memory_space<hbm>>
      tpu.enqueue_dma source(%dma_start3A_65 : memref<32xi32, #tpu.memory_space<hbm>>) target(%arg5 : memref<32xi32, #tpu.memory_space<vmem>>) target_semaphore(%run_scoped3A : memref<!tpu.dma_semaphore, #tpu.memory_space<semaphore_mem>>)
      %dma_wait3A_66 = tpu.memref_slice %arg3[%add3A_14] : memref<20480xi32, #tpu.memory_space<hbm>> -> memref<32xi32, #tpu.memory_space<hbm>>
      %dma_wait3A_67 = tpu.memref_slice %arg3[%add3A_14] : memref<20480xi32, #tpu.memory_space<hbm>> -> memref<32xi32, #tpu.memory_space<hbm>>
      tpu.wait_dma2 semaphore(%run_scoped3A : memref<!tpu.dma_semaphore, #tpu.memory_space<semaphore_mem>>) src(%dma_wait3A_67 : memref<32xi32, #tpu.memory_space<hbm>>) dst(%arg5 : memref<32xi32, #tpu.memory_space<vmem>>)
      tpu.yield
    }) : () -> ()
    %dma_start3A = arith.constant 0 : i32
    %dma_start3A_15 = arith.constant 0 : i32
    %dma_start3A_16 = tpu.memref_slice %arg2[%dma_start3A, %dma_start3A_15] : memref<4096x1024xi32, #tpu.memory_space<hbm>> -> memref<4096x1024xi32, #tpu.memory_space<hbm>>
    tpu.enqueue_indirect_dma source(%dma_start3A_16 : memref<4096x1024xi32, #tpu.memory_space<hbm>>) target(%arg8 : memref<32x1024xi32, #tpu.memory_space<vmem>>) offsets(%arg5 : memref<32xi32, #tpu.memory_space<vmem>>) semaphore(%arg11 : memref<!tpu.dma_semaphore, #tpu.memory_space<semaphore_mem>>)
    %dma_wait3A_17 = arith.constant 0 : i32
    %dma_wait3A_18 = arith.constant 0 : i32
    %dma_wait3A_19 = tpu.memref_slice %arg2[%dma_wait3A_17, %dma_wait3A_18] : memref<4096x1024xi32, #tpu.memory_space<hbm>> -> memref<4096x1024xi32, #tpu.memory_space<hbm>>
    tpu.wait_indirect_dma semaphore(%arg11 : memref<!tpu.dma_semaphore, #tpu.memory_space<semaphore_mem>>) src(%dma_wait3A_19 : memref<4096x1024xi32, #tpu.memory_space<hbm>>) dst(%arg8 : memref<32x1024xi32, #tpu.memory_space<vmem>>)
    %add3A_20 = arith.constant 576 : i32
    %add3A_21 = arith.addi %mul3A_2, %add3A_20 : i32
    %dma_start3A_22 = arith.constant 0 : i32
    %dma_start3A_23 = tpu.memref_slice %arg4[%add3A_21, %dma_start3A_22] : memref<20480x1024xi32, #tpu.memory_space<hbm>> -> memref<32x1024xi32, #tpu.memory_space<hbm>>
    %dma_start3A_24 = arith.constant 0 : i32
    %dma_start3A_25 = tpu.memref_slice %arg4[%add3A_21, %dma_start3A_24] : memref<20480x1024xi32, #tpu.memory_space<hbm>> -> memref<32x1024xi32, #tpu.memory_space<hbm>>
    tpu.enqueue_dma source(%arg8 : memref<32x1024xi32, #tpu.memory_space<vmem>>) target(%dma_start3A_25 : memref<32x1024xi32, #tpu.memory_space<hbm>>) target_semaphore(%arg12 : memref<!tpu.dma_semaphore, #tpu.memory_space<semaphore_mem>>)
    %add3A_26 = arith.constant 512 : i32
    %add3A_27 = arith.addi %mul3A_2, %add3A_26 : i32
    %dma_wait3A_28 = arith.constant 0 : i32
    %dma_wait3A_29 = tpu.memref_slice %arg4[%add3A_27, %dma_wait3A_28] : memref<20480x1024xi32, #tpu.memory_space<hbm>> -> memref<32x1024xi32, #tpu.memory_space<hbm>>
    %dma_wait3A_30 = arith.constant 0 : i32
    %dma_wait3A_31 = tpu.memref_slice %arg4[%add3A_27, %dma_wait3A_30] : memref<20480x1024xi32, #tpu.memory_space<hbm>> -> memref<32x1024xi32, #tpu.memory_space<hbm>>
    tpu.wait_dma2 semaphore(%arg12 : memref<!tpu.dma_semaphore, #tpu.memory_space<semaphore_mem>>) src(%arg9 : memref<32x1024xi32, #tpu.memory_space<vmem>>) dst(%dma_wait3A_31 : memref<32x1024xi32, #tpu.memory_space<hbm>>)
    %add3A_32 = arith.constant 608 : i32
    %add3A_33 = arith.addi %mul3A_2, %add3A_32 : i32
    "tpu.region"() ({
      %run_scoped3A = tpu.sem_alloc : memref<!tpu.dma_semaphore, #tpu.memory_space<semaphore_mem>>
      %dma_start3A_64 = tpu.memref_slice %arg3[%add3A_33] : memref<20480xi32, #tpu.memory_space<hbm>> -> memref<32xi32, #tpu.memory_space<hbm>>
      %dma_start3A_65 = tpu.memref_slice %arg3[%add3A_33] : memref<20480xi32, #tpu.memory_space<hbm>> -> memref<32xi32, #tpu.memory_space<hbm>>
      tpu.enqueue_dma source(%dma_start3A_65 : memref<32xi32, #tpu.memory_space<hbm>>) target(%arg6 : memref<32xi32, #tpu.memory_space<vmem>>) target_semaphore(%run_scoped3A : memref<!tpu.dma_semaphore, #tpu.memory_space<semaphore_mem>>)
      %dma_wait3A_66 = tpu.memref_slice %arg3[%add3A_33] : memref<20480xi32, #tpu.memory_space<hbm>> -> memref<32xi32, #tpu.memory_space<hbm>>
      %dma_wait3A_67 = tpu.memref_slice %arg3[%add3A_33] : memref<20480xi32, #tpu.memory_space<hbm>> -> memref<32xi32, #tpu.memory_space<hbm>>
      tpu.wait_dma2 semaphore(%run_scoped3A : memref<!tpu.dma_semaphore, #tpu.memory_space<semaphore_mem>>) src(%dma_wait3A_67 : memref<32xi32, #tpu.memory_space<hbm>>) dst(%arg6 : memref<32xi32, #tpu.memory_space<vmem>>)
      tpu.yield
    }) : () -> ()
    %dma_start3A_34 = arith.constant 0 : i32
    %dma_start3A_35 = arith.constant 0 : i32
    %dma_start3A_36 = tpu.memref_slice %arg2[%dma_start3A_34, %dma_start3A_35] : memref<4096x1024xi32, #tpu.memory_space<hbm>> -> memref<4096x1024xi32, #tpu.memory_space<hbm>>
    tpu.enqueue_indirect_dma source(%dma_start3A_36 : memref<4096x1024xi32, #tpu.memory_space<hbm>>) target(%arg9 : memref<32x1024xi32, #tpu.memory_space<vmem>>) offsets(%arg6 : memref<32xi32, #tpu.memory_space<vmem>>) semaphore(%arg11 : memref<!tpu.dma_semaphore, #tpu.memory_space<semaphore_mem>>)
    %dma_wait3A_37 = arith.constant 0 : i32
    %dma_wait3A_38 = arith.constant 0 : i32
    %dma_wait3A_39 = tpu.memref_slice %arg2[%dma_wait3A_37, %dma_wait3A_38] : memref<4096x1024xi32, #tpu.memory_space<hbm>> -> memref<4096x1024xi32, #tpu.memory_space<hbm>>
    tpu.wait_indirect_dma semaphore(%arg11 : memref<!tpu.dma_semaphore, #tpu.memory_space<semaphore_mem>>) src(%dma_wait3A_39 : memref<4096x1024xi32, #tpu.memory_space<hbm>>) dst(%arg9 : memref<32x1024xi32, #tpu.memory_space<vmem>>)
    %add3A_40 = arith.constant 608 : i32
    %add3A_41 = arith.addi %mul3A_2, %add3A_40 : i32
    %dma_start3A_42 = arith.constant 0 : i32
    %dma_start3A_43 = tpu.memref_slice %arg4[%add3A_41, %dma_start3A_42] : memref<20480x1024xi32, #tpu.memory_space<hbm>> -> memref<32x1024xi32, #tpu.memory_space<hbm>>
    %dma_start3A_44 = arith.constant 0 : i32
    %dma_start3A_45 = tpu.memref_slice %arg4[%add3A_41, %dma_start3A_44] : memref<20480x1024xi32, #tpu.memory_space<hbm>> -> memref<32x1024xi32, #tpu.memory_space<hbm>>
    tpu.enqueue_dma source(%arg9 : memref<32x1024xi32, #tpu.memory_space<vmem>>) target(%dma_start3A_45 : memref<32x1024xi32, #tpu.memory_space<hbm>>) target_semaphore(%arg12 : memref<!tpu.dma_semaphore, #tpu.memory_space<semaphore_mem>>)
    %add3A_46 = arith.constant 544 : i32
    %add3A_47 = arith.addi %mul3A_2, %add3A_46 : i32
    %dma_wait3A_48 = arith.constant 0 : i32
    %dma_wait3A_49 = tpu.memref_slice %arg4[%add3A_47, %dma_wait3A_48] : memref<20480x1024xi32, #tpu.memory_space<hbm>> -> memref<32x1024xi32, #tpu.memory_space<hbm>>
    %dma_wait3A_50 = arith.constant 0 : i32
    %dma_wait3A_51 = tpu.memref_slice %arg4[%add3A_47, %dma_wait3A_50] : memref<20480x1024xi32, #tpu.memory_space<hbm>> -> memref<32x1024xi32, #tpu.memory_space<hbm>>
    tpu.wait_dma2 semaphore(%arg12 : memref<!tpu.dma_semaphore, #tpu.memory_space<semaphore_mem>>) src(%arg10 : memref<32x1024xi32, #tpu.memory_space<vmem>>) dst(%dma_wait3A_51 : memref<32x1024xi32, #tpu.memory_space<hbm>>)
    %add3A_52 = arith.constant 576 : i32
    %add3A_53 = arith.addi %mul3A_2, %add3A_52 : i32
    %dma_wait3A_54 = arith.constant 0 : i32
    %dma_wait3A_55 = tpu.memref_slice %arg4[%add3A_53, %dma_wait3A_54] : memref<20480x1024xi32, #tpu.memory_space<hbm>> -> memref<32x1024xi32, #tpu.memory_space<hbm>>
    %dma_wait3A_56 = arith.constant 0 : i32
    %dma_wait3A_57 = tpu.memref_slice %arg4[%add3A_53, %dma_wait3A_56] : memref<20480x1024xi32, #tpu.memory_space<hbm>> -> memref<32x1024xi32, #tpu.memory_space<hbm>>
    tpu.wait_dma2 semaphore(%arg12 : memref<!tpu.dma_semaphore, #tpu.memory_space<semaphore_mem>>) src(%arg8 : memref<32x1024xi32, #tpu.memory_space<vmem>>) dst(%dma_wait3A_57 : memref<32x1024xi32, #tpu.memory_space<hbm>>)
    %add3A_58 = arith.constant 608 : i32
    %add3A_59 = arith.addi %mul3A_2, %add3A_58 : i32
    %dma_wait3A_60 = arith.constant 0 : i32
    %dma_wait3A_61 = tpu.memref_slice %arg4[%add3A_59, %dma_wait3A_60] : memref<20480x1024xi32, #tpu.memory_space<hbm>> -> memref<32x1024xi32, #tpu.memory_space<hbm>>
    %dma_wait3A_62 = arith.constant 0 : i32
    %dma_wait3A_63 = tpu.memref_slice %arg4[%add3A_59, %dma_wait3A_62] : memref<20480x1024xi32, #tpu.memory_space<hbm>> -> memref<32x1024xi32, #tpu.memory_space<hbm>>
    tpu.wait_dma2 semaphore(%arg12 : memref<!tpu.dma_semaphore, #tpu.memory_space<semaphore_mem>>) src(%arg9 : memref<32x1024xi32, #tpu.memory_space<vmem>>) dst(%dma_wait3A_63 : memref<32x1024xi32, #tpu.memory_space<hbm>>)
    return
  }
}

#map = affine_map<(d0, d1) -> (0, 0)>
#map1 = affine_map<(d0, d1) -> (0)>
module attributes {stable_mosaic.version = 14 : i64} {
  func.func @k(%arg0: i32, %arg1: i32, %arg2: memref<20480x512xf32, #tpu.memory_space<hbm>>, %arg3: memref<16384xi32, #tpu.memory_space<hbm>>, %arg4: memref<16384x512xf32, #tpu.memory_space<hbm>>, %arg5: memref<64xi32, #tpu.memory_space<vmem>>, %arg6: memref<64xi32, #tpu.memory_space<vmem>>, %arg7: memref<64xi32, #tpu.memory_space<vmem>>, %arg8: memref<64x512xf32, #tpu.memory_space<vmem>>, %arg9: memref<64x512xf32, #tpu.memory_space<vmem>>, %arg10: memref<64x512xf32, #tpu.memory_space<vmem>>, %arg11: memref<!tpu.dma_semaphore, #tpu.memory_space<semaphore_mem>>, %arg12: memref<!tpu.dma_semaphore, #tpu.memory_space<semaphore_mem>>) attributes {dimension_semantics = [#tpu.dimension_semantics<core_parallel>, #tpu.dimension_semantics<subcore_parallel>], iteration_bounds = array<i64: 2, 16>, scalar_prefetch = 0 : i64, scratch_operands = 8 : i64, tpu.core_type = #tpu.core_type<sc_vector_subcore>, window_params = [{transform_indices = #map}, {transform_indices = #map1}, {transform_indices = #map}]} {
    %mul3A = arith.constant 2 : i32
    %mul3A_0 = arith.muli %arg1, %mul3A : i32
    %add3A = arith.addi %mul3A_0, %arg0 : i32
    %mul3A_1 = arith.constant 512 : i32
    %mul3A_2 = arith.muli %add3A, %mul3A_1 : i32
    %scan3A = arith.constant 0 : i32
    %scan3A_3 = arith.constant 0 : i32
    %scan3A_4 = arith.constant 2 : i32
    %scan3A_5 = arith.addi %scan3A_3, %scan3A_4 : i32
    %scan3A_6 = arith.constant 1 : i32
    scf.for %scan3A_64 = %scan3A_3 to %scan3A_5 step %scan3A_6  : i32 {
      %mul3A_65 = arith.constant 3 : i32
      %mul3A_66 = arith.muli %scan3A_64, %mul3A_65 : i32
      %add3A_67 = arith.constant 0 : i32
      %add3A_68 = arith.addi %mul3A_66, %add3A_67 : i32
      %sub3A = arith.constant 3 : i32
      %sub3A_69 = arith.subi %add3A_68, %sub3A : i32
      %ge3A = arith.constant 0 : i32
      %ge3A_70 = arith.cmpi sge, %sub3A_69, %ge3A : i32
      %convert_element_type3A = arith.extui %ge3A_70 : i1 to i32
      %cond3A = arith.constant 0 : i32
      %cond3A_71 = arith.cmpi ne, %convert_element_type3A, %cond3A : i32
      scf.if %cond3A_71 {
        %mul3A_142 = arith.constant 64 : i32
        %mul3A_143 = arith.muli %sub3A_69, %mul3A_142 : i32
        %add3A_144 = arith.addi %mul3A_2, %mul3A_143 : i32
        %dma_wait3A_145 = arith.constant 0 : i32
        %dma_wait3A_146 = tpu.memref_slice %arg4[%add3A_144, %dma_wait3A_145] : memref<16384x512xf32, #tpu.memory_space<hbm>> -> memref<64x512xf32, #tpu.memory_space<hbm>>
        %dma_wait3A_147 = arith.constant 0 : i32
        %dma_wait3A_148 = tpu.memref_slice %arg4[%add3A_144, %dma_wait3A_147] : memref<16384x512xf32, #tpu.memory_space<hbm>> -> memref<64x512xf32, #tpu.memory_space<hbm>>
        tpu.wait_dma2 semaphore(%arg12 : memref<!tpu.dma_semaphore, #tpu.memory_space<semaphore_mem>>) src(%arg8 : memref<64x512xf32, #tpu.memory_space<vmem>>) dst(%dma_wait3A_148 : memref<64x512xf32, #tpu.memory_space<hbm>>)
      } else {
      }
      %mul3A_72 = arith.constant 64 : i32
      %mul3A_73 = arith.muli %add3A_68, %mul3A_72 : i32
      %add3A_74 = arith.addi %mul3A_2, %mul3A_73 : i32
      "tpu.region"() ({
        %run_scoped3A = tpu.sem_alloc : memref<!tpu.dma_semaphore, #tpu.memory_space<semaphore_mem>>
        %dma_start3A_142 = tpu.memref_slice %arg3[%add3A_74] : memref<16384xi32, #tpu.memory_space<hbm>> -> memref<64xi32, #tpu.memory_space<hbm>>
        %dma_start3A_143 = tpu.memref_slice %arg3[%add3A_74] : memref<16384xi32, #tpu.memory_space<hbm>> -> memref<64xi32, #tpu.memory_space<hbm>>
        tpu.enqueue_dma source(%dma_start3A_143 : memref<64xi32, #tpu.memory_space<hbm>>) target(%arg5 : memref<64xi32, #tpu.memory_space<vmem>>) target_semaphore(%run_scoped3A : memref<!tpu.dma_semaphore, #tpu.memory_space<semaphore_mem>>)
        %dma_wait3A_144 = tpu.memref_slice %arg3[%add3A_74] : memref<16384xi32, #tpu.memory_space<hbm>> -> memref<64xi32, #tpu.memory_space<hbm>>
        %dma_wait3A_145 = tpu.memref_slice %arg3[%add3A_74] : memref<16384xi32, #tpu.memory_space<hbm>> -> memref<64xi32, #tpu.memory_space<hbm>>
        tpu.wait_dma2 semaphore(%run_scoped3A : memref<!tpu.dma_semaphore, #tpu.memory_space<semaphore_mem>>) src(%dma_wait3A_145 : memref<64xi32, #tpu.memory_space<hbm>>) dst(%arg5 : memref<64xi32, #tpu.memory_space<vmem>>)
        tpu.yield
      }) : () -> ()
      %dma_start3A_75 = arith.constant 0 : i32
      %dma_start3A_76 = arith.constant 0 : i32
      %dma_start3A_77 = tpu.memref_slice %arg2[%dma_start3A_75, %dma_start3A_76] : memref<20480x512xf32, #tpu.memory_space<hbm>> -> memref<20480x512xf32, #tpu.memory_space<hbm>>
      tpu.enqueue_indirect_dma source(%dma_start3A_77 : memref<20480x512xf32, #tpu.memory_space<hbm>>) target(%arg8 : memref<64x512xf32, #tpu.memory_space<vmem>>) offsets(%arg5 : memref<64xi32, #tpu.memory_space<vmem>>) semaphore(%arg11 : memref<!tpu.dma_semaphore, #tpu.memory_space<semaphore_mem>>)
      %dma_wait3A_78 = arith.constant 0 : i32
      %dma_wait3A_79 = arith.constant 0 : i32
      %dma_wait3A_80 = tpu.memref_slice %arg2[%dma_wait3A_78, %dma_wait3A_79] : memref<20480x512xf32, #tpu.memory_space<hbm>> -> memref<20480x512xf32, #tpu.memory_space<hbm>>
      tpu.wait_indirect_dma semaphore(%arg11 : memref<!tpu.dma_semaphore, #tpu.memory_space<semaphore_mem>>) src(%dma_wait3A_80 : memref<20480x512xf32, #tpu.memory_space<hbm>>) dst(%arg8 : memref<64x512xf32, #tpu.memory_space<vmem>>)
      %mul3A_81 = arith.constant 64 : i32
      %mul3A_82 = arith.muli %add3A_68, %mul3A_81 : i32
      %add3A_83 = arith.addi %mul3A_2, %mul3A_82 : i32
      %dma_start3A_84 = arith.constant 0 : i32
      %dma_start3A_85 = tpu.memref_slice %arg4[%add3A_83, %dma_start3A_84] : memref<16384x512xf32, #tpu.memory_space<hbm>> -> memref<64x512xf32, #tpu.memory_space<hbm>>
      %dma_start3A_86 = arith.constant 0 : i32
      %dma_start3A_87 = tpu.memref_slice %arg4[%add3A_83, %dma_start3A_86] : memref<16384x512xf32, #tpu.memory_space<hbm>> -> memref<64x512xf32, #tpu.memory_space<hbm>>
      tpu.enqueue_dma source(%arg8 : memref<64x512xf32, #tpu.memory_space<vmem>>) target(%dma_start3A_87 : memref<64x512xf32, #tpu.memory_space<hbm>>) target_semaphore(%arg12 : memref<!tpu.dma_semaphore, #tpu.memory_space<semaphore_mem>>)
      %mul3A_88 = arith.constant 3 : i32
      %mul3A_89 = arith.muli %scan3A_64, %mul3A_88 : i32
      %add3A_90 = arith.constant 1 : i32
      %add3A_91 = arith.addi %mul3A_89, %add3A_90 : i32
      %sub3A_92 = arith.constant 3 : i32
      %sub3A_93 = arith.subi %add3A_91, %sub3A_92 : i32
      %ge3A_94 = arith.constant 0 : i32
      %ge3A_95 = arith.cmpi sge, %sub3A_93, %ge3A_94 : i32
      %convert_element_type3A_96 = arith.extui %ge3A_95 : i1 to i32
      %cond3A_97 = arith.constant 0 : i32
      %cond3A_98 = arith.cmpi ne, %convert_element_type3A_96, %cond3A_97 : i32
      scf.if %cond3A_98 {
        %mul3A_142 = arith.constant 64 : i32
        %mul3A_143 = arith.muli %sub3A_93, %mul3A_142 : i32
        %add3A_144 = arith.addi %mul3A_2, %mul3A_143 : i32
        %dma_wait3A_145 = arith.constant 0 : i32
        %dma_wait3A_146 = tpu.memref_slice %arg4[%add3A_144, %dma_wait3A_145] : memref<16384x512xf32, #tpu.memory_space<hbm>> -> memref<64x512xf32, #tpu.memory_space<hbm>>
        %dma_wait3A_147 = arith.constant 0 : i32
        %dma_wait3A_148 = tpu.memref_slice %arg4[%add3A_144, %dma_wait3A_147] : memref<16384x512xf32, #tpu.memory_space<hbm>> -> memref<64x512xf32, #tpu.memory_space<hbm>>
        tpu.wait_dma2 semaphore(%arg12 : memref<!tpu.dma_semaphore, #tpu.memory_space<semaphore_mem>>) src(%arg9 : memref<64x512xf32, #tpu.memory_space<vmem>>) dst(%dma_wait3A_148 : memref<64x512xf32, #tpu.memory_space<hbm>>)
      } else {
      }
      %mul3A_99 = arith.constant 64 : i32
      %mul3A_100 = arith.muli %add3A_91, %mul3A_99 : i32
      %add3A_101 = arith.addi %mul3A_2, %mul3A_100 : i32
      "tpu.region"() ({
        %run_scoped3A = tpu.sem_alloc : memref<!tpu.dma_semaphore, #tpu.memory_space<semaphore_mem>>
        %dma_start3A_142 = tpu.memref_slice %arg3[%add3A_101] : memref<16384xi32, #tpu.memory_space<hbm>> -> memref<64xi32, #tpu.memory_space<hbm>>
        %dma_start3A_143 = tpu.memref_slice %arg3[%add3A_101] : memref<16384xi32, #tpu.memory_space<hbm>> -> memref<64xi32, #tpu.memory_space<hbm>>
        tpu.enqueue_dma source(%dma_start3A_143 : memref<64xi32, #tpu.memory_space<hbm>>) target(%arg6 : memref<64xi32, #tpu.memory_space<vmem>>) target_semaphore(%run_scoped3A : memref<!tpu.dma_semaphore, #tpu.memory_space<semaphore_mem>>)
        %dma_wait3A_144 = tpu.memref_slice %arg3[%add3A_101] : memref<16384xi32, #tpu.memory_space<hbm>> -> memref<64xi32, #tpu.memory_space<hbm>>
        %dma_wait3A_145 = tpu.memref_slice %arg3[%add3A_101] : memref<16384xi32, #tpu.memory_space<hbm>> -> memref<64xi32, #tpu.memory_space<hbm>>
        tpu.wait_dma2 semaphore(%run_scoped3A : memref<!tpu.dma_semaphore, #tpu.memory_space<semaphore_mem>>) src(%dma_wait3A_145 : memref<64xi32, #tpu.memory_space<hbm>>) dst(%arg6 : memref<64xi32, #tpu.memory_space<vmem>>)
        tpu.yield
      }) : () -> ()
      %dma_start3A_102 = arith.constant 0 : i32
      %dma_start3A_103 = arith.constant 0 : i32
      %dma_start3A_104 = tpu.memref_slice %arg2[%dma_start3A_102, %dma_start3A_103] : memref<20480x512xf32, #tpu.memory_space<hbm>> -> memref<20480x512xf32, #tpu.memory_space<hbm>>
      tpu.enqueue_indirect_dma source(%dma_start3A_104 : memref<20480x512xf32, #tpu.memory_space<hbm>>) target(%arg9 : memref<64x512xf32, #tpu.memory_space<vmem>>) offsets(%arg6 : memref<64xi32, #tpu.memory_space<vmem>>) semaphore(%arg11 : memref<!tpu.dma_semaphore, #tpu.memory_space<semaphore_mem>>)
      %dma_wait3A_105 = arith.constant 0 : i32
      %dma_wait3A_106 = arith.constant 0 : i32
      %dma_wait3A_107 = tpu.memref_slice %arg2[%dma_wait3A_105, %dma_wait3A_106] : memref<20480x512xf32, #tpu.memory_space<hbm>> -> memref<20480x512xf32, #tpu.memory_space<hbm>>
      tpu.wait_indirect_dma semaphore(%arg11 : memref<!tpu.dma_semaphore, #tpu.memory_space<semaphore_mem>>) src(%dma_wait3A_107 : memref<20480x512xf32, #tpu.memory_space<hbm>>) dst(%arg9 : memref<64x512xf32, #tpu.memory_space<vmem>>)
      %mul3A_108 = arith.constant 64 : i32
      %mul3A_109 = arith.muli %add3A_91, %mul3A_108 : i32
      %add3A_110 = arith.addi %mul3A_2, %mul3A_109 : i32
      %dma_start3A_111 = arith.constant 0 : i32
      %dma_start3A_112 = tpu.memref_slice %arg4[%add3A_110, %dma_start3A_111] : memref<16384x512xf32, #tpu.memory_space<hbm>> -> memref<64x512xf32, #tpu.memory_space<hbm>>
      %dma_start3A_113 = arith.constant 0 : i32
      %dma_start3A_114 = tpu.memref_slice %arg4[%add3A_110, %dma_start3A_113] : memref<16384x512xf32, #tpu.memory_space<hbm>> -> memref<64x512xf32, #tpu.memory_space<hbm>>
      tpu.enqueue_dma source(%arg9 : memref<64x512xf32, #tpu.memory_space<vmem>>) target(%dma_start3A_114 : memref<64x512xf32, #tpu.memory_space<hbm>>) target_semaphore(%arg12 : memref<!tpu.dma_semaphore, #tpu.memory_space<semaphore_mem>>)
      %mul3A_115 = arith.constant 3 : i32
      %mul3A_116 = arith.muli %scan3A_64, %mul3A_115 : i32
      %add3A_117 = arith.constant 2 : i32
      %add3A_118 = arith.addi %mul3A_116, %add3A_117 : i32
      %sub3A_119 = arith.constant 3 : i32
      %sub3A_120 = arith.subi %add3A_118, %sub3A_119 : i32
      %ge3A_121 = arith.constant 0 : i32
      %ge3A_122 = arith.cmpi sge, %sub3A_120, %ge3A_121 : i32
      %convert_element_type3A_123 = arith.extui %ge3A_122 : i1 to i32
      %cond3A_124 = arith.constant 0 : i32
      %cond3A_125 = arith.cmpi ne, %convert_element_type3A_123, %cond3A_124 : i32
      scf.if %cond3A_125 {
        %mul3A_142 = arith.constant 64 : i32
        %mul3A_143 = arith.muli %sub3A_120, %mul3A_142 : i32
        %add3A_144 = arith.addi %mul3A_2, %mul3A_143 : i32
        %dma_wait3A_145 = arith.constant 0 : i32
        %dma_wait3A_146 = tpu.memref_slice %arg4[%add3A_144, %dma_wait3A_145] : memref<16384x512xf32, #tpu.memory_space<hbm>> -> memref<64x512xf32, #tpu.memory_space<hbm>>
        %dma_wait3A_147 = arith.constant 0 : i32
        %dma_wait3A_148 = tpu.memref_slice %arg4[%add3A_144, %dma_wait3A_147] : memref<16384x512xf32, #tpu.memory_space<hbm>> -> memref<64x512xf32, #tpu.memory_space<hbm>>
        tpu.wait_dma2 semaphore(%arg12 : memref<!tpu.dma_semaphore, #tpu.memory_space<semaphore_mem>>) src(%arg10 : memref<64x512xf32, #tpu.memory_space<vmem>>) dst(%dma_wait3A_148 : memref<64x512xf32, #tpu.memory_space<hbm>>)
      } else {
      }
      %mul3A_126 = arith.constant 64 : i32
      %mul3A_127 = arith.muli %add3A_118, %mul3A_126 : i32
      %add3A_128 = arith.addi %mul3A_2, %mul3A_127 : i32
      "tpu.region"() ({
        %run_scoped3A = tpu.sem_alloc : memref<!tpu.dma_semaphore, #tpu.memory_space<semaphore_mem>>
        %dma_start3A_142 = tpu.memref_slice %arg3[%add3A_128] : memref<16384xi32, #tpu.memory_space<hbm>> -> memref<64xi32, #tpu.memory_space<hbm>>
        %dma_start3A_143 = tpu.memref_slice %arg3[%add3A_128] : memref<16384xi32, #tpu.memory_space<hbm>> -> memref<64xi32, #tpu.memory_space<hbm>>
        tpu.enqueue_dma source(%dma_start3A_143 : memref<64xi32, #tpu.memory_space<hbm>>) target(%arg7 : memref<64xi32, #tpu.memory_space<vmem>>) target_semaphore(%run_scoped3A : memref<!tpu.dma_semaphore, #tpu.memory_space<semaphore_mem>>)
        %dma_wait3A_144 = tpu.memref_slice %arg3[%add3A_128] : memref<16384xi32, #tpu.memory_space<hbm>> -> memref<64xi32, #tpu.memory_space<hbm>>
        %dma_wait3A_145 = tpu.memref_slice %arg3[%add3A_128] : memref<16384xi32, #tpu.memory_space<hbm>> -> memref<64xi32, #tpu.memory_space<hbm>>
        tpu.wait_dma2 semaphore(%run_scoped3A : memref<!tpu.dma_semaphore, #tpu.memory_space<semaphore_mem>>) src(%dma_wait3A_145 : memref<64xi32, #tpu.memory_space<hbm>>) dst(%arg7 : memref<64xi32, #tpu.memory_space<vmem>>)
        tpu.yield
      }) : () -> ()
      %dma_start3A_129 = arith.constant 0 : i32
      %dma_start3A_130 = arith.constant 0 : i32
      %dma_start3A_131 = tpu.memref_slice %arg2[%dma_start3A_129, %dma_start3A_130] : memref<20480x512xf32, #tpu.memory_space<hbm>> -> memref<20480x512xf32, #tpu.memory_space<hbm>>
      tpu.enqueue_indirect_dma source(%dma_start3A_131 : memref<20480x512xf32, #tpu.memory_space<hbm>>) target(%arg10 : memref<64x512xf32, #tpu.memory_space<vmem>>) offsets(%arg7 : memref<64xi32, #tpu.memory_space<vmem>>) semaphore(%arg11 : memref<!tpu.dma_semaphore, #tpu.memory_space<semaphore_mem>>)
      %dma_wait3A_132 = arith.constant 0 : i32
      %dma_wait3A_133 = arith.constant 0 : i32
      %dma_wait3A_134 = tpu.memref_slice %arg2[%dma_wait3A_132, %dma_wait3A_133] : memref<20480x512xf32, #tpu.memory_space<hbm>> -> memref<20480x512xf32, #tpu.memory_space<hbm>>
      tpu.wait_indirect_dma semaphore(%arg11 : memref<!tpu.dma_semaphore, #tpu.memory_space<semaphore_mem>>) src(%dma_wait3A_134 : memref<20480x512xf32, #tpu.memory_space<hbm>>) dst(%arg10 : memref<64x512xf32, #tpu.memory_space<vmem>>)
      %mul3A_135 = arith.constant 64 : i32
      %mul3A_136 = arith.muli %add3A_118, %mul3A_135 : i32
      %add3A_137 = arith.addi %mul3A_2, %mul3A_136 : i32
      %dma_start3A_138 = arith.constant 0 : i32
      %dma_start3A_139 = tpu.memref_slice %arg4[%add3A_137, %dma_start3A_138] : memref<16384x512xf32, #tpu.memory_space<hbm>> -> memref<64x512xf32, #tpu.memory_space<hbm>>
      %dma_start3A_140 = arith.constant 0 : i32
      %dma_start3A_141 = tpu.memref_slice %arg4[%add3A_137, %dma_start3A_140] : memref<16384x512xf32, #tpu.memory_space<hbm>> -> memref<64x512xf32, #tpu.memory_space<hbm>>
      tpu.enqueue_dma source(%arg10 : memref<64x512xf32, #tpu.memory_space<vmem>>) target(%dma_start3A_141 : memref<64x512xf32, #tpu.memory_space<hbm>>) target_semaphore(%arg12 : memref<!tpu.dma_semaphore, #tpu.memory_space<semaphore_mem>>)
    }
    %scan3A_7 = arith.constant 2 : i32
    %add3A_8 = arith.constant 192 : i32
    %add3A_9 = arith.addi %mul3A_2, %add3A_8 : i32
    %dma_wait3A = arith.constant 0 : i32
    %dma_wait3A_10 = tpu.memref_slice %arg4[%add3A_9, %dma_wait3A] : memref<16384x512xf32, #tpu.memory_space<hbm>> -> memref<64x512xf32, #tpu.memory_space<hbm>>
    %dma_wait3A_11 = arith.constant 0 : i32
    %dma_wait3A_12 = tpu.memref_slice %arg4[%add3A_9, %dma_wait3A_11] : memref<16384x512xf32, #tpu.memory_space<hbm>> -> memref<64x512xf32, #tpu.memory_space<hbm>>
    tpu.wait_dma2 semaphore(%arg12 : memref<!tpu.dma_semaphore, #tpu.memory_space<semaphore_mem>>) src(%arg8 : memref<64x512xf32, #tpu.memory_space<vmem>>) dst(%dma_wait3A_12 : memref<64x512xf32, #tpu.memory_space<hbm>>)
    %add3A_13 = arith.constant 384 : i32
    %add3A_14 = arith.addi %mul3A_2, %add3A_13 : i32
    "tpu.region"() ({
      %run_scoped3A = tpu.sem_alloc : memref<!tpu.dma_semaphore, #tpu.memory_space<semaphore_mem>>
      %dma_start3A_64 = tpu.memref_slice %arg3[%add3A_14] : memref<16384xi32, #tpu.memory_space<hbm>> -> memref<64xi32, #tpu.memory_space<hbm>>
      %dma_start3A_65 = tpu.memref_slice %arg3[%add3A_14] : memref<16384xi32, #tpu.memory_space<hbm>> -> memref<64xi32, #tpu.memory_space<hbm>>
      tpu.enqueue_dma source(%dma_start3A_65 : memref<64xi32, #tpu.memory_space<hbm>>) target(%arg5 : memref<64xi32, #tpu.memory_space<vmem>>) target_semaphore(%run_scoped3A : memref<!tpu.dma_semaphore, #tpu.memory_space<semaphore_mem>>)
      %dma_wait3A_66 = tpu.memref_slice %arg3[%add3A_14] : memref<16384xi32, #tpu.memory_space<hbm>> -> memref<64xi32, #tpu.memory_space<hbm>>
      %dma_wait3A_67 = tpu.memref_slice %arg3[%add3A_14] : memref<16384xi32, #tpu.memory_space<hbm>> -> memref<64xi32, #tpu.memory_space<hbm>>
      tpu.wait_dma2 semaphore(%run_scoped3A : memref<!tpu.dma_semaphore, #tpu.memory_space<semaphore_mem>>) src(%dma_wait3A_67 : memref<64xi32, #tpu.memory_space<hbm>>) dst(%arg5 : memref<64xi32, #tpu.memory_space<vmem>>)
      tpu.yield
    }) : () -> ()
    %dma_start3A = arith.constant 0 : i32
    %dma_start3A_15 = arith.constant 0 : i32
    %dma_start3A_16 = tpu.memref_slice %arg2[%dma_start3A, %dma_start3A_15] : memref<20480x512xf32, #tpu.memory_space<hbm>> -> memref<20480x512xf32, #tpu.memory_space<hbm>>
    tpu.enqueue_indirect_dma source(%dma_start3A_16 : memref<20480x512xf32, #tpu.memory_space<hbm>>) target(%arg8 : memref<64x512xf32, #tpu.memory_space<vmem>>) offsets(%arg5 : memref<64xi32, #tpu.memory_space<vmem>>) semaphore(%arg11 : memref<!tpu.dma_semaphore, #tpu.memory_space<semaphore_mem>>)
    %dma_wait3A_17 = arith.constant 0 : i32
    %dma_wait3A_18 = arith.constant 0 : i32
    %dma_wait3A_19 = tpu.memref_slice %arg2[%dma_wait3A_17, %dma_wait3A_18] : memref<20480x512xf32, #tpu.memory_space<hbm>> -> memref<20480x512xf32, #tpu.memory_space<hbm>>
    tpu.wait_indirect_dma semaphore(%arg11 : memref<!tpu.dma_semaphore, #tpu.memory_space<semaphore_mem>>) src(%dma_wait3A_19 : memref<20480x512xf32, #tpu.memory_space<hbm>>) dst(%arg8 : memref<64x512xf32, #tpu.memory_space<vmem>>)
    %add3A_20 = arith.constant 384 : i32
    %add3A_21 = arith.addi %mul3A_2, %add3A_20 : i32
    %dma_start3A_22 = arith.constant 0 : i32
    %dma_start3A_23 = tpu.memref_slice %arg4[%add3A_21, %dma_start3A_22] : memref<16384x512xf32, #tpu.memory_space<hbm>> -> memref<64x512xf32, #tpu.memory_space<hbm>>
    %dma_start3A_24 = arith.constant 0 : i32
    %dma_start3A_25 = tpu.memref_slice %arg4[%add3A_21, %dma_start3A_24] : memref<16384x512xf32, #tpu.memory_space<hbm>> -> memref<64x512xf32, #tpu.memory_space<hbm>>
    tpu.enqueue_dma source(%arg8 : memref<64x512xf32, #tpu.memory_space<vmem>>) target(%dma_start3A_25 : memref<64x512xf32, #tpu.memory_space<hbm>>) target_semaphore(%arg12 : memref<!tpu.dma_semaphore, #tpu.memory_space<semaphore_mem>>)
    %add3A_26 = arith.constant 256 : i32
    %add3A_27 = arith.addi %mul3A_2, %add3A_26 : i32
    %dma_wait3A_28 = arith.constant 0 : i32
    %dma_wait3A_29 = tpu.memref_slice %arg4[%add3A_27, %dma_wait3A_28] : memref<16384x512xf32, #tpu.memory_space<hbm>> -> memref<64x512xf32, #tpu.memory_space<hbm>>
    %dma_wait3A_30 = arith.constant 0 : i32
    %dma_wait3A_31 = tpu.memref_slice %arg4[%add3A_27, %dma_wait3A_30] : memref<16384x512xf32, #tpu.memory_space<hbm>> -> memref<64x512xf32, #tpu.memory_space<hbm>>
    tpu.wait_dma2 semaphore(%arg12 : memref<!tpu.dma_semaphore, #tpu.memory_space<semaphore_mem>>) src(%arg9 : memref<64x512xf32, #tpu.memory_space<vmem>>) dst(%dma_wait3A_31 : memref<64x512xf32, #tpu.memory_space<hbm>>)
    %add3A_32 = arith.constant 448 : i32
    %add3A_33 = arith.addi %mul3A_2, %add3A_32 : i32
    "tpu.region"() ({
      %run_scoped3A = tpu.sem_alloc : memref<!tpu.dma_semaphore, #tpu.memory_space<semaphore_mem>>
      %dma_start3A_64 = tpu.memref_slice %arg3[%add3A_33] : memref<16384xi32, #tpu.memory_space<hbm>> -> memref<64xi32, #tpu.memory_space<hbm>>
      %dma_start3A_65 = tpu.memref_slice %arg3[%add3A_33] : memref<16384xi32, #tpu.memory_space<hbm>> -> memref<64xi32, #tpu.memory_space<hbm>>
      tpu.enqueue_dma source(%dma_start3A_65 : memref<64xi32, #tpu.memory_space<hbm>>) target(%arg6 : memref<64xi32, #tpu.memory_space<vmem>>) target_semaphore(%run_scoped3A : memref<!tpu.dma_semaphore, #tpu.memory_space<semaphore_mem>>)
      %dma_wait3A_66 = tpu.memref_slice %arg3[%add3A_33] : memref<16384xi32, #tpu.memory_space<hbm>> -> memref<64xi32, #tpu.memory_space<hbm>>
      %dma_wait3A_67 = tpu.memref_slice %arg3[%add3A_33] : memref<16384xi32, #tpu.memory_space<hbm>> -> memref<64xi32, #tpu.memory_space<hbm>>
      tpu.wait_dma2 semaphore(%run_scoped3A : memref<!tpu.dma_semaphore, #tpu.memory_space<semaphore_mem>>) src(%dma_wait3A_67 : memref<64xi32, #tpu.memory_space<hbm>>) dst(%arg6 : memref<64xi32, #tpu.memory_space<vmem>>)
      tpu.yield
    }) : () -> ()
    %dma_start3A_34 = arith.constant 0 : i32
    %dma_start3A_35 = arith.constant 0 : i32
    %dma_start3A_36 = tpu.memref_slice %arg2[%dma_start3A_34, %dma_start3A_35] : memref<20480x512xf32, #tpu.memory_space<hbm>> -> memref<20480x512xf32, #tpu.memory_space<hbm>>
    tpu.enqueue_indirect_dma source(%dma_start3A_36 : memref<20480x512xf32, #tpu.memory_space<hbm>>) target(%arg9 : memref<64x512xf32, #tpu.memory_space<vmem>>) offsets(%arg6 : memref<64xi32, #tpu.memory_space<vmem>>) semaphore(%arg11 : memref<!tpu.dma_semaphore, #tpu.memory_space<semaphore_mem>>)
    %dma_wait3A_37 = arith.constant 0 : i32
    %dma_wait3A_38 = arith.constant 0 : i32
    %dma_wait3A_39 = tpu.memref_slice %arg2[%dma_wait3A_37, %dma_wait3A_38] : memref<20480x512xf32, #tpu.memory_space<hbm>> -> memref<20480x512xf32, #tpu.memory_space<hbm>>
    tpu.wait_indirect_dma semaphore(%arg11 : memref<!tpu.dma_semaphore, #tpu.memory_space<semaphore_mem>>) src(%dma_wait3A_39 : memref<20480x512xf32, #tpu.memory_space<hbm>>) dst(%arg9 : memref<64x512xf32, #tpu.memory_space<vmem>>)
    %add3A_40 = arith.constant 448 : i32
    %add3A_41 = arith.addi %mul3A_2, %add3A_40 : i32
    %dma_start3A_42 = arith.constant 0 : i32
    %dma_start3A_43 = tpu.memref_slice %arg4[%add3A_41, %dma_start3A_42] : memref<16384x512xf32, #tpu.memory_space<hbm>> -> memref<64x512xf32, #tpu.memory_space<hbm>>
    %dma_start3A_44 = arith.constant 0 : i32
    %dma_start3A_45 = tpu.memref_slice %arg4[%add3A_41, %dma_start3A_44] : memref<16384x512xf32, #tpu.memory_space<hbm>> -> memref<64x512xf32, #tpu.memory_space<hbm>>
    tpu.enqueue_dma source(%arg9 : memref<64x512xf32, #tpu.memory_space<vmem>>) target(%dma_start3A_45 : memref<64x512xf32, #tpu.memory_space<hbm>>) target_semaphore(%arg12 : memref<!tpu.dma_semaphore, #tpu.memory_space<semaphore_mem>>)
    %add3A_46 = arith.constant 320 : i32
    %add3A_47 = arith.addi %mul3A_2, %add3A_46 : i32
    %dma_wait3A_48 = arith.constant 0 : i32
    %dma_wait3A_49 = tpu.memref_slice %arg4[%add3A_47, %dma_wait3A_48] : memref<16384x512xf32, #tpu.memory_space<hbm>> -> memref<64x512xf32, #tpu.memory_space<hbm>>
    %dma_wait3A_50 = arith.constant 0 : i32
    %dma_wait3A_51 = tpu.memref_slice %arg4[%add3A_47, %dma_wait3A_50] : memref<16384x512xf32, #tpu.memory_space<hbm>> -> memref<64x512xf32, #tpu.memory_space<hbm>>
    tpu.wait_dma2 semaphore(%arg12 : memref<!tpu.dma_semaphore, #tpu.memory_space<semaphore_mem>>) src(%arg10 : memref<64x512xf32, #tpu.memory_space<vmem>>) dst(%dma_wait3A_51 : memref<64x512xf32, #tpu.memory_space<hbm>>)
    %add3A_52 = arith.constant 384 : i32
    %add3A_53 = arith.addi %mul3A_2, %add3A_52 : i32
    %dma_wait3A_54 = arith.constant 0 : i32
    %dma_wait3A_55 = tpu.memref_slice %arg4[%add3A_53, %dma_wait3A_54] : memref<16384x512xf32, #tpu.memory_space<hbm>> -> memref<64x512xf32, #tpu.memory_space<hbm>>
    %dma_wait3A_56 = arith.constant 0 : i32
    %dma_wait3A_57 = tpu.memref_slice %arg4[%add3A_53, %dma_wait3A_56] : memref<16384x512xf32, #tpu.memory_space<hbm>> -> memref<64x512xf32, #tpu.memory_space<hbm>>
    tpu.wait_dma2 semaphore(%arg12 : memref<!tpu.dma_semaphore, #tpu.memory_space<semaphore_mem>>) src(%arg8 : memref<64x512xf32, #tpu.memory_space<vmem>>) dst(%dma_wait3A_57 : memref<64x512xf32, #tpu.memory_space<hbm>>)
    %add3A_58 = arith.constant 448 : i32
    %add3A_59 = arith.addi %mul3A_2, %add3A_58 : i32
    %dma_wait3A_60 = arith.constant 0 : i32
    %dma_wait3A_61 = tpu.memref_slice %arg4[%add3A_59, %dma_wait3A_60] : memref<16384x512xf32, #tpu.memory_space<hbm>> -> memref<64x512xf32, #tpu.memory_space<hbm>>
    %dma_wait3A_62 = arith.constant 0 : i32
    %dma_wait3A_63 = tpu.memref_slice %arg4[%add3A_59, %dma_wait3A_62] : memref<16384x512xf32, #tpu.memory_space<hbm>> -> memref<64x512xf32, #tpu.memory_space<hbm>>
    tpu.wait_dma2 semaphore(%arg12 : memref<!tpu.dma_semaphore, #tpu.memory_space<semaphore_mem>>) src(%arg9 : memref<64x512xf32, #tpu.memory_space<vmem>>) dst(%dma_wait3A_63 : memref<64x512xf32, #tpu.memory_space<hbm>>)
    return
  }
}

module attributes {stable_mosaic.version = 14 : i64} {
  func.func @_gate_body(%arg0: i32, %arg1: memref<1024x2048xf32, #tpu.memory_space<vmem>>, %arg2: memref<2048x64xf32, #tpu.memory_space<vmem>>, %arg3: memref<2x1024x16xf32, #tpu.memory_space<vmem>>, %arg4: memref<2x1024x8xf32, #tpu.memory_space<vmem>>, %arg5: memref<1024x1024xi32, #tpu.memory_space<vmem>>) attributes {dimension_semantics = [#tpu.dimension_semantics<arbitrary>], iteration_bounds = array<i64: 4>, scalar_prefetch = 0 : i64, scratch_operands = 0 : i64, tpu.core_type = #tpu.core_type<tc>, window_params = [{transform_indices = @transform_0, window_bounds = array<i64: 1024, 2048>}, {pipeline_mode = #tpu.pipeline_mode<synchronous>, transform_indices = @transform_1, window_bounds = array<i64: 2048, 64>}, {transform_indices = @transform_2, window_bounds = array<i64: 2, 1024, 16>}, {transform_indices = @transform_3, window_bounds = array<i64: 2, 1024, 8>}, {transform_indices = @transform_4, window_bounds = array<i64: 1024, 1024>}]} {
    %get3A = arith.constant 0 : index
    %get3A_0 = arith.constant 0 : index
    %get3A_1 = vector.load %arg1[%get3A, %get3A_0] : memref<1024x2048xf32, #tpu.memory_space<vmem>>, vector<1024x2048xf32>
    %bitcast_convert_type3A = tpu.bitcast %get3A_1 : vector<1024x2048xf32> -> vector<1024x2048xi32>
    %add3A = arith.constant 32767 : i32
    %add3A_2 = vector.broadcast %add3A : i32 to vector<1024x2048xi32>
    %add3A_3 = arith.addi %bitcast_convert_type3A, %add3A_2 : vector<1024x2048xi32>
    %shift_right_arithmetic3A = arith.constant 16 : i32
    %shift_right_arithmetic3A_4 = vector.broadcast %shift_right_arithmetic3A : i32 to vector<1024x2048xi32>
    %shift_right_arithmetic3A_5 = arith.shrsi %bitcast_convert_type3A, %shift_right_arithmetic3A_4 : vector<1024x2048xi32>
    %and3A = arith.constant 1 : i32
    %and3A_6 = vector.broadcast %and3A : i32 to vector<1024x2048xi32>
    %and3A_7 = arith.andi %shift_right_arithmetic3A_5, %and3A_6 : vector<1024x2048xi32>
    %add3A_8 = arith.addi %add3A_3, %and3A_7 : vector<1024x2048xi32>
    %slice3A = vector.extract_strided_slice %add3A_8 {offsets = [0, 0], sizes = [1024, 1024], strides = [1, 1]} : vector<1024x2048xi32> to vector<1024x1024xi32>
    %and3A_9 = arith.constant -65536 : i32
    %and3A_10 = vector.broadcast %and3A_9 : i32 to vector<1024x1024xi32>
    %and3A_11 = arith.andi %slice3A, %and3A_10 : vector<1024x1024xi32>
    %slice3A_12 = vector.extract_strided_slice %add3A_8 {offsets = [0, 1024], sizes = [1024, 1024], strides = [1, 1]} : vector<1024x2048xi32> to vector<1024x1024xi32>
    %shift_right_logical3A = arith.constant 16 : i32
    %shift_right_logical3A_13 = vector.broadcast %shift_right_logical3A : i32 to vector<1024x1024xi32>
    %shift_right_logical3A_14 = arith.shrui %slice3A_12, %shift_right_logical3A_13 : vector<1024x1024xi32>
    %or3A = arith.ori %and3A_11, %shift_right_logical3A_14 : vector<1024x1024xi32>
    %swap3A = arith.constant 0 : index
    %swap3A_15 = arith.constant 0 : index
    %swap3A_16 = vector.load %arg5[%swap3A, %swap3A_15] : memref<1024x1024xi32, #tpu.memory_space<vmem>>, vector<1024x1024xi32>
    tpu.vector_store %arg5[%swap3A, %swap3A_15], %or3A {strides = array<i32>} : memref<1024x1024xi32, #tpu.memory_space<vmem>>, vector<1024x1024xi32>,
    %get3A_17 = arith.constant 0 : index
    %get3A_18 = arith.constant 0 : index
    %get3A_19 = vector.load %arg2[%get3A_17, %get3A_18] : memref<2048x64xf32, #tpu.memory_space<vmem>>, vector<2048x64xf32>
    %dot_general3A = arith.constant dense<0.000000e+00> : vector<1024x64xf32>
    %dot_general3A_20 = tpu.matmul %get3A_1, %get3A_19, %dot_general3A {dimension_numbers = #tpu.dot_dimension_numbers<[1], [0], [0], [1], [0, 0, 1, 1], [], []>, transpose_lhs_hint = false} : vector<1024x2048xf32>, vector<2048x64xf32>, vector<1024x64xf32> -> vector<1024x64xf32>
    %iota3A = tpu.iota {dimensions = array<i32: 1>} : vector<1024x16xi32>
    %iota3A_21 = tpu.iota {dimensions = array<i32: 1>} : vector<1024x8xi32>
    %slice3A_22 = vector.extract_strided_slice %dot_general3A_20 {offsets = [0, 0], sizes = [1024, 16], strides = [1, 1]} : vector<1024x64xf32> to vector<1024x16xf32>
    %slice3A_23 = vector.extract_strided_slice %dot_general3A_20 {offsets = [0, 32], sizes = [1024, 16], strides = [1, 1]} : vector<1024x64xf32> to vector<1024x16xf32>
    %max3A = arith.constant 0.000000e+00 : f32
    %max3A_24 = vector.broadcast %max3A : f32 to vector<1024x16xf32>
    %max3A_25 = arith.maximumf %slice3A_23, %max3A_24 : vector<1024x16xf32>
    %abs3A = math.absf %slice3A_23 : vector<1024x16xf32>
    %neg3A = arith.constant 0.000000e+00 : f32
    %neg3A_26 = vector.broadcast %neg3A : f32 to vector<1024x16xf32>
    %neg3A_27 = arith.subf %neg3A_26, %abs3A : vector<1024x16xf32>
    %exp3A = math.exp %neg3A_27 : vector<1024x16xf32>
    %log1p3A = math.log1p %exp3A : vector<1024x16xf32>
    %add3A_28 = arith.addf %max3A_25, %log1p3A : vector<1024x16xf32>
    %get3A_29 = arith.constant 0 : index
    %get3A_30 = arith.constant 0 : index
    %get3A_31 = arith.constant 0 : index
    %get3A_32 = vector.load %arg3[%get3A_29, %get3A_30, %get3A_31] : memref<2x1024x16xf32, #tpu.memory_space<vmem>>, vector<1x1024x16xf32>
    %get3A_33 = vector.shape_cast %get3A_32 : vector<1x1024x16xf32> to vector<1024x16xf32>
    %mul3A = arith.mulf %get3A_33, %add3A_28 : vector<1024x16xf32>
    %add3A_34 = arith.addf %slice3A_22, %mul3A : vector<1024x16xf32>
    %reduce_max3A = arith.constant dense<0xFF800000> : vector<1024xf32>
    %reduce_max3A_35 = vector.multi_reduction <maximumf>, %add3A_34, %reduce_max3A [1] : vector<1024x16xf32> to vector<1024xf32>
    %broadcast_in_dim3A = vector.shape_cast %reduce_max3A_35 : vector<1024xf32> to vector<1024x1xf32>
    %eq3A = vector.broadcast %broadcast_in_dim3A : vector<1024x1xf32> to vector<1024x16xf32>
    %eq3A_36 = arith.cmpf oeq, %add3A_34, %eq3A : vector<1024x16xf32>
    %jit3A = arith.constant 16 : i32
    %broadcast_in_dim3A_37 = vector.broadcast %jit3A : i32 to vector<1024x16xi32>
    %select_n3A = arith.select %eq3A_36, %iota3A, %broadcast_in_dim3A_37 : vector<1024x16xi1>, vector<1024x16xi32>
    %reduce_min3A = arith.constant dense<2147483647> : vector<1024xi32>
    %reduce_min3A_38 = vector.multi_reduction <minsi>, %select_n3A, %reduce_min3A [1] : vector<1024x16xi32> to vector<1024xi32>
    %broadcast_in_dim3A_39 = vector.shape_cast %reduce_min3A_38 : vector<1024xi32> to vector<1024x1xi32>
    %eq3A_40 = vector.broadcast %broadcast_in_dim3A_39 : vector<1024x1xi32> to vector<1024x16xi32>
    %eq3A_41 = arith.cmpi eq, %iota3A, %eq3A_40 : vector<1024x16xi32>
    %jit3A_42 = arith.constant 0xFF800000 : f32
    %broadcast_in_dim3A_43 = vector.broadcast %jit3A_42 : f32 to vector<1024x16xf32>
    %select_n3A_44 = arith.select %eq3A_41, %broadcast_in_dim3A_43, %add3A_34 : vector<1024x16xi1>, vector<1024x16xf32>
    %reduce_max3A_45 = arith.constant dense<0xFF800000> : vector<1024xf32>
    %reduce_max3A_46 = vector.multi_reduction <maximumf>, %select_n3A_44, %reduce_max3A_45 [1] : vector<1024x16xf32> to vector<1024xf32>
    %broadcast_in_dim3A_47 = vector.shape_cast %reduce_max3A_46 : vector<1024xf32> to vector<1024x1xf32>
    %eq3A_48 = vector.broadcast %broadcast_in_dim3A_47 : vector<1024x1xf32> to vector<1024x16xf32>
    %eq3A_49 = arith.cmpf oeq, %select_n3A_44, %eq3A_48 : vector<1024x16xf32>
    %jit3A_50 = arith.constant 16 : i32
    %broadcast_in_dim3A_51 = vector.broadcast %jit3A_50 : i32 to vector<1024x16xi32>
    %select_n3A_52 = arith.select %eq3A_49, %iota3A, %broadcast_in_dim3A_51 : vector<1024x16xi1>, vector<1024x16xi32>
    %reduce_min3A_53 = arith.constant dense<2147483647> : vector<1024xi32>
    %reduce_min3A_54 = vector.multi_reduction <minsi>, %select_n3A_52, %reduce_min3A_53 [1] : vector<1024x16xi32> to vector<1024xi32>
    %broadcast_in_dim3A_55 = vector.shape_cast %reduce_min3A_54 : vector<1024xi32> to vector<1024x1xi32>
    %sub3A = arith.subf %broadcast_in_dim3A_47, %broadcast_in_dim3A : vector<1024x1xf32>
    %exp3A_56 = math.exp %sub3A : vector<1024x1xf32>
    %add3A_57 = arith.constant 1.000000e+00 : f32
    %add3A_58 = vector.broadcast %add3A_57 : f32 to vector<1024x1xf32>
    %add3A_59 = arith.addf %add3A_58, %exp3A_56 : vector<1024x1xf32>
    %div3A = arith.constant 1.000000e+00 : f32
    %div3A_60 = vector.broadcast %div3A : f32 to vector<1024x1xf32>
    %div3A_61 = arith.divf %div3A_60, %add3A_59 : vector<1024x1xf32>
    %sub3A_62 = arith.constant 1.000000e+00 : f32
    %sub3A_63 = vector.broadcast %sub3A_62 : f32 to vector<1024x1xf32>
    %sub3A_64 = arith.subf %sub3A_63, %div3A_61 : vector<1024x1xf32>
    %eq3A_65 = arith.constant 0 : i32
    %eq3A_66 = vector.broadcast %eq3A_65 : i32 to vector<1024x8xi32>
    %eq3A_67 = arith.cmpi eq, %iota3A_21, %eq3A_66 : vector<1024x8xi32>
    %convert_element_type3A = arith.sitofp %broadcast_in_dim3A_39 : vector<1024x1xi32> to vector<1024x1xf32>
    %eq3A_68 = arith.constant 1 : i32
    %eq3A_69 = vector.broadcast %eq3A_68 : i32 to vector<1024x8xi32>
    %eq3A_70 = arith.cmpi eq, %iota3A_21, %eq3A_69 : vector<1024x8xi32>
    %convert_element_type3A_71 = arith.sitofp %broadcast_in_dim3A_55 : vector<1024x1xi32> to vector<1024x1xf32>
    %eq3A_72 = arith.constant 2 : i32
    %eq3A_73 = vector.broadcast %eq3A_72 : i32 to vector<1024x8xi32>
    %eq3A_74 = arith.cmpi eq, %iota3A_21, %eq3A_73 : vector<1024x8xi32>
    %eq3A_75 = arith.constant 3 : i32
    %eq3A_76 = vector.broadcast %eq3A_75 : i32 to vector<1024x8xi32>
    %eq3A_77 = arith.cmpi eq, %iota3A_21, %eq3A_76 : vector<1024x8xi32>
    %jit3A_78 = arith.constant 0.000000e+00 : f32
    %broadcast_in_dim3A_79 = vector.shape_cast %sub3A_64 : vector<1024x1xf32> to vector<1024x1xf32>
    %broadcast_in_dim3A_80 = vector.broadcast %broadcast_in_dim3A_79 : vector<1024x1xf32> to vector<1024x8xf32>
    %broadcast_in_dim3A_81 = vector.broadcast %jit3A_78 : f32 to vector<1024x8xf32>
    %select_n3A_82 = arith.select %eq3A_77, %broadcast_in_dim3A_80, %broadcast_in_dim3A_81 : vector<1024x8xi1>, vector<1024x8xf32>
    %broadcast_in_dim3A_83 = vector.shape_cast %div3A_61 : vector<1024x1xf32> to vector<1024x1xf32>
    %broadcast_in_dim3A_84 = vector.broadcast %broadcast_in_dim3A_83 : vector<1024x1xf32> to vector<1024x8xf32>
    %select_n3A_85 = arith.select %eq3A_74, %broadcast_in_dim3A_84, %select_n3A_82 : vector<1024x8xi1>, vector<1024x8xf32>
    %broadcast_in_dim3A_86 = vector.shape_cast %convert_element_type3A_71 : vector<1024x1xf32> to vector<1024x1xf32>
    %broadcast_in_dim3A_87 = vector.broadcast %broadcast_in_dim3A_86 : vector<1024x1xf32> to vector<1024x8xf32>
    %select_n3A_88 = arith.select %eq3A_70, %broadcast_in_dim3A_87, %select_n3A_85 : vector<1024x8xi1>, vector<1024x8xf32>
    %broadcast_in_dim3A_89 = vector.shape_cast %convert_element_type3A : vector<1024x1xf32> to vector<1024x1xf32>
    %broadcast_in_dim3A_90 = vector.broadcast %broadcast_in_dim3A_89 : vector<1024x1xf32> to vector<1024x8xf32>
    %select_n3A_91 = arith.select %eq3A_67, %broadcast_in_dim3A_90, %select_n3A_88 : vector<1024x8xi1>, vector<1024x8xf32>
    %swap3A_92 = arith.constant 0 : index
    %swap3A_93 = arith.constant 0 : index
    %swap3A_94 = arith.constant 0 : index
    %swap3A_95 = vector.load %arg4[%swap3A_92, %swap3A_93, %swap3A_94] : memref<2x1024x8xf32, #tpu.memory_space<vmem>>, vector<1x1024x8xf32>
    %swap3A_96 = vector.shape_cast %swap3A_95 : vector<1x1024x8xf32> to vector<1024x8xf32>
    %swap3A_97 = vector.shape_cast %select_n3A_91 : vector<1024x8xf32> to vector<1x1024x8xf32>
    tpu.vector_store %arg4[%swap3A_92, %swap3A_93, %swap3A_94], %swap3A_97 {strides = array<i32>} : memref<2x1024x8xf32, #tpu.memory_space<vmem>>, vector<1x1024x8xf32>,
    %slice3A_98 = vector.extract_strided_slice %dot_general3A_20 {offsets = [0, 16], sizes = [1024, 16], strides = [1, 1]} : vector<1024x64xf32> to vector<1024x16xf32>
    %slice3A_99 = vector.extract_strided_slice %dot_general3A_20 {offsets = [0, 48], sizes = [1024, 16], strides = [1, 1]} : vector<1024x64xf32> to vector<1024x16xf32>
    %max3A_100 = arith.constant 0.000000e+00 : f32
    %max3A_101 = vector.broadcast %max3A_100 : f32 to vector<1024x16xf32>
    %max3A_102 = arith.maximumf %slice3A_99, %max3A_101 : vector<1024x16xf32>
    %abs3A_103 = math.absf %slice3A_99 : vector<1024x16xf32>
    %neg3A_104 = arith.constant 0.000000e+00 : f32
    %neg3A_105 = vector.broadcast %neg3A_104 : f32 to vector<1024x16xf32>
    %neg3A_106 = arith.subf %neg3A_105, %abs3A_103 : vector<1024x16xf32>
    %exp3A_107 = math.exp %neg3A_106 : vector<1024x16xf32>
    %log1p3A_108 = math.log1p %exp3A_107 : vector<1024x16xf32>
    %add3A_109 = arith.addf %max3A_102, %log1p3A_108 : vector<1024x16xf32>
    %get3A_110 = arith.constant 1 : index
    %get3A_111 = arith.constant 0 : index
    %get3A_112 = arith.constant 0 : index
    %get3A_113 = vector.load %arg3[%get3A_110, %get3A_111, %get3A_112] : memref<2x1024x16xf32, #tpu.memory_space<vmem>>, vector<1x1024x16xf32>
    %get3A_114 = vector.shape_cast %get3A_113 : vector<1x1024x16xf32> to vector<1024x16xf32>
    %mul3A_115 = arith.mulf %get3A_114, %add3A_109 : vector<1024x16xf32>
    %add3A_116 = arith.addf %slice3A_98, %mul3A_115 : vector<1024x16xf32>
    %reduce_max3A_117 = arith.constant dense<0xFF800000> : vector<1024xf32>
    %reduce_max3A_118 = vector.multi_reduction <maximumf>, %add3A_116, %reduce_max3A_117 [1] : vector<1024x16xf32> to vector<1024xf32>
    %broadcast_in_dim3A_119 = vector.shape_cast %reduce_max3A_118 : vector<1024xf32> to vector<1024x1xf32>
    %eq3A_120 = vector.broadcast %broadcast_in_dim3A_119 : vector<1024x1xf32> to vector<1024x16xf32>
    %eq3A_121 = arith.cmpf oeq, %add3A_116, %eq3A_120 : vector<1024x16xf32>
    %jit3A_122 = arith.constant 16 : i32
    %broadcast_in_dim3A_123 = vector.broadcast %jit3A_122 : i32 to vector<1024x16xi32>
    %select_n3A_124 = arith.select %eq3A_121, %iota3A, %broadcast_in_dim3A_123 : vector<1024x16xi1>, vector<1024x16xi32>
    %reduce_min3A_125 = arith.constant dense<2147483647> : vector<1024xi32>
    %reduce_min3A_126 = vector.multi_reduction <minsi>, %select_n3A_124, %reduce_min3A_125 [1] : vector<1024x16xi32> to vector<1024xi32>
    %broadcast_in_dim3A_127 = vector.shape_cast %reduce_min3A_126 : vector<1024xi32> to vector<1024x1xi32>
    %eq3A_128 = vector.broadcast %broadcast_in_dim3A_127 : vector<1024x1xi32> to vector<1024x16xi32>
    %eq3A_129 = arith.cmpi eq, %iota3A, %eq3A_128 : vector<1024x16xi32>
    %jit3A_130 = arith.constant 0xFF800000 : f32
    %broadcast_in_dim3A_131 = vector.broadcast %jit3A_130 : f32 to vector<1024x16xf32>
    %select_n3A_132 = arith.select %eq3A_129, %broadcast_in_dim3A_131, %add3A_116 : vector<1024x16xi1>, vector<1024x16xf32>
    %reduce_max3A_133 = arith.constant dense<0xFF800000> : vector<1024xf32>
    %reduce_max3A_134 = vector.multi_reduction <maximumf>, %select_n3A_132, %reduce_max3A_133 [1] : vector<1024x16xf32> to vector<1024xf32>
    %broadcast_in_dim3A_135 = vector.shape_cast %reduce_max3A_134 : vector<1024xf32> to vector<1024x1xf32>
    %eq3A_136 = vector.broadcast %broadcast_in_dim3A_135 : vector<1024x1xf32> to vector<1024x16xf32>
    %eq3A_137 = arith.cmpf oeq, %select_n3A_132, %eq3A_136 : vector<1024x16xf32>
    %jit3A_138 = arith.constant 16 : i32
    %broadcast_in_dim3A_139 = vector.broadcast %jit3A_138 : i32 to vector<1024x16xi32>
    %select_n3A_140 = arith.select %eq3A_137, %iota3A, %broadcast_in_dim3A_139 : vector<1024x16xi1>, vector<1024x16xi32>
    %reduce_min3A_141 = arith.constant dense<2147483647> : vector<1024xi32>
    %reduce_min3A_142 = vector.multi_reduction <minsi>, %select_n3A_140, %reduce_min3A_141 [1] : vector<1024x16xi32> to vector<1024xi32>
    %broadcast_in_dim3A_143 = vector.shape_cast %reduce_min3A_142 : vector<1024xi32> to vector<1024x1xi32>
    %sub3A_144 = arith.subf %broadcast_in_dim3A_135, %broadcast_in_dim3A_119 : vector<1024x1xf32>
    %exp3A_145 = math.exp %sub3A_144 : vector<1024x1xf32>
    %add3A_146 = arith.constant 1.000000e+00 : f32
    %add3A_147 = vector.broadcast %add3A_146 : f32 to vector<1024x1xf32>
    %add3A_148 = arith.addf %add3A_147, %exp3A_145 : vector<1024x1xf32>
    %div3A_149 = arith.constant 1.000000e+00 : f32
    %div3A_150 = vector.broadcast %div3A_149 : f32 to vector<1024x1xf32>
    %div3A_151 = arith.divf %div3A_150, %add3A_148 : vector<1024x1xf32>
    %sub3A_152 = arith.constant 1.000000e+00 : f32
    %sub3A_153 = vector.broadcast %sub3A_152 : f32 to vector<1024x1xf32>
    %sub3A_154 = arith.subf %sub3A_153, %div3A_151 : vector<1024x1xf32>
    %eq3A_155 = arith.constant 0 : i32
    %eq3A_156 = vector.broadcast %eq3A_155 : i32 to vector<1024x8xi32>
    %eq3A_157 = arith.cmpi eq, %iota3A_21, %eq3A_156 : vector<1024x8xi32>
    %convert_element_type3A_158 = arith.sitofp %broadcast_in_dim3A_127 : vector<1024x1xi32> to vector<1024x1xf32>
    %eq3A_159 = arith.constant 1 : i32
    %eq3A_160 = vector.broadcast %eq3A_159 : i32 to vector<1024x8xi32>
    %eq3A_161 = arith.cmpi eq, %iota3A_21, %eq3A_160 : vector<1024x8xi32>
    %convert_element_type3A_162 = arith.sitofp %broadcast_in_dim3A_143 : vector<1024x1xi32> to vector<1024x1xf32>
    %eq3A_163 = arith.constant 2 : i32
    %eq3A_164 = vector.broadcast %eq3A_163 : i32 to vector<1024x8xi32>
    %eq3A_165 = arith.cmpi eq, %iota3A_21, %eq3A_164 : vector<1024x8xi32>
    %eq3A_166 = arith.constant 3 : i32
    %eq3A_167 = vector.broadcast %eq3A_166 : i32 to vector<1024x8xi32>
    %eq3A_168 = arith.cmpi eq, %iota3A_21, %eq3A_167 : vector<1024x8xi32>
    %jit3A_169 = arith.constant 0.000000e+00 : f32
    %broadcast_in_dim3A_170 = vector.shape_cast %sub3A_154 : vector<1024x1xf32> to vector<1024x1xf32>
    %broadcast_in_dim3A_171 = vector.broadcast %broadcast_in_dim3A_170 : vector<1024x1xf32> to vector<1024x8xf32>
    %broadcast_in_dim3A_172 = vector.broadcast %jit3A_169 : f32 to vector<1024x8xf32>
    %select_n3A_173 = arith.select %eq3A_168, %broadcast_in_dim3A_171, %broadcast_in_dim3A_172 : vector<1024x8xi1>, vector<1024x8xf32>
    %broadcast_in_dim3A_174 = vector.shape_cast %div3A_151 : vector<1024x1xf32> to vector<1024x1xf32>
    %broadcast_in_dim3A_175 = vector.broadcast %broadcast_in_dim3A_174 : vector<1024x1xf32> to vector<1024x8xf32>
    %select_n3A_176 = arith.select %eq3A_165, %broadcast_in_dim3A_175, %select_n3A_173 : vector<1024x8xi1>, vector<1024x8xf32>
    %broadcast_in_dim3A_177 = vector.shape_cast %convert_element_type3A_162 : vector<1024x1xf32> to vector<1024x1xf32>
    %broadcast_in_dim3A_178 = vector.broadcast %broadcast_in_dim3A_177 : vector<1024x1xf32> to vector<1024x8xf32>
    %select_n3A_179 = arith.select %eq3A_161, %broadcast_in_dim3A_178, %select_n3A_176 : vector<1024x8xi1>, vector<1024x8xf32>
    %broadcast_in_dim3A_180 = vector.shape_cast %convert_element_type3A_158 : vector<1024x1xf32> to vector<1024x1xf32>
    %broadcast_in_dim3A_181 = vector.broadcast %broadcast_in_dim3A_180 : vector<1024x1xf32> to vector<1024x8xf32>
    %select_n3A_182 = arith.select %eq3A_157, %broadcast_in_dim3A_181, %select_n3A_179 : vector<1024x8xi1>, vector<1024x8xf32>
    %swap3A_183 = arith.constant 1 : index
    %swap3A_184 = arith.constant 0 : index
    %swap3A_185 = arith.constant 0 : index
    %swap3A_186 = vector.load %arg4[%swap3A_183, %swap3A_184, %swap3A_185] : memref<2x1024x8xf32, #tpu.memory_space<vmem>>, vector<1x1024x8xf32>
    %swap3A_187 = vector.shape_cast %swap3A_186 : vector<1x1024x8xf32> to vector<1024x8xf32>
    %swap3A_188 = vector.shape_cast %select_n3A_182 : vector<1024x8xf32> to vector<1x1024x8xf32>
    tpu.vector_store %arg4[%swap3A_183, %swap3A_184, %swap3A_185], %swap3A_188 {strides = array<i32>} : memref<2x1024x8xf32, #tpu.memory_space<vmem>>, vector<1x1024x8xf32>,
    return
  }
  func.func @transform_0(%arg0: i32) -> (i32, i32) {
    %c0_i32 = arith.constant 0 : i32
    %c0_i32_0 = arith.constant 0 : i32
    return %arg0, %c0_i32 : i32, i32
  }
  func.func @transform_1(%arg0: i32) -> (i32, i32) {
    %c0_i32 = arith.constant 0 : i32
    %c0_i32_0 = arith.constant 0 : i32
    %c0_i32_1 = arith.constant 0 : i32
    return %c0_i32, %c0_i32_0 : i32, i32
  }
  func.func @transform_2(%arg0: i32) -> (i32, i32, i32) {
    %c0_i32 = arith.constant 0 : i32
    %c0_i32_0 = arith.constant 0 : i32
    %c0_i32_1 = arith.constant 0 : i32
    return %c0_i32, %arg0, %c0_i32_0 : i32, i32, i32
  }
  func.func @transform_3(%arg0: i32) -> (i32, i32, i32) {
    %c0_i32 = arith.constant 0 : i32
    %c0_i32_0 = arith.constant 0 : i32
    %c0_i32_1 = arith.constant 0 : i32
    return %c0_i32, %arg0, %c0_i32_0 : i32, i32, i32
  }
  func.func @transform_4(%arg0: i32) -> (i32, i32) {
    %c0_i32 = arith.constant 0 : i32
    %c0_i32_0 = arith.constant 0 : i32
    return %arg0, %c0_i32 : i32, i32
  }
}

module attributes {stable_mosaic.version = 14 : i64} {
  func.func @_grouped_body(%arg0: i32, %arg1: memref<80xi32, #tpu.memory_space<smem>>, %arg2: memref<256x1024xi32, #tpu.memory_space<vmem>>, %arg3: memref<1x2048x512xf32, #tpu.memory_space<vmem>>, %arg4: memref<1x1x512xf32, #tpu.memory_space<vmem>>, %arg5: memref<1x512x512xf32, #tpu.memory_space<vmem>>, %arg6: memref<1x1x512xf32, #tpu.memory_space<vmem>>, %arg7: memref<256x512xf32, #tpu.memory_space<vmem>>) attributes {dimension_semantics = [#tpu.dimension_semantics<arbitrary>], iteration_bounds = array<i64: 80>, scalar_prefetch = 1 : i64, scratch_operands = 0 : i64, tpu.core_type = #tpu.core_type<tc>, window_params = [{transform_indices = @transform_0, window_bounds = array<i64: 256, 1024>}, {transform_indices = @transform_1, window_bounds = array<i64: 1, 2048, 512>}, {transform_indices = @transform_2, window_bounds = array<i64: 1, 1, 512>}, {transform_indices = @transform_3, window_bounds = array<i64: 1, 512, 512>}, {transform_indices = @transform_4, window_bounds = array<i64: 1, 1, 512>}, {transform_indices = @transform_5, window_bounds = array<i64: 256, 512>}]} {
    %get3A = arith.constant 0 : index
    %get3A_0 = arith.constant 0 : index
    %get3A_1 = vector.load %arg2[%get3A, %get3A_0] : memref<256x1024xi32, #tpu.memory_space<vmem>>, vector<256x1024xi32>
    %and3A = arith.constant -65536 : i32
    %and3A_2 = vector.broadcast %and3A : i32 to vector<256x1024xi32>
    %and3A_3 = arith.andi %get3A_1, %and3A_2 : vector<256x1024xi32>
    %bitcast_convert_type3A = tpu.bitcast %and3A_3 : vector<256x1024xi32> -> vector<256x1024xf32>
    %convert_element_type3A = arith.truncf %bitcast_convert_type3A : vector<256x1024xf32> to vector<256x1024xbf16>
    %shift_left3A = arith.constant 16 : i32
    %shift_left3A_4 = vector.broadcast %shift_left3A : i32 to vector<256x1024xi32>
    %shift_left3A_5 = arith.shli %get3A_1, %shift_left3A_4 : vector<256x1024xi32>
    %bitcast_convert_type3A_6 = tpu.bitcast %shift_left3A_5 : vector<256x1024xi32> -> vector<256x1024xf32>
    %convert_element_type3A_7 = arith.truncf %bitcast_convert_type3A_6 : vector<256x1024xf32> to vector<256x1024xbf16>
    %get3A_8 = arith.constant 0 : index
    %get3A_9 = arith.constant 0 : index
    %get3A_10 = arith.constant 0 : index
    %get3A_11 = vector.load %arg3[%get3A_8, %get3A_9, %get3A_10] : memref<1x2048x512xf32, #tpu.memory_space<vmem>>, vector<1x2048x512xf32>
    %get3A_12 = vector.shape_cast %get3A_11 : vector<1x2048x512xf32> to vector<2048x512xf32>
    %convert_element_type3A_13 = arith.truncf %get3A_12 : vector<2048x512xf32> to vector<2048x512xbf16>
    %slice3A = vector.extract_strided_slice %convert_element_type3A_13 {offsets = [0, 0], sizes = [1024, 512], strides = [1, 1]} : vector<2048x512xbf16> to vector<1024x512xbf16>
    %dot_general3A = arith.constant dense<0.000000e+00> : vector<256x512xf32>
    %dot_general3A_14 = tpu.matmul %convert_element_type3A, %slice3A, %dot_general3A {dimension_numbers = #tpu.dot_dimension_numbers<[1], [0], [0], [1], [0, 0, 1, 1], [], []>, transpose_lhs_hint = false} : vector<256x1024xbf16>, vector<1024x512xbf16>, vector<256x512xf32> -> vector<256x512xf32>
    %slice3A_15 = vector.extract_strided_slice %convert_element_type3A_13 {offsets = [1024, 0], sizes = [1024, 512], strides = [1, 1]} : vector<2048x512xbf16> to vector<1024x512xbf16>
    %dot_general3A_16 = arith.constant dense<0.000000e+00> : vector<256x512xf32>
    %dot_general3A_17 = tpu.matmul %convert_element_type3A_7, %slice3A_15, %dot_general3A_16 {dimension_numbers = #tpu.dot_dimension_numbers<[1], [0], [0], [1], [0, 0, 1, 1], [], []>, transpose_lhs_hint = false} : vector<256x1024xbf16>, vector<1024x512xbf16>, vector<256x512xf32> -> vector<256x512xf32>
    %add3A = arith.addf %dot_general3A_14, %dot_general3A_17 : vector<256x512xf32>
    %get3A_18 = arith.constant 0 : index
    %get3A_19 = arith.constant 0 : index
    %get3A_20 = arith.constant 0 : index
    %get3A_21 = vector.load %arg4[%get3A_18, %get3A_19, %get3A_20] : memref<1x1x512xf32, #tpu.memory_space<vmem>>, vector<1x1x512xf32>
    %get3A_22 = vector.shape_cast %get3A_21 : vector<1x1x512xf32> to vector<1x512xf32>
    %add3A_23 = vector.broadcast %get3A_22 : vector<1x512xf32> to vector<256x512xf32>
    %add3A_24 = arith.addf %add3A, %add3A_23 : vector<256x512xf32>
    %max3A = arith.constant 0.000000e+00 : f32
    %max3A_25 = vector.broadcast %max3A : f32 to vector<256x512xf32>
    %max3A_26 = arith.maximumf %add3A_24, %max3A_25 : vector<256x512xf32>
    %convert_element_type3A_27 = arith.truncf %max3A_26 : vector<256x512xf32> to vector<256x512xbf16>
    %get3A_28 = arith.constant 0 : index
    %get3A_29 = arith.constant 0 : index
    %get3A_30 = arith.constant 0 : index
    %get3A_31 = vector.load %arg5[%get3A_28, %get3A_29, %get3A_30] : memref<1x512x512xf32, #tpu.memory_space<vmem>>, vector<1x512x512xf32>
    %get3A_32 = vector.shape_cast %get3A_31 : vector<1x512x512xf32> to vector<512x512xf32>
    %convert_element_type3A_33 = arith.truncf %get3A_32 : vector<512x512xf32> to vector<512x512xbf16>
    %dot_general3A_34 = arith.constant dense<0.000000e+00> : vector<256x512xf32>
    %dot_general3A_35 = tpu.matmul %convert_element_type3A_27, %convert_element_type3A_33, %dot_general3A_34 {dimension_numbers = #tpu.dot_dimension_numbers<[1], [0], [0], [1], [0, 0, 1, 1], [], []>, transpose_lhs_hint = false} : vector<256x512xbf16>, vector<512x512xbf16>, vector<256x512xf32> -> vector<256x512xf32>
    %get3A_36 = arith.constant 0 : index
    %get3A_37 = arith.constant 0 : index
    %get3A_38 = arith.constant 0 : index
    %get3A_39 = vector.load %arg6[%get3A_36, %get3A_37, %get3A_38] : memref<1x1x512xf32, #tpu.memory_space<vmem>>, vector<1x1x512xf32>
    %get3A_40 = vector.shape_cast %get3A_39 : vector<1x1x512xf32> to vector<1x512xf32>
    %add3A_41 = vector.broadcast %get3A_40 : vector<1x512xf32> to vector<256x512xf32>
    %add3A_42 = arith.addf %dot_general3A_35, %add3A_41 : vector<256x512xf32>
    %swap3A = arith.constant 0 : index
    %swap3A_43 = arith.constant 0 : index
    %swap3A_44 = vector.load %arg7[%swap3A, %swap3A_43] : memref<256x512xf32, #tpu.memory_space<vmem>>, vector<256x512xf32>
    tpu.vector_store %arg7[%swap3A, %swap3A_43], %add3A_42 {strides = array<i32>} : memref<256x512xf32, #tpu.memory_space<vmem>>, vector<256x512xf32>,
    return
  }
  func.func @transform_0(%arg0: i32, %arg1: memref<80xi32, #tpu.memory_space<smem>>) -> (i32, i32) {
    %c0_i32 = arith.constant 0 : i32
    %c0_i32_0 = arith.constant 0 : i32
    return %arg0, %c0_i32 : i32, i32
  }
  func.func @transform_1(%arg0: i32, %arg1: memref<80xi32, #tpu.memory_space<smem>>) -> (i32, i32, i32) {
    %get3A = arith.index_cast %arg0 : i32 to index
    %get3A_0 = memref.load %arg1[%get3A] : memref<80xi32, #tpu.memory_space<smem>>
    %c0_i32 = arith.constant 0 : i32
    %c0_i32_1 = arith.constant 0 : i32
    %c0_i32_2 = arith.constant 0 : i32
    return %get3A_0, %c0_i32, %c0_i32_1 : i32, i32, i32
  }
  func.func @transform_2(%arg0: i32, %arg1: memref<80xi32, #tpu.memory_space<smem>>) -> (i32, i32, i32) {
    %get3A = arith.index_cast %arg0 : i32 to index
    %get3A_0 = memref.load %arg1[%get3A] : memref<80xi32, #tpu.memory_space<smem>>
    %c0_i32 = arith.constant 0 : i32
    %c0_i32_1 = arith.constant 0 : i32
    %c0_i32_2 = arith.constant 0 : i32
    return %get3A_0, %c0_i32, %c0_i32_1 : i32, i32, i32
  }
  func.func @transform_3(%arg0: i32, %arg1: memref<80xi32, #tpu.memory_space<smem>>) -> (i32, i32, i32) {
    %get3A = arith.index_cast %arg0 : i32 to index
    %get3A_0 = memref.load %arg1[%get3A] : memref<80xi32, #tpu.memory_space<smem>>
    %c0_i32 = arith.constant 0 : i32
    %c0_i32_1 = arith.constant 0 : i32
    %c0_i32_2 = arith.constant 0 : i32
    return %get3A_0, %c0_i32, %c0_i32_1 : i32, i32, i32
  }
  func.func @transform_4(%arg0: i32, %arg1: memref<80xi32, #tpu.memory_space<smem>>) -> (i32, i32, i32) {
    %get3A = arith.index_cast %arg0 : i32 to index
    %get3A_0 = memref.load %arg1[%get3A] : memref<80xi32, #tpu.memory_space<smem>>
    %c0_i32 = arith.constant 0 : i32
    %c0_i32_1 = arith.constant 0 : i32
    %c0_i32_2 = arith.constant 0 : i32
    return %get3A_0, %c0_i32, %c0_i32_1 : i32, i32, i32
  }
  func.func @transform_5(%arg0: i32, %arg1: memref<80xi32, #tpu.memory_space<smem>>) -> (i32, i32) {
    %c0_i32 = arith.constant 0 : i32
    %c0_i32_0 = arith.constant 0 : i32
    return %arg0, %c0_i32 : i32, i32
  }
}

module attributes {stable_mosaic.version = 14 : i64} {
  func.func @_heads_body(%arg0: i32, %arg1: i32, %arg2: memref<2x1x2048x512xf32, #tpu.memory_space<vmem>>, %arg3: memref<1x2048x1xf32, #tpu.memory_space<vmem>>, %arg4: memref<1x2048x1xf32, #tpu.memory_space<vmem>>, %arg5: memref<1x512x512xf32, #tpu.memory_space<vmem>>, %arg6: memref<1x1x512xf32, #tpu.memory_space<vmem>>, %arg7: memref<1x512x256xf32, #tpu.memory_space<vmem>>, %arg8: memref<1x1x256xf32, #tpu.memory_space<vmem>>, %arg9: memref<1x256x1xf32, #tpu.memory_space<vmem>>, %arg10: memref<1x1x1xf32, #tpu.memory_space<vmem>>, %arg11: memref<1x2048x1xf32, #tpu.memory_space<vmem>>) attributes {dimension_semantics = [#tpu.dimension_semantics<arbitrary>, #tpu.dimension_semantics<arbitrary>], iteration_bounds = array<i64: 2, 2>, scalar_prefetch = 0 : i64, scratch_operands = 0 : i64, tpu.core_type = #tpu.core_type<tc>, window_params = [{transform_indices = @transform_0, window_bounds = array<i64: 2, 1, 2048, 512>}, {transform_indices = @transform_1, window_bounds = array<i64: 1, 2048, 1>}, {transform_indices = @transform_2, window_bounds = array<i64: 1, 2048, 1>}, {transform_indices = @transform_3, window_bounds = array<i64: 1, 512, 512>}, {transform_indices = @transform_4, window_bounds = array<i64: 1, 1, 512>}, {transform_indices = @transform_5, window_bounds = array<i64: 1, 512, 256>}, {transform_indices = @transform_6, window_bounds = array<i64: 1, 1, 256>}, {transform_indices = @transform_7, window_bounds = array<i64: 1, 256, 1>}, {transform_indices = @transform_8, window_bounds = array<i64: 1, 1, 1>}, {transform_indices = @transform_9, window_bounds = array<i64: 1, 2048, 1>}]} {
    %get3A = arith.constant 0 : index
    %get3A_0 = arith.constant 0 : index
    %get3A_1 = arith.constant 0 : index
    %get3A_2 = vector.load %arg3[%get3A, %get3A_0, %get3A_1] : memref<1x2048x1xf32, #tpu.memory_space<vmem>>, vector<1x2048x1xf32>
    %get3A_3 = vector.shape_cast %get3A_2 : vector<1x2048x1xf32> to vector<2048x1xf32>
    %get3A_4 = arith.constant 0 : index
    %get3A_5 = arith.constant 0 : index
    %get3A_6 = arith.constant 0 : index
    %get3A_7 = arith.constant 0 : index
    %get3A_8 = vector.load %arg2[%get3A_4, %get3A_5, %get3A_6, %get3A_7] : memref<2x1x2048x512xf32, #tpu.memory_space<vmem>>, vector<1x1x2048x512xf32>
    %get3A_9 = vector.shape_cast %get3A_8 : vector<1x1x2048x512xf32> to vector<2048x512xf32>
    %mul3A = vector.broadcast %get3A_3 : vector<2048x1xf32> to vector<2048x512xf32>
    %mul3A_10 = arith.mulf %mul3A, %get3A_9 : vector<2048x512xf32>
    %get3A_11 = arith.constant 0 : index
    %get3A_12 = arith.constant 0 : index
    %get3A_13 = arith.constant 0 : index
    %get3A_14 = vector.load %arg4[%get3A_11, %get3A_12, %get3A_13] : memref<1x2048x1xf32, #tpu.memory_space<vmem>>, vector<1x2048x1xf32>
    %get3A_15 = vector.shape_cast %get3A_14 : vector<1x2048x1xf32> to vector<2048x1xf32>
    %get3A_16 = arith.constant 1 : index
    %get3A_17 = arith.constant 0 : index
    %get3A_18 = arith.constant 0 : index
    %get3A_19 = arith.constant 0 : index
    %get3A_20 = vector.load %arg2[%get3A_16, %get3A_17, %get3A_18, %get3A_19] : memref<2x1x2048x512xf32, #tpu.memory_space<vmem>>, vector<1x1x2048x512xf32>
    %get3A_21 = vector.shape_cast %get3A_20 : vector<1x1x2048x512xf32> to vector<2048x512xf32>
    %mul3A_22 = vector.broadcast %get3A_15 : vector<2048x1xf32> to vector<2048x512xf32>
    %mul3A_23 = arith.mulf %mul3A_22, %get3A_21 : vector<2048x512xf32>
    %add3A = arith.addf %mul3A_10, %mul3A_23 : vector<2048x512xf32>
    %get3A_24 = arith.constant 0 : index
    %get3A_25 = arith.constant 0 : index
    %get3A_26 = arith.constant 0 : index
    %get3A_27 = vector.load %arg5[%get3A_24, %get3A_25, %get3A_26] : memref<1x512x512xf32, #tpu.memory_space<vmem>>, vector<1x512x512xf32>
    %get3A_28 = vector.shape_cast %get3A_27 : vector<1x512x512xf32> to vector<512x512xf32>
    %dot_general3A = arith.constant dense<0.000000e+00> : vector<2048x512xf32>
    %dot_general3A_29 = tpu.matmul %add3A, %get3A_28, %dot_general3A {dimension_numbers = #tpu.dot_dimension_numbers<[1], [0], [0], [1], [0, 0, 1, 1], [], []>, transpose_lhs_hint = false} : vector<2048x512xf32>, vector<512x512xf32>, vector<2048x512xf32> -> vector<2048x512xf32>
    %get3A_30 = arith.constant 0 : index
    %get3A_31 = arith.constant 0 : index
    %get3A_32 = arith.constant 0 : index
    %get3A_33 = vector.load %arg6[%get3A_30, %get3A_31, %get3A_32] : memref<1x1x512xf32, #tpu.memory_space<vmem>>, vector<1x1x512xf32>
    %get3A_34 = vector.shape_cast %get3A_33 : vector<1x1x512xf32> to vector<1x512xf32>
    %add3A_35 = vector.broadcast %get3A_34 : vector<1x512xf32> to vector<2048x512xf32>
    %add3A_36 = arith.addf %dot_general3A_29, %add3A_35 : vector<2048x512xf32>
    %max3A = arith.constant 0.000000e+00 : f32
    %max3A_37 = vector.broadcast %max3A : f32 to vector<2048x512xf32>
    %max3A_38 = arith.maximumf %add3A_36, %max3A_37 : vector<2048x512xf32>
    %get3A_39 = arith.constant 0 : index
    %get3A_40 = arith.constant 0 : index
    %get3A_41 = arith.constant 0 : index
    %get3A_42 = vector.load %arg7[%get3A_39, %get3A_40, %get3A_41] : memref<1x512x256xf32, #tpu.memory_space<vmem>>, vector<1x512x256xf32>
    %get3A_43 = vector.shape_cast %get3A_42 : vector<1x512x256xf32> to vector<512x256xf32>
    %dot_general3A_44 = arith.constant dense<0.000000e+00> : vector<2048x256xf32>
    %dot_general3A_45 = tpu.matmul %max3A_38, %get3A_43, %dot_general3A_44 {dimension_numbers = #tpu.dot_dimension_numbers<[1], [0], [0], [1], [0, 0, 1, 1], [], []>, transpose_lhs_hint = false} : vector<2048x512xf32>, vector<512x256xf32>, vector<2048x256xf32> -> vector<2048x256xf32>
    %get3A_46 = arith.constant 0 : index
    %get3A_47 = arith.constant 0 : index
    %get3A_48 = arith.constant 0 : index
    %get3A_49 = vector.load %arg8[%get3A_46, %get3A_47, %get3A_48] : memref<1x1x256xf32, #tpu.memory_space<vmem>>, vector<1x1x256xf32>
    %get3A_50 = vector.shape_cast %get3A_49 : vector<1x1x256xf32> to vector<1x256xf32>
    %add3A_51 = vector.broadcast %get3A_50 : vector<1x256xf32> to vector<2048x256xf32>
    %add3A_52 = arith.addf %dot_general3A_45, %add3A_51 : vector<2048x256xf32>
    %max3A_53 = arith.constant 0.000000e+00 : f32
    %max3A_54 = vector.broadcast %max3A_53 : f32 to vector<2048x256xf32>
    %max3A_55 = arith.maximumf %add3A_52, %max3A_54 : vector<2048x256xf32>
    %get3A_56 = arith.constant 0 : index
    %get3A_57 = arith.constant 0 : index
    %get3A_58 = arith.constant 0 : index
    %get3A_59 = vector.load %arg9[%get3A_56, %get3A_57, %get3A_58] : memref<1x256x1xf32, #tpu.memory_space<vmem>>, vector<1x256x1xf32>
    %get3A_60 = vector.shape_cast %get3A_59 : vector<1x256x1xf32> to vector<256x1xf32>
    %dot_general3A_61 = arith.constant dense<0.000000e+00> : vector<2048x1xf32>
    %dot_general3A_62 = tpu.matmul %max3A_55, %get3A_60, %dot_general3A_61 {dimension_numbers = #tpu.dot_dimension_numbers<[1], [0], [0], [1], [0, 0, 1, 1], [], []>, transpose_lhs_hint = false} : vector<2048x256xf32>, vector<256x1xf32>, vector<2048x1xf32> -> vector<2048x1xf32>
    %get3A_63 = arith.constant 0 : index
    %get3A_64 = arith.constant 0 : index
    %get3A_65 = arith.constant 0 : index
    %get3A_66 = vector.load %arg10[%get3A_63, %get3A_64, %get3A_65] : memref<1x1x1xf32, #tpu.memory_space<vmem>>, vector<1x1x1xf32>
    %get3A_67 = vector.shape_cast %get3A_66 : vector<1x1x1xf32> to vector<1x1xf32>
    %add3A_68 = vector.broadcast %get3A_67 : vector<1x1xf32> to vector<2048x1xf32>
    %add3A_69 = arith.addf %dot_general3A_62, %add3A_68 : vector<2048x1xf32>
    %swap3A = arith.constant 0 : index
    %swap3A_70 = arith.constant 0 : index
    %swap3A_71 = arith.constant 0 : index
    %swap3A_72 = vector.load %arg11[%swap3A, %swap3A_70, %swap3A_71] : memref<1x2048x1xf32, #tpu.memory_space<vmem>>, vector<1x2048x1xf32>
    %swap3A_73 = vector.shape_cast %swap3A_72 : vector<1x2048x1xf32> to vector<2048x1xf32>
    %swap3A_74 = vector.shape_cast %add3A_69 : vector<2048x1xf32> to vector<1x2048x1xf32>
    tpu.vector_store %arg11[%swap3A, %swap3A_70, %swap3A_71], %swap3A_74 {strides = array<i32>} : memref<1x2048x1xf32, #tpu.memory_space<vmem>>, vector<1x2048x1xf32>,
    return
  }
  func.func @transform_0(%arg0: i32, %arg1: i32) -> (i32, i32, i32, i32) {
    %c0_i32 = arith.constant 0 : i32
    %c0_i32_0 = arith.constant 0 : i32
    %c0_i32_1 = arith.constant 0 : i32
    return %c0_i32, %arg0, %arg1, %c0_i32_0 : i32, i32, i32, i32
  }
  func.func @transform_1(%arg0: i32, %arg1: i32) -> (i32, i32, i32) {
    %c0_i32 = arith.constant 0 : i32
    %c0_i32_0 = arith.constant 0 : i32
    return %arg0, %arg1, %c0_i32 : i32, i32, i32
  }
  func.func @transform_2(%arg0: i32, %arg1: i32) -> (i32, i32, i32) {
    %c0_i32 = arith.constant 0 : i32
    %c0_i32_0 = arith.constant 0 : i32
    return %arg0, %arg1, %c0_i32 : i32, i32, i32
  }
  func.func @transform_3(%arg0: i32, %arg1: i32) -> (i32, i32, i32) {
    %c0_i32 = arith.constant 0 : i32
    %c0_i32_0 = arith.constant 0 : i32
    %c0_i32_1 = arith.constant 0 : i32
    return %arg0, %c0_i32, %c0_i32_0 : i32, i32, i32
  }
  func.func @transform_4(%arg0: i32, %arg1: i32) -> (i32, i32, i32) {
    %c0_i32 = arith.constant 0 : i32
    %c0_i32_0 = arith.constant 0 : i32
    %c0_i32_1 = arith.constant 0 : i32
    return %arg0, %c0_i32, %c0_i32_0 : i32, i32, i32
  }
  func.func @transform_5(%arg0: i32, %arg1: i32) -> (i32, i32, i32) {
    %c0_i32 = arith.constant 0 : i32
    %c0_i32_0 = arith.constant 0 : i32
    %c0_i32_1 = arith.constant 0 : i32
    return %arg0, %c0_i32, %c0_i32_0 : i32, i32, i32
  }
  func.func @transform_6(%arg0: i32, %arg1: i32) -> (i32, i32, i32) {
    %c0_i32 = arith.constant 0 : i32
    %c0_i32_0 = arith.constant 0 : i32
    %c0_i32_1 = arith.constant 0 : i32
    return %arg0, %c0_i32, %c0_i32_0 : i32, i32, i32
  }
  func.func @transform_7(%arg0: i32, %arg1: i32) -> (i32, i32, i32) {
    %c0_i32 = arith.constant 0 : i32
    %c0_i32_0 = arith.constant 0 : i32
    %c0_i32_1 = arith.constant 0 : i32
    return %arg0, %c0_i32, %c0_i32_0 : i32, i32, i32
  }
  func.func @transform_8(%arg0: i32, %arg1: i32) -> (i32, i32, i32) {
    %c0_i32 = arith.constant 0 : i32
    %c0_i32_0 = arith.constant 0 : i32
    %c0_i32_1 = arith.constant 0 : i32
    return %arg0, %c0_i32, %c0_i32_0 : i32, i32, i32
  }
  func.func @transform_9(%arg0: i32, %arg1: i32) -> (i32, i32, i32) {
    %c0_i32 = arith.constant 0 : i32
    %c0_i32_0 = arith.constant 0 : i32
    return %arg0, %arg1, %c0_i32 : i32, i32, i32
  }
}

</mosaic_0001>

<sc_bundles>
// kernel: gather_offload_async_start
scs
__scs_entry_jumppad:
0x0: {  	(pc) =	sbr.rel $0x88, $3  }
0x1: {  	(tag) =	ssettag $0x0;
	lr =	simm.s32 $0x1  }
0x2: {  	[smem:$0x3F94] =	sst lr;
	_ =	strace $0xD0000000  }
0x3: {  	_ = 	snop  }
0x4: {  	_ = 	snop  }
0x5: {  	_ = 	snop  }
0x6: {  	_ = 	snop  }
0x7: {  	_ = 	snop  }
__scs_overlays_trampoline_lowered:
0x8: {  	[smem:$0x3FA3] =	sst s0  }
0x9: {  	[smem:$0x3FA4] =	sst s1  }
0xa: {  	[smem:$0x3FA5] =	sst s2  }
0xb: {  	[smem:$0x3FA6] =	sst s3  }
0xc: {  	[smem:$0x3FA7] =	sst s4  }
0xd: {  	[smem:$0x3FA8] =	sst s5  }
0xe: {  	[smem:$0x3FA9] =	sst s6  }
0xf: {  	[smem:$0x3FAA] =	sst s7  }
0x10: {  	[smem:$0x3FAB] =	sst s8  }
0x11: {  	[smem:$0x3FAC] =	sst s9;
	s0 =	simm.s32 @!p0 $0x0  }
0x12: {  	s1 =	sld [smem:$0x3F92];
	s0 =	simm.s32 @p0 $0x1  }
0x13: {  	[smem:$0x3FAD] =	sst s0;
	s0 =	simm.s32 @!p1 $0x0  }
0x14: {  	s2 =	sld [smem:$0x3F91];
	s0 =	simm.s32 @p1 $0x1  }
0x15: {  	[smem:$0x3FAE] =	sst s0;
	s0 =	simm.s32 @!p2 $0x0  }
0x16: {  	s3 =	sld [smem:$0x3FDB];
	s0 =	simm.s32 @p2 $0x1  }
0x17: {  	s4 =	simm.s32 $0x1BF5;
	[smem:$0x3FB0] =	sst s0  }
0x18: {  	s0 =	sld [smem:$0x3F93];
	_ =	swait.ge [sflag:s4], $0x0  }
0x19: {  	s7 =	sld [smem:$0x3F94]  }
0x1a: {  	s8 =	sadd.s32 $0xFFFFE003, lr  }
0x1b: {  	s9 =	sadd.s32 $0xFFFFFEF7, lr;
	s5 =	simm.s32 $0xFFFFFFFF;
	p2 =	slt.u32 s8, $0xFFFFF086  }
0x1c: {  	p1 =	slt.u32 s9, $0xF7A;
	s5 =	simm.s32 @!p2 $0x0  }
0x1d: {  	s5 =	simm.s32 @p1 $0x1;
	p0 =	seq.s32 s7, s2  }
0x1e: {  	s7 =	smul.u32 @!p0 $0xF7A, s2;
	p2 =	seq.s32 @!p0 s5, $0x0  }
0x1f: {  	s9 =	smul.u32 $0xF7A, s1;
	s8 =	simm.s32 @!p0 $0x1BF5;
	p2 =	por !p2, p0  }
0x20: {  	[sflag:s8] =	ssyncset.s32 @!p0 $0xFFFFF086;
	s6 =	sadd.s32 @!p0 s3, s7;
	s7 =	simm.s32 @!p0 $0x108  }
0x21: {  	s3 =	sadd.s32 s3, s9;
	s6 =	sadd.s32 @!p0 $0x88, s6;
	s7 =	simm.s32 @p2 $0x1082  }
0x22: {  	[simem:s7], [sflag:s8] =	dma.local @!p0 [hbm:s6], $0xF7A  }
0x23: {  	s9 =	sor.u32 $0xD0000000, s2;
	s6 =	simm.s32 $0x108;
	_ =	swait.ge @!p0 [sflag:s8], $0x0  }
0x24: {  	s3 =	sadd.s32 $0x88, s3;
	s6 =	simm.s32 @!p1 $0x1082;
	[sflag:s4] =	ssyncset.s32 $0xFFFFF086  }
0x25: {  	[simem:s6], [sflag:s4] =	dma.local [hbm:s3], $0xF7A  }
0x26: {  	[smem:$0x3F94] =	sst s1;
	(tag) =	ssettag s2;
	_ =	strace s9  }
0x27: {  	s1 =	sld [smem:$0x3FA4]  }
0x28: {  	s2 =	sld [smem:$0x3FA5]  }
0x29: {  	s4 =	sld [smem:$0x3FA7]  }
0x2a: {  	p0 =	seq.s32 s5, $0x0;
	s5 =	sld [smem:$0x3FA8]  }
0x2b: {  	s6 =	sld [smem:$0x3FA9]  }
0x2c: {  	s7 =	sld [smem:$0x3FAA]  }
0x2d: {  	s3 =	simm.s32 $0x108;
	s8 =	sld [smem:$0x3FAB]  }
0x2e: {  	s3 =	simm.s32 @!p0 $0x1082;
	s9 =	sld [smem:$0x3FAC]  }
0x2f: {  	lr =	sadd.s32 s0, s3;
	s0 =	sld [smem:$0x3FA3]  }
0x30: {  	s3 =	sld [smem:$0x3FA6]  }
0x31: {  	[smem:$0x3FAF] =	sst s10  }
0x32: {  	s10 =	sld [smem:$0x3FAD];
	_ =	sdelay $0x3  }
0x33: {  	p0 =	seq.s32 s10, $0x1;
	s10 =	sld [smem:$0x3FAF];
	_ =	sdelay $0x3  }
0x34: {  	[smem:$0x3FAF] =	sst s10  }
0x35: {  	s10 =	sld [smem:$0x3FAE];
	_ =	sdelay $0x3  }
0x36: {  	p1 =	seq.s32 s10, $0x1;
	s10 =	sld [smem:$0x3FAF];
	_ =	sdelay $0x3  }
0x37: {  	[smem:$0x3FAF] =	sst s10  }
0x38: {  	s10 =	sld [smem:$0x3FB0]  }
0x39: {  	_ = 	snop;
	(pc) =	sbr.ind lr, $3  }
0x3a: {  	_ = 	snop  }
0x3b: {  	_ = 	snop  }
0x3c: {  	p2 =	seq.s32 s10, $0x1;
	s10 =	sld [smem:$0x3FAF]  }
0x3d: {  	_ =	shalt  }
0x3e: {  	_ =	shalt  }
0x3f: {  	_ =	shalt  }
0x40: {  	_ =	shalt  }
0x41: {  	_ =	shalt  }
0x42: {  	_ =	shalt  }
0x43: {  	_ =	shalt  }
0x44: {  	_ =	shalt  }
0x45: {  	_ =	shalt  }
0x46: {  	_ =	shalt  }
0x47: {  	_ =	shalt  }
0x48: {  	_ =	shalt  }
0x49: {  	_ =	shalt  }
0x4a: {  	_ =	shalt  }
0x4b: {  	_ =	shalt  }
0x4c: {  	_ =	shalt  }
0x4d: {  	_ =	shalt  }
0x4e: {  	_ =	shalt  }
0x4f: {  	_ =	shalt  }
0x50: {  	_ =	shalt  }
0x51: {  	_ =	shalt  }
0x52: {  	_ =	shalt  }
0x53: {  	_ =	shalt  }
0x54: {  	_ =	shalt  }
0x55: {  	_ =	shalt  }
0x56: {  	_ =	shalt  }
0x57: {  	_ =	shalt  }
0x58: {  	_ =	shalt  }
0x59: {  	_ =	shalt  }
0x5a: {  	_ =	shalt  }
0x5b: {  	_ =	shalt  }
0x5c: {  	_ =	shalt  }
0x5d: {  	_ =	shalt  }
0x5e: {  	_ =	shalt  }
0x5f: {  	_ =	shalt  }
0x60: {  	_ =	shalt  }
0x61: {  	_ =	shalt  }
0x62: {  	_ =	shalt  }
0x63: {  	_ =	shalt  }
0x64: {  	_ =	shalt  }
0x65: {  	_ =	shalt  }
0x66: {  	_ =	shalt  }
0x67: {  	_ =	shalt  }
0x68: {  	_ =	shalt  }
0x69: {  	_ =	shalt  }
0x6a: {  	_ =	shalt  }
0x6b: {  	_ =	shalt  }
0x6c: {  	_ =	shalt  }
0x6d: {  	_ =	shalt  }
0x6e: {  	_ =	shalt  }
0x6f: {  	_ =	shalt  }
0x70: {  	_ =	shalt  }
0x71: {  	_ =	shalt  }
0x72: {  	_ =	shalt  }
0x73: {  	_ =	shalt  }
0x74: {  	_ =	shalt  }
0x75: {  	_ =	shalt  }
0x76: {  	_ =	shalt  }
0x77: {  	_ =	shalt  }
0x78: {  	_ =	shalt  }
0x79: {  	_ =	shalt  }
0x7a: {  	_ =	shalt  }
0x7b: {  	_ =	shalt  }
0x7c: {  	_ =	shalt  }
0x7d: {  	_ =	shalt  }
0x7e: {  	_ =	shalt  }
0x7f: {  	_ =	shalt  }
0x80: {  	_ =	shalt  }
0x81: {  	_ =	shalt  }
0x82: {  	_ =	shalt  }
0x83: {  	_ =	shalt  }
0x84: {  	_ =	shalt  }
0x85: {  	_ =	shalt  }
0x86: {  	_ =	shalt  }
0x87: {  	_ =	shalt  }
.Lfunc_end0:
.L_simem_size_0:
called_computation_lowered:
.L_overlay_start_0:
0x88: {  	s2 =	sld [smem:$0x3FD9]  }
0x89: {  	s3 =	sld [smem:$0x3FFE];
	_ =	sdelay $0x1  }
0x8a: {  	s1 =	srdreg.scid  }
0x8b: {  	s0 =	sand.u32 $0x1, s1  }
0x8c: {  	s16 =	sshll.u32 s0, $0xA;
	s2 =	sadd.s32 s3, s2  }
0x8d: {  	s2 =	sadd.s32 s2, s16  }
0x8e: {  	[smem:$0x3FBB] =	sst s2  }
0x8f: {  	_ = 	snop  }
0x90: {  	(tm) =	ssettm $0x1  }
0x91: {  	s17 =	sld [smem:$0x3FFB];
	_ =	sdelay $0x3  }
0x92: {  	_ =	strace s17  }
0x93: {  	s2 =	sld [smem:$0x3FFC];
	_ =	sdelay $0x3  }
0x94: {  	_ =	strace s2  }
0x95: {  	s2 =	sld [smem:$0x3FFD];
	_ =	sdelay $0x3  }
0x96: {  	_ =	strace s2  }
0x97: {  	_ =	strace $0x8FFFFFFF  }
0x98: {  	s18 =	sld [smem:$0x3FDB];
	_ =	sdelay $0x1  }
0x99: {  	s19 =	simm.s32 $_scs_section_size  }
0x9a: {  	s4 =	simm.s32 $_size__tile_overlayer_lowered;
	s5 =	simm.s32 $_tile_overlayer_lowered  }
0x9b: {  	s22 =	simm.s32 $0x1BFF;
	s21 =	sshll.u32 s5, $0x1;
	s2 =	sadd.s32 s19, s18  }
0x9c: {  	s6 =	simm.s32 $0x0;
	s20 =	sshll.u32 s4, $0x1;
	s4 =	sadd.s32 s21, s2  }
0x9d: {  	[timem:s6], [sflag:s22] =	dma.local [hbm:s4], s20  }
0x9e: {  	_ =	swait.ge [sflag:s22], s20  }
0x9f: {  	s3 =	ssub.s32 $0x0, s20;
	[sflag:s22] =	ssyncset.done $0x0  }
0xa0: {  	[sflag:s22] =	ssyncadd.s32 s3;
	_ =	sdelay $0x1  }
0xa1: {  	s23 =	simm.s32 $0x1B8B  }
0xa2: {  	_ =	swait.ge [sflag:s23], $0x1  }
0xa3: {  	[sflag:s23] =	ssyncset.done $0x0  }
0xa4: {  	s25 =	simm.s32 $0x1B8E;
	s24 =	sld [smem:$0x3FFE];
	[sflag:s23] =	ssyncadd.s32 $0xFFFFFFFF  }
0xa5: {  	s26 =	simm.s32 $execute0_lowered;
	[smem:$0x3FD2] =	sst s25  }
0xa6: {  	s4 =	sshll.u32 s26, $0x1;
	_ =	strace $0x80000046;
	[dreg:$0x1] =	wrdreg $0xFFFFFFFF  }
0xa7: {  	s28 =	simm.s32 $_size_execute0_lowered;
	s2 =	sadd.s32 s2, s4;
	[dreg:$0x0] =	wrdreg $0x0  }
0xa8: {  	s4 =	sshll.u32 s28, $0x1;
	[dreg:$0x2] =	wrdreg s2  }
0xa9: {  	[dreg:$0x3] =	wrdreg s4  }
0xaa: {  	[dreg:$0x4] =	wrdreg $0xC0  }
0xab: {  	_ =	task [dreg:s6], $0x5FFFF  }
0xac: {  	[dreg:$0x1] =	wrdreg $0xFFFFFFFF  }
0xad: {  	[dreg:$0x0] =	wrdreg $0x60  }
0xae: {  	[dreg:$0x2] =	wrdreg s24  }
0xaf: {  	[dreg:$0x3] =	wrdreg $0x9  }
0xb0: {  	_ =	task.clear_ibuf [dreg:s6], $0x4FFFF;
	_ =	strace $0x90000046  }
0xb1: {  	s29 =	simm.s32 $0x9;
	_ =	strace $0x80000048  }
0xb2: {  	_ =	swait.ge [sflag:s29], $0x1  }
0xb3: {  	[sflag:s29] =	ssyncadd.s32 $0xFFFFFFFF  }
0xb4: {  	_ =	strace $0x90000048  }
0xb5: {  	_ =	sfence  }
0xb6: {  	s30 =	sld [smem:$0x0];
	_ =	sdelay $0x2  }
0xb7: {  	s31 =	sshll.u32 s1, $0xD;
	s1 =	sshrl.u32 s1, $0x2  }
0xb8: {  	s3 =	sand.u32 $0x4000, s31;
	s1 =	sadd.s32 s1, s30  }
0xb9: {  	s0 =	sor.u32 s3, s0;
	s1 =	sshll.u32 s1, $0x11  }
0xba: {  	s0 =	sor.u32 s1, s0  }
0xbb: {  	s0 =	sadd.s32 $0x8F2B, s0  }
0xbc: {  	[sflag:s0] =	ssyncadd.remote.s32 $0x1  }
0xbd: {  	_ =	sfence.sel $0xFFFF  }
0xbe: {  	[dreg:$0x0] =	wrdreg $0xFFFFFFFF;
	(pc) =	sbr.abs _section_cstart, $3  }
0xbf: {  	[dreg:$0x1] =	wrdreg $0xFFFFFFFF  }
0xc0: {  	_ =	task.clear_ibuf [dreg:s6], $0x2FFFF;
	_ =	strace $0x9FFFFFFF  }
0xc1: {  	(tm) =	ssettm $0x7FFFFFFF  }
tec
execute0_lowered:
.L_overlay_start_1:
0x0: {  	(tag) =	ssettag $0x1  }
0x1: {  	s0 =	srdreg.scid;
	s5 =	rddreg [dreg:$0x0]  }
0x2: {  	s1 =	stileid.u32;
	s6 =	simm.s32 $0x1;
	s9 =	simm.s32 $0x1  }
0x3: {  	s10 =	simm.s32 $0x3;
	s13 =	simm.s32 $0x0;
	s2 =	sshll.u32 s0, $0x8  }
0x4: {  	s12 =	simm.s32 $0x0;
	s3 =	sshll.u32 s1, $0x9;
	s2 =	sand.u32 $0x100, s2  }
0x5: {  	s0 =	rddreg [dreg:$0x1];
	_ =	strace $0x80000047;
	s2 =	sor.u32 s3, s2  }
0x6: {  	s4 =	sadd.s32 $0xA0200, s5;
	[sflag:s6] =	ssyncpa.u1 $0x0;
	s8 =	ssub.s32 $0x4000, s2  }
.Ltmp0:
0x7: {  	s3 =	sadd.s32 $0xA2000, s5;
	s7 =	sand.u32 $0x1F00, s8;
	(pc) =	sbr.rel .LBB2_1-.Ltmp0, $4  }
0x8: {  	s5 =	sadd.s32 $0xAA000, s5;
	s11 =	smov.u32 s2;
	p0 =	sne.s32 s7, $0x0  }
0x9: {  	s8 =	sshrl.u32 s8, $0xD;
	s7 =	simm.s32 $0x2;
	s9 =	simm.s32 @!p0 $0x0  }
0xa: {  	[sflag:s7] =	ssyncpa.u1 $0x0;
	p0 =	por $0x0, $0x0;
	s8 =	sadd.s32 s9, s8  }
0xb: {  	vm0 =	vmmov $0xffff;
	[sflag:s10] =	ssyncpa.u1 $0x0;
	s10 =	simm.s32 $0x0;
	s9 =	sadd.s32 $0x1, s8  }
.LBB2_4:
0xc: {  	vm1 =	veq.s32 v0, $0x80000000;
	v63 =	vand.u32 $0x3FFF, v0;
	v2 =	vand.u32 $0xF, v2  }
0xd: {  	v0 =	vsel vm1, $0xFFFFFFFF, v63;
	v2 =	vsel vm1, $0xFFFFFFFF, v2  }
0xe: {  	v3 =	vshll.u32 v2, $0xE;
	v4 =	vshll.u32 v0, $0x3  }
0xf: {  	v2 =	vshll.u32 v2, $0x7;
	v3 =	vand.u32 $0xFFFE0000, v3;
	v4 =	vand.u32 $0xFFFFFC00, v4  }
0x10: {  	v2 =	vand.u32 $0x380, v2;
	v3 =	vadd.s32 v4, v3  }
0x11: {  	v0 =	vand.u32 $0x7F, v0;
	v2 =	vor.u32 v2, v3  }
0x12: {  	v0 =	vor.u32 v0, v2;
	_ =	sdelay $0x1  }
0x13: {  	(ifvalue) =	ssetifvalue $0x7FFFFFFF;
	s14 =	sadd.s32 $0x10, s14  }
0x14: {  	[tilespmem:s14], [sflag:$0x1] =	stream.indirect_vreg.gather [hbm4b:s3+s10], $0x1, v1, vm0, $0x4038;
	[tilespmem:$0x400] =	vst v63  }
0x15: {  	(ifvalue) =	ssetifvalue $0x7FFFFFFF;
	s14 =	sadd.s32 $0x10, s14  }
0x16: {  	[tilespmem:s14], [sflag:$0x1] =	stream.indirect_vreg.gather [hbm4b:s3+s10], $0x1, v0, vm0, $0x4038;
	[tilespmem:$0x400] =	vst v63  }
0x17: {  	_ =	swait.ge [sflag:s6], $0x100  }
0x18: {  	s30 =	sshrl.u32 s13, $0x3;
	[sflag:s6] =	ssyncset.done $0x0  }
0x19: {  	s31 =	sand.u32 $0x7, s13;
	s14 =	sadd.s32 s5, s30;
	[sflag:s6] =	ssyncadd.s32 $0xFFFFFF00  }
0x1a: {  	[hbm4b:s14+s31] =	stream.linear.scatter [tilespmem:s15], [sflag:$0x3], $0x100, $0x38;
	[tilespmem:$0x400] =	vst v63  }
.LBB2_5:
0x1b: {  	s15 =	sadd.s32 $0x2000, s11  }
0x1c: {  	p2 =	sgt.s32 s15, $0x3FFF  }
0x1d: {  	s15 =	smov.u32 @p2 s2;
	p2 =	sne.s32 s12, s9  }
.Ltmp1:
0x1e: {  	p1 =	slt.u32 s12, $0x2;
	(pc) =	sbr.rel @!p2 .LBB2_6-.Ltmp1, $4  }
0x1f: {  	s14 =	simm.s32 @!p1 $0x3  }
0x20: {  	s16 =	sadd.s32 $0x1, s12;
	_ =	swait.ge @!p1 [sflag:s14], $0x100  }
0x21: {  	s13 =	smov.u32 s11;
	p0 =	por !p0, !p0;
	[sflag:s14] =	ssyncset.done @!p1 $0x0  }
0x22: {  	s12 =	smov.u32 s16;
	s11 =	smov.u32 s15;
	[sflag:s14] =	ssyncadd.s32 @!p1 $0xFFFFFF00  }
.LBB2_1:
0x23: {  	p1 =	sge.u32 s12, s8  }
0x24: {  	s14 =	sxor.u32 @!p1 $0xFFFFFFFF, s12  }
0x25: {  	s31 =	sadd.s32 $0xFFFFFFFF, s12;
	s15 =	sshrl.u32 @!p1 s11, $0x3;
	s14 =	sshll.u32 @!p1 s14, $0x8  }
0x26: {  	s16 =	sand.u32 @!p1 $0x7, s11;
	s15 =	sadd.s32 @!p1 s4, s15;
	s14 =	sand.u32 @!p1 $0x100, s14  }
0x27: {  	[tilespmem:s14], [sflag:$0x2] =	stream.linear.gather @!p1 [hbm4b:s15+s16], $0x100, $0x38;
	[tilespmem:$0x400] =	vst v63  }
0x28: {  	p1 =	sge.u32 s31, s8  }
.Ltmp2:
0x29: {  	_ = 	snop;
	(pc) =	sbr.rel @p1 .LBB2_5-.Ltmp2, $1  }
0x2a: {  	_ =	sdelay $0x3  }
0x2b: {  	s14 =	simm.s32 $0x1  }
0x2c: {  	_ =	swait.ge [sflag:s7], $0x100;
	s14 =	simm.s32 @!p0 $0x0  }
0x2d: {  	[sflag:s7] =	ssyncset.done $0x0;
	s14 =	sshll.u32 s14, $0x8  }
0x2e: {  	[sflag:s7] =	ssyncadd.s32 $0xFFFFFF00;
	(ifvalue) =	ssetifvalue $0x7FFFFFFF;
	v0 =	vld.msk [tilespmem:s14+$0x0 ss:$0x1], $0xffff;
	_ =	sdelay $0x4  }
0x2f: {  	s15 =	sadd.s32 $0x10, s14;
	v1 =	vshrl.u32 v0, $0xE  }
0x30: {  	v2 =	vld.msk [tilespmem:s15+$0x0 ss:$0x1], $0xffff;
	vm1 =	veq.s32 v0, $0x80000000;
	v0 =	vand.u32 $0x3FFF, v0;
	v1 =	vand.u32 $0xF, v1  }
0x31: {  	v0 =	vsel vm1, $0xFFFFFFFF, v0;
	v1 =	vsel vm1, $0xFFFFFFFF, v1  }
0x32: {  	v4 =	vshll.u32 v0, $0x3;
	v3 =	vshll.u32 v1, $0xE  }
0x33: {  	v4 =	vand.u32 $0xFFFFFC00, v4;
	v1 =	vshll.u32 v1, $0x7;
	v3 =	vand.u32 $0xFFFE0000, v3  }
0x34: {  	v0 =	vand.u32 $0x7F, v0;
	v1 =	vand.u32 $0x380, v1;
	v3 =	vadd.s32 v4, v3  }
0x35: {  	vm1 =	veq.s32 v2, $0x80000000;
	v1 =	vor.u32 v1, v3;
	v3 =	vshrl.u32 v2, $0xE  }
0x36: {  	s17 =	sadd.s32 $0x10, s15;
	v2 =	vand.u32 $0x3FFF, v2;
	v1 =	vor.u32 v0, v1;
	v3 =	vand.u32 $0xF, v3  }
0x37: {  	v0 =	vld.msk [tilespmem:s17+$0x0 ss:$0x1], $0xffff;
	v2 =	vsel vm1, $0xFFFFFFFF, v2;
	v3 =	vsel vm1, $0xFFFFFFFF, v3  }
0x38: {  	v5 =	vshll.u32 v2, $0x3;
	v63 =	vshll.u32 v3, $0xE  }
0x39: {  	s31 =	sshll.u32 s12, $0x8;
	v5 =	vand.u32 $0xFFFFFC00, v5;
	v3 =	vshll.u32 v3, $0x7;
	v4 =	vand.u32 $0xFFFE0000, v63  }
0x3a: {  	s14 =	sor.u32 $0x200, s14;
	s15 =	sand.u32 $0x100, s31;
	(ifvalue) =	ssetifvalue $0x7FFFFFFF;
	v3 =	vand.u32 $0x380, v3;
	v4 =	vadd.s32 v5, v4  }
0x3b: {  	[tilespmem:s14], [sflag:$0x1] =	stream.indirect_vreg.gather [hbm4b:s3+s10], $0x1, v1, vm0, $0x4038;
	v1 =	vand.u32 $0x7F, v2;
	v3 =	vor.u32 v3, v4;
	[tilespmem:$0x400] =	vst v63  }
0x3c: {  	s16 =	simm.s32 $0x20;
	s15 =	sor.u32 $0x200, s15;
	s17 =	sadd.s32 $0x10, s17;
	v2 =	vshrl.u32 v0, $0xE;
	v1 =	vor.u32 v1, v3  }
.LBB2_3:
0x3d: {  	s16 =	sadd.s32 $0x10, s16;
	vm1 =	veq.s32 v0, $0x80000000;
	v3 =	vand.u32 $0x3FFF, v0;
	v0 =	vld.msk [tilespmem:s17+$0x0 ss:$0x1], $0xffff;
	v2 =	vand.u32 $0xF, v2  }
0x3e: {  	p1 =	slt.u32 s16, $0xF0;
	v3 =	vsel vm1, $0xFFFFFFFF, v3;
	v2 =	vsel vm1, $0xFFFFFFFF, v2  }
.Ltmp3:
0x3f: {  	v4 =	vshll.u32 v2, $0xE;
	v5 =	vshll.u32 v3, $0x3;
	(pc) =	sbr.rel @p1 .LBB2_3-.Ltmp3, $4  }
0x40: {  	s14 =	sadd.s32 $0x10, s14;
	v2 =	vshll.u32 v2, $0x7;
	v4 =	vand.u32 $0xFFFE0000, v4;
	v5 =	vand.u32 $0xFFFFFC00, v5;
	(ifvalue) =	ssetifvalue $0x7FFFFFFF  }
0x41: {  	v2 =	vand.u32 $0x380, v2;
	v4 =	vadd.s32 v5, v4;
	[tilespmem:s14], [sflag:$0x1] =	stream.indirect_vreg.gather [hbm4b:s3+s10], $0x1, v1, vm0, $0x4038;
	[tilespmem:$0x400] =	vst v63  }
0x42: {  	v1 =	vand.u32 $0x7F, v3;
	v3 =	vor.u32 v2, v4  }
0x43: {  	s17 =	sadd.s32 $0x10, s17;
	v2 =	vshrl.u32 v0, $0xE;
	v1 =	vor.u32 v1, v3  }
.Ltmp4:
0x44: {  	_ = 	snop;
	(pc) =	sbr.rel .LBB2_4-.Ltmp4, $1  }
0x45: {  	_ =	sdelay $0x3  }
.LBB2_6:
0x46: {  	_ =	sfence.sel $0x180000  }
0x47: {  	s2 =	simm.s32 $0x2;
	[bflag:$0x0] =	sbarrier.arrive $0xFFFF  }
0x48: {  	s30 =	simm.s32 $0x3;
	[sflag:s2] =	ssyncpa.u1 $0x1  }
0x49: {  	s31 =	simm.s32 $0x1;
	[sflag:s30] =	ssyncpa.u1 $0x1  }
0x4a: {  	[sflag:s31] =	ssyncpa.u1 $0x1  }
0x4b: {  	p0 =	sne.s32 s1, $0x0;
	_ =	strace $0x90000047  }
0x4c: {  	s0 =	sadd.s32 @!p0 $0x100000, s0;
	[bflag:$0x2] =	sbarrier.arrive $0xFFFF  }
0x4d: {  	[sflag:s0] =	ssyncadd.tile.s32 @!p0 $0x1;
	_ =	shalt  }
.Lfunc_end2:
_tile_overlayer_lowered:
.L_overlay_start_2:
0x4e: {  	(tag) =	ssettag $0x2  }
0x4f: {  	s0 =	rddreg [dreg:$0x0];
	s2 =	stileid.u32  }
0x50: {  	s1 =	rddreg [dreg:$0x1];
	p0 =	sne.s32 s2, $0x0  }
0x51: {  	s3 =	rddreg [dreg:$0x2];
	[bflag:$0x3] =	sbarrier.arrive $0xFFFF;
	s2 =	simm.s32 @!p0 $0x1C01  }
0x52: {  	[timem:s3], [sflag:s2] =	dma.local @!p0 [hbm:s0], s1  }
0x53: {  	s0 =	simm.s32 @!p0 $0x1  }
0x54: {  	_ =	swait.ge @!p0 [sflag:s0], s1  }
0x55: {  	s1 =	ssub.s32 @!p0 $0x0, s1;
	[sflag:s0] =	ssyncset.done @!p0 $0x0  }
0x56: {  	[sflag:s0] =	ssyncadd.s32 @!p0 s1  }
0x57: {  	[bflag:$0x3] =	sbarrier.arrive $0xFFFF  }
0x58: {  	_ =	shalt  }

// kernel: kernel.10.cloned.1.call-start
scs
__scs_entry_jumppad:
0x0: {  	(pc) =	sbr.rel $0x88, $3  }
0x1: {  	(tag) =	ssettag $0x0;
	lr =	simm.s32 $0x1  }
0x2: {  	[smem:$0x3F94] =	sst lr;
	_ =	strace $0xD0000000  }
0x3: {  	_ = 	snop  }
0x4: {  	_ = 	snop  }
0x5: {  	_ = 	snop  }
0x6: {  	_ = 	snop  }
0x7: {  	_ = 	snop  }
__scs_overlays_trampoline_lowered:
0x8: {  	[smem:$0x3FA3] =	sst s0  }
0x9: {  	[smem:$0x3FA4] =	sst s1  }
0xa: {  	[smem:$0x3FA5] =	sst s2  }
0xb: {  	[smem:$0x3FA6] =	sst s3  }
0xc: {  	[smem:$0x3FA7] =	sst s4  }
0xd: {  	[smem:$0x3FA8] =	sst s5  }
0xe: {  	[smem:$0x3FA9] =	sst s6  }
0xf: {  	[smem:$0x3FAA] =	sst s7  }
0x10: {  	[smem:$0x3FAB] =	sst s8  }
0x11: {  	[smem:$0x3FAC] =	sst s9;
	s0 =	simm.s32 @!p0 $0x0  }
0x12: {  	s1 =	sld [smem:$0x3F92];
	s0 =	simm.s32 @p0 $0x1  }
0x13: {  	[smem:$0x3FAD] =	sst s0;
	s0 =	simm.s32 @!p1 $0x0  }
0x14: {  	s2 =	sld [smem:$0x3F91];
	s0 =	simm.s32 @p1 $0x1  }
0x15: {  	[smem:$0x3FAE] =	sst s0;
	s0 =	simm.s32 @!p2 $0x0  }
0x16: {  	s3 =	sld [smem:$0x3FDB];
	s0 =	simm.s32 @p2 $0x1  }
0x17: {  	s4 =	simm.s32 $0x1BF5;
	[smem:$0x3FB0] =	sst s0  }
0x18: {  	s0 =	sld [smem:$0x3F93];
	_ =	swait.ge [sflag:s4], $0x0  }
0x19: {  	s7 =	sld [smem:$0x3F94]  }
0x1a: {  	s8 =	sadd.s32 $0xFFFFE003, lr  }
0x1b: {  	s9 =	sadd.s32 $0xFFFFFEF7, lr;
	s5 =	simm.s32 $0xFFFFFFFF;
	p2 =	slt.u32 s8, $0xFFFFF086  }
0x1c: {  	p1 =	slt.u32 s9, $0xF7A;
	s5 =	simm.s32 @!p2 $0x0  }
0x1d: {  	s5 =	simm.s32 @p1 $0x1;
	p0 =	seq.s32 s7, s2  }
0x1e: {  	s7 =	smul.u32 @!p0 $0xF7A, s2;
	p2 =	seq.s32 @!p0 s5, $0x0  }
0x1f: {  	s9 =	smul.u32 $0xF7A, s1;
	s8 =	simm.s32 @!p0 $0x1BF5;
	p2 =	por !p2, p0  }
0x20: {  	[sflag:s8] =	ssyncset.s32 @!p0 $0xFFFFF086;
	s6 =	sadd.s32 @!p0 s3, s7;
	s7 =	simm.s32 @!p0 $0x108  }
0x21: {  	s3 =	sadd.s32 s3, s9;
	s6 =	sadd.s32 @!p0 $0x88, s6;
	s7 =	simm.s32 @p2 $0x1082  }
0x22: {  	[simem:s7], [sflag:s8] =	dma.local @!p0 [hbm:s6], $0xF7A  }
0x23: {  	s9 =	sor.u32 $0xD0000000, s2;
	s6 =	simm.s32 $0x108;
	_ =	swait.ge @!p0 [sflag:s8], $0x0  }
0x24: {  	s3 =	sadd.s32 $0x88, s3;
	s6 =	simm.s32 @!p1 $0x1082;
	[sflag:s4] =	ssyncset.s32 $0xFFFFF086  }
0x25: {  	[simem:s6], [sflag:s4] =	dma.local [hbm:s3], $0xF7A  }
0x26: {  	[smem:$0x3F94] =	sst s1;
	(tag) =	ssettag s2;
	_ =	strace s9  }
0x27: {  	s1 =	sld [smem:$0x3FA4]  }
0x28: {  	s2 =	sld [smem:$0x3FA5]  }
0x29: {  	s4 =	sld [smem:$0x3FA7]  }
0x2a: {  	p0 =	seq.s32 s5, $0x0;
	s5 =	sld [smem:$0x3FA8]  }
0x2b: {  	s6 =	sld [smem:$0x3FA9]  }
0x2c: {  	s7 =	sld [smem:$0x3FAA]  }
0x2d: {  	s3 =	simm.s32 $0x108;
	s8 =	sld [smem:$0x3FAB]  }
0x2e: {  	s3 =	simm.s32 @!p0 $0x1082;
	s9 =	sld [smem:$0x3FAC]  }
0x2f: {  	lr =	sadd.s32 s0, s3;
	s0 =	sld [smem:$0x3FA3]  }
0x30: {  	s3 =	sld [smem:$0x3FA6]  }
0x31: {  	[smem:$0x3FAF] =	sst s10  }
0x32: {  	s10 =	sld [smem:$0x3FAD];
	_ =	sdelay $0x3  }
0x33: {  	p0 =	seq.s32 s10, $0x1;
	s10 =	sld [smem:$0x3FAF];
	_ =	sdelay $0x3  }
0x34: {  	[smem:$0x3FAF] =	sst s10  }
0x35: {  	s10 =	sld [smem:$0x3FAE];
	_ =	sdelay $0x3  }
0x36: {  	p1 =	seq.s32 s10, $0x1;
	s10 =	sld [smem:$0x3FAF];
	_ =	sdelay $0x3  }
0x37: {  	[smem:$0x3FAF] =	sst s10  }
0x38: {  	s10 =	sld [smem:$0x3FB0]  }
0x39: {  	_ = 	snop;
	(pc) =	sbr.ind lr, $3  }
0x3a: {  	_ = 	snop  }
0x3b: {  	_ = 	snop  }
0x3c: {  	p2 =	seq.s32 s10, $0x1;
	s10 =	sld [smem:$0x3FAF]  }
0x3d: {  	_ =	shalt  }
0x3e: {  	_ =	shalt  }
0x3f: {  	_ =	shalt  }
0x40: {  	_ =	shalt  }
0x41: {  	_ =	shalt  }
0x42: {  	_ =	shalt  }
0x43: {  	_ =	shalt  }
0x44: {  	_ =	shalt  }
0x45: {  	_ =	shalt  }
0x46: {  	_ =	shalt  }
0x47: {  	_ =	shalt  }
0x48: {  	_ =	shalt  }
0x49: {  	_ =	shalt  }
0x4a: {  	_ =	shalt  }
0x4b: {  	_ =	shalt  }
0x4c: {  	_ =	shalt  }
0x4d: {  	_ =	shalt  }
0x4e: {  	_ =	shalt  }
0x4f: {  	_ =	shalt  }
0x50: {  	_ =	shalt  }
0x51: {  	_ =	shalt  }
0x52: {  	_ =	shalt  }
0x53: {  	_ =	shalt  }
0x54: {  	_ =	shalt  }
0x55: {  	_ =	shalt  }
0x56: {  	_ =	shalt  }
0x57: {  	_ =	shalt  }
0x58: {  	_ =	shalt  }
0x59: {  	_ =	shalt  }
0x5a: {  	_ =	shalt  }
0x5b: {  	_ =	shalt  }
0x5c: {  	_ =	shalt  }
0x5d: {  	_ =	shalt  }
0x5e: {  	_ =	shalt  }
0x5f: {  	_ =	shalt  }
0x60: {  	_ =	shalt  }
0x61: {  	_ =	shalt  }
0x62: {  	_ =	shalt  }
0x63: {  	_ =	shalt  }
0x64: {  	_ =	shalt  }
0x65: {  	_ =	shalt  }
0x66: {  	_ =	shalt  }
0x67: {  	_ =	shalt  }
0x68: {  	_ =	shalt  }
0x69: {  	_ =	shalt  }
0x6a: {  	_ =	shalt  }
0x6b: {  	_ =	shalt  }
0x6c: {  	_ =	shalt  }
0x6d: {  	_ =	shalt  }
0x6e: {  	_ =	shalt  }
0x6f: {  	_ =	shalt  }
0x70: {  	_ =	shalt  }
0x71: {  	_ =	shalt  }
0x72: {  	_ =	shalt  }
0x73: {  	_ =	shalt  }
0x74: {  	_ =	shalt  }
0x75: {  	_ =	shalt  }
0x76: {  	_ =	shalt  }
0x77: {  	_ =	shalt  }
0x78: {  	_ =	shalt  }
0x79: {  	_ =	shalt  }
0x7a: {  	_ =	shalt  }
0x7b: {  	_ =	shalt  }
0x7c: {  	_ =	shalt  }
0x7d: {  	_ =	shalt  }
0x7e: {  	_ =	shalt  }
0x7f: {  	_ =	shalt  }
0x80: {  	_ =	shalt  }
0x81: {  	_ =	shalt  }
0x82: {  	_ =	shalt  }
0x83: {  	_ =	shalt  }
0x84: {  	_ =	shalt  }
0x85: {  	_ =	shalt  }
0x86: {  	_ =	shalt  }
0x87: {  	_ =	shalt  }
.Lfunc_end0:
.L_simem_size_0:
called_computation.2_lowered:
.L_overlay_start_0:
0x88: {  	s2 =	sld [smem:$0x3FD9]  }
0x89: {  	s3 =	sld [smem:$0x3FFE];
	_ =	sdelay $0x1  }
0x8a: {  	s1 =	srdreg.scid  }
0x8b: {  	s0 =	sand.u32 $0x1, s1  }
0x8c: {  	s16 =	sshll.u32 s0, $0xA;
	s2 =	sadd.s32 s3, s2  }
0x8d: {  	s2 =	sadd.s32 s2, s16  }
0x8e: {  	[smem:$0x3FBB] =	sst s2  }
0x8f: {  	_ = 	snop  }
0x90: {  	(tm) =	ssettm $0x1  }
0x91: {  	s17 =	sld [smem:$0x3FFB];
	_ =	sdelay $0x3  }
0x92: {  	_ =	strace s17  }
0x93: {  	s2 =	sld [smem:$0x3FFC];
	_ =	sdelay $0x3  }
0x94: {  	_ =	strace s2  }
0x95: {  	s2 =	sld [smem:$0x3FFD];
	_ =	sdelay $0x3  }
0x96: {  	_ =	strace s2  }
0x97: {  	_ =	strace $0x8FFFFFFF  }
0x98: {  	s18 =	sld [smem:$0x3FDB];
	_ =	sdelay $0x1  }
0x99: {  	s19 =	simm.s32 $_scs_section_size  }
0x9a: {  	s4 =	simm.s32 $_size__tile_overlayer_lowered;
	s5 =	simm.s32 $_tile_overlayer_lowered  }
0x9b: {  	s22 =	simm.s32 $0x1BFF;
	s21 =	sshll.u32 s5, $0x1;
	s2 =	sadd.s32 s19, s18  }
0x9c: {  	s6 =	simm.s32 $0x0;
	s20 =	sshll.u32 s4, $0x1;
	s4 =	sadd.s32 s21, s2  }
0x9d: {  	[timem:s6], [sflag:s22] =	dma.local [hbm:s4], s20  }
0x9e: {  	_ =	swait.ge [sflag:s22], s20  }
0x9f: {  	s3 =	ssub.s32 $0x0, s20;
	[sflag:s22] =	ssyncset.done $0x0  }
0xa0: {  	[sflag:s22] =	ssyncadd.s32 s3;
	_ =	sdelay $0x1  }
0xa1: {  	s23 =	simm.s32 $0x1B8B  }
0xa2: {  	_ =	swait.ge [sflag:s23], $0x1  }
0xa3: {  	[sflag:s23] =	ssyncset.done $0x0  }
0xa4: {  	s25 =	simm.s32 $0x1B8E;
	s24 =	sld [smem:$0x3FFE];
	[sflag:s23] =	ssyncadd.s32 $0xFFFFFFFF  }
0xa5: {  	s26 =	simm.s32 $execute0_lowered;
	[smem:$0x3FD2] =	sst s25  }
0xa6: {  	s4 =	sshll.u32 s26, $0x1;
	_ =	strace $0x8000004C;
	[dreg:$0x1] =	wrdreg $0xFFFFFFFF  }
0xa7: {  	s28 =	simm.s32 $_size_execute0_lowered;
	s2 =	sadd.s32 s2, s4;
	[dreg:$0x0] =	wrdreg $0x0  }
0xa8: {  	s4 =	sshll.u32 s28, $0x1;
	[dreg:$0x2] =	wrdreg s2  }
0xa9: {  	[dreg:$0x3] =	wrdreg s4  }
0xaa: {  	[dreg:$0x4] =	wrdreg $0xC0  }
0xab: {  	_ =	task [dreg:s6], $0x5FFFF  }
0xac: {  	[dreg:$0x1] =	wrdreg $0xFFFFFFFF  }
0xad: {  	[dreg:$0x0] =	wrdreg $0x60  }
0xae: {  	[dreg:$0x2] =	wrdreg s24  }
0xaf: {  	[dreg:$0x3] =	wrdreg $0x9  }
0xb0: {  	_ =	task.clear_ibuf [dreg:s6], $0x4FFFF;
	_ =	strace $0x9000004C  }
0xb1: {  	s29 =	simm.s32 $0x9;
	_ =	strace $0x8000004E  }
0xb2: {  	_ =	swait.ge [sflag:s29], $0x1  }
0xb3: {  	[sflag:s29] =	ssyncadd.s32 $0xFFFFFFFF  }
0xb4: {  	_ =	strace $0x9000004E  }
0xb5: {  	_ =	sfence  }
0xb6: {  	s30 =	sld [smem:$0x0];
	_ =	sdelay $0x2  }
0xb7: {  	s31 =	sshll.u32 s1, $0xD;
	s1 =	sshrl.u32 s1, $0x2  }
0xb8: {  	s3 =	sand.u32 $0x4000, s31;
	s1 =	sadd.s32 s1, s30  }
0xb9: {  	s0 =	sor.u32 s3, s0;
	s1 =	sshll.u32 s1, $0x11  }
0xba: {  	s0 =	sor.u32 s1, s0  }
0xbb: {  	s0 =	sadd.s32 $0x8F2B, s0  }
0xbc: {  	[sflag:s0] =	ssyncadd.remote.s32 $0x1  }
0xbd: {  	_ =	sfence.sel $0xFFFF  }
0xbe: {  	[dreg:$0x0] =	wrdreg $0xFFFFFFFF;
	(pc) =	sbr.abs _section_cstart, $3  }
0xbf: {  	[dreg:$0x1] =	wrdreg $0xFFFFFFFF  }
0xc0: {  	_ =	task.clear_ibuf [dreg:s6], $0x2FFFF;
	_ =	strace $0x9FFFFFFF  }
0xc1: {  	(tm) =	ssettm $0x7FFFFFFF  }
tec
execute0_lowered:
.L_overlay_start_1:
0x0: {  	(tag) =	ssettag $0x1  }
0x1: {  	s0 =	rddreg [dreg:$0x0];
	s1 =	simm.s32 $0x0;
	s2 =	srdreg.scid  }
0x2: {  	s5 =	stileid.u32;
	s15 =	simm.s32 $0x3;
	s16 =	simm.s32 $0x180  }
0x3: {  	s11 =	simm.s32 $0x8180;
	s31 =	simm.s32 $0x10180;
	s18 =	simm.s32 $0x2180  }
0x4: {  	s28 =	simm.s32 $0x3180;
	s29 =	simm.s32 $0x4180;
	s19 =	simm.s32 $0x4980  }
0x5: {  	s20 =	simm.s32 $0x5980;
	s12 =	simm.s32 $0x6180;
	s13 =	simm.s32 $0x7180  }
0x6: {  	s17 =	simm.s32 $0x1180;
	[smem:$0x7FF] =	sst s1;
	s3 =	sadd.s32 $0x32A800, s0  }
0x7: {  	s4 =	sadd.s32 $0xA0C00, s0;
	s2 =	sand.u32 $0x1, s2;
	s6 =	sshll.u32 s5, $0xA  }
0x8: {  	s5 =	sadd.s32 $0xA1400, s0;
	s9 =	sadd.s32 $0x32A900, s0;
	s7 =	ssub.s32 $0x2, s2  }
0x9: {  	_ =	strace $0x8000004D;
	s2 =	sshll.u32 s2, $0x9;
	s8 =	sshrl.u32 s7, $0x1  }
0xa: {  	s6 =	sor.u32 s2, s6;
	s2 =	simm.s32 $0x1;
	s21 =	ssub.s32 s7, s8  }
0xb: {  	s7 =	sor.u32 $0x40, s6;
	s10 =	sor.u32 $0x180, s6;
	s8 =	sor.u32 $0x80, s6  }
0xc: {  	s24 =	sor.u32 $0x1C0, s6;
	s22 =	sshrl.u32 s10, $0x3;
	s23 =	sshll.u32 s10, $0x6  }
0xd: {  	s25 =	sshrl.u32 s24, $0x3;
	s10 =	sshll.u32 s24, $0x6;
	s30 =	smax.u32 s21, $0x1  }
0xe: {  	s24 =	simm.s32 $0x980;
	s0 =	sadd.s32 s4, s22;
	[dreg:$0x6] =	wrdreg s30  }
0xf: {  	s21 =	simm.s32 $0x6980;
	s26 =	sadd.s32 s5, s10;
	[dreg:$0x2] =	wrdreg s0  }
0x10: {  	v2 =	vlaneseq.u32;
	s10 =	simm.s32 $0x5180;
	s0 =	sadd.s32 s5, s23;
	[dreg:$0x5] =	wrdreg s26  }
0x11: {  	vm0 =	vmmov $0xffff;
	v1 =	vshrl.u32 v2, $0x3;
	s26 =	simm.s32 $0x2980;
	[dreg:$0x3] =	wrdreg s0;
	s0 =	sadd.s32 s4, s25  }
0x12: {  	v0 =	vand.u32 $0x7, v2;
	v2 =	vor.u32 $0x8, v2;
	v1 =	vmul.u32 $0x8, v1;
	s25 =	simm.s32 $0x1980;
	[dreg:$0x4] =	wrdreg s0;
	s0 =	simm.s32 $0x0  }
.LBB2_1:
0x13: {  	[dreg:$0x7] =	wrdreg s0;
	p0 =	por $0x1, $0x1  }
0x14: {  	p1 =	por $0x0, $0x0;
	s0 =	simm.s32 $0x3980;
	s22 =	simm.s32 $0x0  }
.LBB2_2:
0x15: {  	s14 =	simm.s32 @p1 $0x2  }
0x16: {  	s23 =	sor.u32 s6, s22;
	_ =	swait.ge @p1 [sflag:s14], $0x8000  }
0x17: {  	s30 =	sshrl.u32 s23, $0x3;
	[sflag:s14] =	ssyncset.done @p1 $0x0  }
0x18: {  	s30 =	sadd.s32 s4, s30;
	[sflag:s14] =	ssyncadd.s32 @p1 $0xFFFF8000  }
0x19: {  	[tilespmem:s1], [sflag:$0x3] =	stream.linear.gather [hbm4b:s30+s1], $0x40, $0x38;
	[tilespmem:$0x18180] =	vst v63  }
0x1a: {  	_ =	swait.ge [sflag:s15], $0x40  }
0x1b: {  	[sflag:s15] =	ssyncset.done $0x0  }
0x1c: {  	[sflag:s15] =	ssyncadd.s32 $0xFFFFFFC0  }
0x1d: {  	v3 =	vld [tilespmem:$0x0];
	_ =	sdelay $0x4  }
0x1e: {  	v4 =	vshll.u32 v3, $0x2  }
0x1f: {  	v3 =	vand.u32 $0x7, v3;
	v4 =	vand.u32 $0xFFFFFFE0, v4  }
0x20: {  	v3 =	vor.u32 v3, v4  }
0x21: {  	v4 =	vperm.xlane v3, v0;
	_ =	sdelay $0x1  }
0x22: {  	v4 =	vadd.s32 v1, v4;
	_ =	sdelay $0x1  }
0x23: {  	v3 =	vperm.xlane v3, v2;
	_ =	sdelay $0x1  }
0x24: {  	v3 =	vadd.s32 v1, v3  }
0x25: {  	[tilespmem:s16], [sflag:$0x1] =	stream.indirect_vreg.gather [hbm4b:s3+s1], $0x80, v4, vm0, $0xb8;
	[tilespmem:$0x18180] =	vst v63  }
0x26: {  	_ = 	snop  }
0x27: {  	[tilespmem:s24], [sflag:$0x1] =	stream.indirect_vreg.gather [hbm4b:s9+s1], $0x80, v4, vm0, $0xb8;
	[tilespmem:$0x18180] =	vst v63  }
0x28: {  	_ = 	snop  }
0x29: {  	[tilespmem:s17], [sflag:$0x1] =	stream.indirect_vreg.gather [hbm4b:s3+s1], $0x80, v3, vm0, $0xb8;
	[tilespmem:$0x18180] =	vst v63  }
0x2a: {  	_ = 	snop  }
0x2b: {  	[tilespmem:s25], [sflag:$0x1] =	stream.indirect_vreg.gather [hbm4b:s9+s1], $0x80, v3, vm0, $0xb8;
	[tilespmem:$0x18180] =	vst v63  }
0x2c: {  	v3 =	vld [tilespmem:$0x10];
	_ =	sdelay $0x4  }
0x2d: {  	v53 =	vshll.u32 v3, $0x2  }
0x2e: {  	v3 =	vand.u32 $0x7, v3;
	v4 =	vand.u32 $0xFFFFFFE0, v53  }
0x2f: {  	v3 =	vor.u32 v3, v4  }
0x30: {  	v4 =	vperm.xlane v3, v0;
	_ =	sdelay $0x1  }
0x31: {  	v4 =	vadd.s32 v1, v4;
	_ =	sdelay $0x1  }
0x32: {  	v3 =	vperm.xlane v3, v2;
	_ =	sdelay $0x1  }
0x33: {  	v3 =	vadd.s32 v1, v3  }
0x34: {  	[tilespmem:s18], [sflag:$0x1] =	stream.indirect_vreg.gather [hbm4b:s3+s1], $0x80, v4, vm0, $0xb8;
	[tilespmem:$0x18180] =	vst v63  }
0x35: {  	_ = 	snop  }
0x36: {  	[tilespmem:s26], [sflag:$0x1] =	stream.indirect_vreg.gather [hbm4b:s9+s1], $0x80, v4, vm0, $0xb8;
	[tilespmem:$0x18180] =	vst v63  }
0x37: {  	_ = 	snop  }
0x38: {  	[tilespmem:s28], [sflag:$0x1] =	stream.indirect_vreg.gather [hbm4b:s3+s1], $0x80, v3, vm0, $0xb8;
	[tilespmem:$0x18180] =	vst v63  }
0x39: {  	_ = 	snop  }
0x3a: {  	[tilespmem:s0], [sflag:$0x1] =	stream.indirect_vreg.gather [hbm4b:s9+s1], $0x80, v3, vm0, $0xb8;
	[tilespmem:$0x18180] =	vst v63  }
0x3b: {  	v3 =	vld [tilespmem:$0x20];
	_ =	sdelay $0x4  }
0x3c: {  	v54 =	vshll.u32 v3, $0x2  }
0x3d: {  	v3 =	vand.u32 $0x7, v3;
	v4 =	vand.u32 $0xFFFFFFE0, v54  }
0x3e: {  	v3 =	vor.u32 v3, v4  }
0x3f: {  	v4 =	vperm.xlane v3, v0;
	_ =	sdelay $0x1  }
0x40: {  	v4 =	vadd.s32 v1, v4;
	_ =	sdelay $0x1  }
0x41: {  	v3 =	vperm.xlane v3, v2;
	_ =	sdelay $0x1  }
0x42: {  	v3 =	vadd.s32 v1, v3  }
0x43: {  	[tilespmem:s29], [sflag:$0x1] =	stream.indirect_vreg.gather [hbm4b:s3+s1], $0x80, v4, vm0, $0xb8;
	[tilespmem:$0x18180] =	vst v63  }
0x44: {  	_ = 	snop  }
0x45: {  	[tilespmem:s19], [sflag:$0x1] =	stream.indirect_vreg.gather [hbm4b:s9+s1], $0x80, v4, vm0, $0xb8;
	[tilespmem:$0x18180] =	vst v63  }
0x46: {  	_ = 	snop  }
0x47: {  	[tilespmem:s10], [sflag:$0x1] =	stream.indirect_vreg.gather [hbm4b:s3+s1], $0x80, v3, vm0, $0xb8;
	[tilespmem:$0x18180] =	vst v63  }
0x48: {  	_ = 	snop  }
0x49: {  	[tilespmem:s20], [sflag:$0x1] =	stream.indirect_vreg.gather [hbm4b:s9+s1], $0x80, v3, vm0, $0xb8;
	[tilespmem:$0x18180] =	vst v63  }
0x4a: {  	v3 =	vld [tilespmem:$0x30];
	_ =	sdelay $0x4  }
0x4b: {  	v55 =	vshll.u32 v3, $0x2  }
0x4c: {  	v3 =	vand.u32 $0x7, v3;
	v4 =	vand.u32 $0xFFFFFFE0, v55  }
0x4d: {  	v3 =	vor.u32 v3, v4  }
0x4e: {  	v4 =	vperm.xlane v3, v0;
	_ =	sdelay $0x1  }
0x4f: {  	v4 =	vadd.s32 v1, v4;
	_ =	sdelay $0x1  }
0x50: {  	v3 =	vperm.xlane v3, v2;
	_ =	sdelay $0x1  }
0x51: {  	v3 =	vadd.s32 v1, v3  }
0x52: {  	[tilespmem:s12], [sflag:$0x1] =	stream.indirect_vreg.gather [hbm4b:s3+s1], $0x80, v4, vm0, $0xb8;
	[tilespmem:$0x18180] =	vst v63  }
0x53: {  	_ = 	snop  }
0x54: {  	[tilespmem:s21], [sflag:$0x1] =	stream.indirect_vreg.gather [hbm4b:s9+s1], $0x80, v4, vm0, $0xb8;
	[tilespmem:$0x18180] =	vst v63  }
0x55: {  	_ = 	snop  }
0x56: {  	[tilespmem:s13], [sflag:$0x1] =	stream.indirect_vreg.gather [hbm4b:s3+s1], $0x80, v3, vm0, $0xb8;
	[tilespmem:$0x18180] =	vst v63  }
0x57: {  	s30 =	simm.s32 $0x7980  }
0x58: {  	[tilespmem:s30], [sflag:$0x1] =	stream.indirect_vreg.gather [hbm4b:s9+s1], $0x80, v3, vm0, $0xb8;
	[tilespmem:$0x18180] =	vst v63  }
0x59: {  	_ =	swait.ge [sflag:s2], $0x8000  }
0x5a: {  	s23 =	sshll.u32 s23, $0x6;
	[sflag:s2] =	ssyncset.done $0x0  }
0x5b: {  	s23 =	sadd.s32 s5, s23;
	[sflag:s2] =	ssyncadd.s32 $0xFFFF8000  }
0x5c: {  	[hbm4b:s23+s1] =	stream.linear.scatter [tilespmem:s16], [sflag:$0x2], $0x8000, $0x38;
	[tilespmem:$0x18180] =	vst v63  }
0x5d: {  	s23 =	sadd.s32 s7, s22;
	_ =	swait.ge @p1 [sflag:s14], $0x8000  }
0x5e: {  	s30 =	sshrl.u32 s23, $0x3;
	[sflag:s14] =	ssyncset.done @p1 $0x0  }
0x5f: {  	[sflag:s14] =	ssyncadd.s32 @p1 $0xFFFF8000;
	s14 =	sadd.s32 s4, s30;
	s30 =	simm.s32 $0x80  }
0x60: {  	[tilespmem:s30], [sflag:$0x3] =	stream.linear.gather [hbm4b:s14+s1], $0x40, $0x38;
	[tilespmem:$0x18180] =	vst v63  }
0x61: {  	_ =	swait.ge [sflag:s15], $0x40  }
0x62: {  	[sflag:s15] =	ssyncset.done $0x0  }
0x63: {  	[sflag:s15] =	ssyncadd.s32 $0xFFFFFFC0  }
0x64: {  	v3 =	vld [tilespmem:$0x80];
	_ =	sdelay $0x4  }
0x65: {  	v56 =	vshll.u32 v3, $0x2  }
0x66: {  	v3 =	vand.u32 $0x7, v3;
	v4 =	vand.u32 $0xFFFFFFE0, v56  }
0x67: {  	v3 =	vor.u32 v3, v4  }
0x68: {  	v4 =	vperm.xlane v3, v0;
	_ =	sdelay $0x1  }
0x69: {  	v4 =	vadd.s32 v1, v4;
	_ =	sdelay $0x1  }
0x6a: {  	v3 =	vperm.xlane v3, v2;
	_ =	sdelay $0x1  }
0x6b: {  	v3 =	vadd.s32 v1, v3  }
0x6c: {  	[tilespmem:s11], [sflag:$0x1] =	stream.indirect_vreg.gather [hbm4b:s3+s1], $0x80, v4, vm0, $0xb8;
	[tilespmem:$0x18180] =	vst v63  }
0x6d: {  	s14 =	simm.s32 $0x8980  }
0x6e: {  	[tilespmem:s14], [sflag:$0x1] =	stream.indirect_vreg.gather [hbm4b:s9+s1], $0x80, v4, vm0, $0xb8;
	[tilespmem:$0x18180] =	vst v63  }
0x6f: {  	s14 =	simm.s32 $0x9180  }
0x70: {  	[tilespmem:s14], [sflag:$0x1] =	stream.indirect_vreg.gather [hbm4b:s3+s1], $0x80, v3, vm0, $0xb8;
	[tilespmem:$0x18180] =	vst v63  }
0x71: {  	s14 =	simm.s32 $0x9980  }
0x72: {  	[tilespmem:s14], [sflag:$0x1] =	stream.indirect_vreg.gather [hbm4b:s9+s1], $0x80, v3, vm0, $0xb8;
	[tilespmem:$0x18180] =	vst v63  }
0x73: {  	v3 =	vld [tilespmem:$0x90];
	_ =	sdelay $0x4  }
0x74: {  	v57 =	vshll.u32 v3, $0x2  }
0x75: {  	v3 =	vand.u32 $0x7, v3;
	v4 =	vand.u32 $0xFFFFFFE0, v57  }
0x76: {  	v3 =	vor.u32 v3, v4  }
0x77: {  	v4 =	vperm.xlane v3, v0;
	_ =	sdelay $0x1  }
0x78: {  	v4 =	vadd.s32 v1, v4;
	_ =	sdelay $0x1  }
0x79: {  	v3 =	vperm.xlane v3, v2;
	_ =	sdelay $0x1  }
0x7a: {  	s14 =	simm.s32 $0xA180;
	v3 =	vadd.s32 v1, v3  }
0x7b: {  	[tilespmem:s14], [sflag:$0x1] =	stream.indirect_vreg.gather [hbm4b:s3+s1], $0x80, v4, vm0, $0xb8;
	[tilespmem:$0x18180] =	vst v63  }
0x7c: {  	s14 =	simm.s32 $0xA980  }
0x7d: {  	[tilespmem:s14], [sflag:$0x1] =	stream.indirect_vreg.gather [hbm4b:s9+s1], $0x80, v4, vm0, $0xb8;
	[tilespmem:$0x18180] =	vst v63  }
0x7e: {  	s14 =	simm.s32 $0xB180  }
0x7f: {  	[tilespmem:s14], [sflag:$0x1] =	stream.indirect_vreg.gather [hbm4b:s3+s1], $0x80, v3, vm0, $0xb8;
	[tilespmem:$0x18180] =	vst v63  }
0x80: {  	s14 =	simm.s32 $0xB980  }
0x81: {  	[tilespmem:s14], [sflag:$0x1] =	stream.indirect_vreg.gather [hbm4b:s9+s1], $0x80, v3, vm0, $0xb8;
	[tilespmem:$0x18180] =	vst v63  }
0x82: {  	v3 =	vld [tilespmem:$0xA0];
	_ =	sdelay $0x4  }
0x83: {  	v58 =	vshll.u32 v3, $0x2  }
0x84: {  	v3 =	vand.u32 $0x7, v3;
	v4 =	vand.u32 $0xFFFFFFE0, v58  }
0x85: {  	v3 =	vor.u32 v3, v4  }
0x86: {  	v4 =	vperm.xlane v3, v0;
	_ =	sdelay $0x1  }
0x87: {  	v4 =	vadd.s32 v1, v4;
	_ =	sdelay $0x1  }
0x88: {  	v3 =	vperm.xlane v3, v2;
	_ =	sdelay $0x1  }
0x89: {  	s14 =	simm.s32 $0xC180;
	v3 =	vadd.s32 v1, v3  }
0x8a: {  	[tilespmem:s14], [sflag:$0x1] =	stream.indirect_vreg.gather [hbm4b:s3+s1], $0x80, v4, vm0, $0xb8;
	[tilespmem:$0x18180] =	vst v63  }
0x8b: {  	s14 =	simm.s32 $0xC980  }
0x8c: {  	[tilespmem:s14], [sflag:$0x1] =	stream.indirect_vreg.gather [hbm4b:s9+s1], $0x80, v4, vm0, $0xb8;
	[tilespmem:$0x18180] =	vst v63  }
0x8d: {  	s14 =	simm.s32 $0xD180  }
0x8e: {  	[tilespmem:s14], [sflag:$0x1] =	stream.indirect_vreg.gather [hbm4b:s3+s1], $0x80, v3, vm0, $0xb8;
	[tilespmem:$0x18180] =	vst v63  }
0x8f: {  	s14 =	simm.s32 $0xD980  }
0x90: {  	[tilespmem:s14], [sflag:$0x1] =	stream.indirect_vreg.gather [hbm4b:s9+s1], $0x80, v3, vm0, $0xb8;
	[tilespmem:$0x18180] =	vst v63  }
0x91: {  	v3 =	vld [tilespmem:$0xB0];
	_ =	sdelay $0x4  }
0x92: {  	v59 =	vshll.u32 v3, $0x2  }
0x93: {  	v3 =	vand.u32 $0x7, v3;
	v4 =	vand.u32 $0xFFFFFFE0, v59  }
0x94: {  	v3 =	vor.u32 v3, v4  }
0x95: {  	v4 =	vperm.xlane v3, v0;
	_ =	sdelay $0x1  }
0x96: {  	v4 =	vadd.s32 v1, v4;
	_ =	sdelay $0x1  }
0x97: {  	v3 =	vperm.xlane v3, v2;
	_ =	sdelay $0x1  }
0x98: {  	s14 =	simm.s32 $0xE180;
	v3 =	vadd.s32 v1, v3  }
0x99: {  	[tilespmem:s14], [sflag:$0x1] =	stream.indirect_vreg.gather [hbm4b:s3+s1], $0x80, v4, vm0, $0xb8;
	[tilespmem:$0x18180] =	vst v63  }
0x9a: {  	s14 =	simm.s32 $0xE980  }
0x9b: {  	[tilespmem:s14], [sflag:$0x1] =	stream.indirect_vreg.gather [hbm4b:s9+s1], $0x80, v4, vm0, $0xb8;
	[tilespmem:$0x18180] =	vst v63  }
0x9c: {  	s14 =	simm.s32 $0xF180  }
0x9d: {  	[tilespmem:s14], [sflag:$0x1] =	stream.indirect_vreg.gather [hbm4b:s3+s1], $0x80, v3, vm0, $0xb8;
	[tilespmem:$0x18180] =	vst v63  }
0x9e: {  	s14 =	simm.s32 $0xF980  }
0x9f: {  	[tilespmem:s14], [sflag:$0x1] =	stream.indirect_vreg.gather [hbm4b:s9+s1], $0x80, v3, vm0, $0xb8;
	[tilespmem:$0x18180] =	vst v63  }
0xa0: {  	_ =	swait.ge [sflag:s2], $0x8000  }
0xa1: {  	s23 =	sshll.u32 s23, $0x6;
	[sflag:s2] =	ssyncset.done $0x0  }
0xa2: {  	s14 =	sadd.s32 s5, s23;
	s23 =	simm.s32 @!p0 $0x2;
	[sflag:s2] =	ssyncadd.s32 $0xFFFF8000  }
0xa3: {  	[hbm4b:s14+s1] =	stream.linear.scatter [tilespmem:s11], [sflag:$0x2], $0x8000, $0x38;
	[tilespmem:$0x18180] =	vst v63  }
0xa4: {  	s14 =	sadd.s32 s8, s22;
	_ =	swait.ge @!p0 [sflag:s23], $0x8000  }
0xa5: {  	s22 =	sshrl.u32 s14, $0x3;
	[sflag:s23] =	ssyncset.done @!p0 $0x0  }
0xa6: {  	s22 =	sadd.s32 s4, s22;
	[sflag:s23] =	ssyncadd.s32 @!p0 $0xFFFF8000;
	s23 =	simm.s32 $0x100  }
0xa7: {  	[tilespmem:s23], [sflag:$0x3] =	stream.linear.gather [hbm4b:s22+s1], $0x40, $0x38;
	[tilespmem:$0x18180] =	vst v63  }
0xa8: {  	_ =	swait.ge [sflag:s15], $0x40  }
0xa9: {  	[sflag:s15] =	ssyncset.done $0x0  }
0xaa: {  	[sflag:s15] =	ssyncadd.s32 $0xFFFFFFC0  }
0xab: {  	v3 =	vld [tilespmem:$0x100];
	_ =	sdelay $0x4  }
0xac: {  	v60 =	vshll.u32 v3, $0x2  }
0xad: {  	v3 =	vand.u32 $0x7, v3;
	v4 =	vand.u32 $0xFFFFFFE0, v60  }
0xae: {  	v3 =	vor.u32 v3, v4  }
0xaf: {  	v4 =	vperm.xlane v3, v0;
	_ =	sdelay $0x1  }
0xb0: {  	v4 =	vadd.s32 v1, v4;
	_ =	sdelay $0x1  }
0xb1: {  	v3 =	vperm.xlane v3, v2;
	_ =	sdelay $0x1  }
0xb2: {  	v3 =	vadd.s32 v1, v3  }
0xb3: {  	[tilespmem:s31], [sflag:$0x1] =	stream.indirect_vreg.gather [hbm4b:s3+s1], $0x80, v4, vm0, $0xb8;
	[tilespmem:$0x18180] =	vst v63  }
0xb4: {  	s22 =	simm.s32 $0x10980  }
0xb5: {  	[tilespmem:s22], [sflag:$0x1] =	stream.indirect_vreg.gather [hbm4b:s9+s1], $0x80, v4, vm0, $0xb8;
	[tilespmem:$0x18180] =	vst v63  }
0xb6: {  	s23 =	simm.s32 $0x11180  }
0xb7: {  	[tilespmem:s23], [sflag:$0x1] =	stream.indirect_vreg.gather [hbm4b:s3+s1], $0x80, v3, vm0, $0xb8;
	[tilespmem:$0x18180] =	vst v63  }
0xb8: {  	s22 =	simm.s32 $0x11980  }
0xb9: {  	[tilespmem:s22], [sflag:$0x1] =	stream.indirect_vreg.gather [hbm4b:s9+s1], $0x80, v3, vm0, $0xb8;
	[tilespmem:$0x18180] =	vst v63  }
0xba: {  	v3 =	vld [tilespmem:$0x110];
	_ =	sdelay $0x4  }
0xbb: {  	v61 =	vshll.u32 v3, $0x2  }
0xbc: {  	v3 =	vand.u32 $0x7, v3;
	v4 =	vand.u32 $0xFFFFFFE0, v61  }
0xbd: {  	v3 =	vor.u32 v3, v4  }
0xbe: {  	v4 =	vperm.xlane v3, v0;
	_ =	sdelay $0x1  }
0xbf: {  	v4 =	vadd.s32 v1, v4;
	_ =	sdelay $0x1  }
0xc0: {  	v3 =	vperm.xlane v3, v2;
	_ =	sdelay $0x1  }
0xc1: {  	s23 =	simm.s32 $0x12180;
	v3 =	vadd.s32 v1, v3  }
0xc2: {  	[tilespmem:s23], [sflag:$0x1] =	stream.indirect_vreg.gather [hbm4b:s3+s1], $0x80, v4, vm0, $0xb8;
	[tilespmem:$0x18180] =	vst v63  }
0xc3: {  	s22 =	simm.s32 $0x12980  }
0xc4: {  	[tilespmem:s22], [sflag:$0x1] =	stream.indirect_vreg.gather [hbm4b:s9+s1], $0x80, v4, vm0, $0xb8;
	[tilespmem:$0x18180] =	vst v63  }
0xc5: {  	s23 =	simm.s32 $0x13180  }
0xc6: {  	[tilespmem:s23], [sflag:$0x1] =	stream.indirect_vreg.gather [hbm4b:s3+s1], $0x80, v3, vm0, $0xb8;
	[tilespmem:$0x18180] =	vst v63  }
0xc7: {  	s22 =	simm.s32 $0x13980  }
0xc8: {  	[tilespmem:s22], [sflag:$0x1] =	stream.indirect_vreg.gather [hbm4b:s9+s1], $0x80, v3, vm0, $0xb8;
	[tilespmem:$0x18180] =	vst v63  }
0xc9: {  	v3 =	vld [tilespmem:$0x120];
	_ =	sdelay $0x4  }
0xca: {  	v62 =	vshll.u32 v3, $0x2  }
0xcb: {  	v3 =	vand.u32 $0x7, v3;
	v4 =	vand.u32 $0xFFFFFFE0, v62  }
0xcc: {  	v3 =	vor.u32 v3, v4  }
0xcd: {  	v4 =	vperm.xlane v3, v0;
	_ =	sdelay $0x1  }
0xce: {  	v4 =	vadd.s32 v1, v4;
	_ =	sdelay $0x1  }
0xcf: {  	v3 =	vperm.xlane v3, v2;
	_ =	sdelay $0x1  }
0xd0: {  	s23 =	simm.s32 $0x14180;
	v3 =	vadd.s32 v1, v3  }
0xd1: {  	[tilespmem:s23], [sflag:$0x1] =	stream.indirect_vreg.gather [hbm4b:s3+s1], $0x80, v4, vm0, $0xb8;
	[tilespmem:$0x18180] =	vst v63  }
0xd2: {  	s22 =	simm.s32 $0x14980  }
0xd3: {  	[tilespmem:s22], [sflag:$0x1] =	stream.indirect_vreg.gather [hbm4b:s9+s1], $0x80, v4, vm0, $0xb8;
	[tilespmem:$0x18180] =	vst v63  }
0xd4: {  	s23 =	simm.s32 $0x15180  }
0xd5: {  	[tilespmem:s23], [sflag:$0x1] =	stream.indirect_vreg.gather [hbm4b:s3+s1], $0x80, v3, vm0, $0xb8;
	[tilespmem:$0x18180] =	vst v63  }
0xd6: {  	s22 =	simm.s32 $0x15980  }
0xd7: {  	[tilespmem:s22], [sflag:$0x1] =	stream.indirect_vreg.gather [hbm4b:s9+s1], $0x80, v3, vm0, $0xb8;
	[tilespmem:$0x18180] =	vst v63  }
0xd8: {  	v3 =	vld [tilespmem:$0x130];
	_ =	sdelay $0x4  }
0xd9: {  	v63 =	vshll.u32 v3, $0x2  }
0xda: {  	v3 =	vand.u32 $0x7, v3;
	v4 =	vand.u32 $0xFFFFFFE0, v63  }
0xdb: {  	v3 =	vor.u32 v3, v4  }
0xdc: {  	v4 =	vperm.xlane v3, v0;
	_ =	sdelay $0x1  }
0xdd: {  	v4 =	vadd.s32 v1, v4;
	_ =	sdelay $0x1  }
0xde: {  	v3 =	vperm.xlane v3, v2;
	_ =	sdelay $0x1  }
0xdf: {  	s23 =	simm.s32 $0x16180;
	v3 =	vadd.s32 v1, v3  }
0xe0: {  	[tilespmem:s23], [sflag:$0x1] =	stream.indirect_vreg.gather [hbm4b:s3+s1], $0x80, v4, vm0, $0xb8;
	[tilespmem:$0x18180] =	vst v63  }
0xe1: {  	s22 =	simm.s32 $0x16980  }
0xe2: {  	[tilespmem:s22], [sflag:$0x1] =	stream.indirect_vreg.gather [hbm4b:s9+s1], $0x80, v4, vm0, $0xb8;
	[tilespmem:$0x18180] =	vst v63  }
0xe3: {  	s23 =	simm.s32 $0x17180  }
0xe4: {  	[tilespmem:s23], [sflag:$0x1] =	stream.indirect_vreg.gather [hbm4b:s3+s1], $0x80, v3, vm0, $0xb8;
	[tilespmem:$0x18180] =	vst v63  }
0xe5: {  	p2 =	por p0, p0;
	s23 =	simm.s32 $0x17980  }
0xe6: {  	[tilespmem:s23], [sflag:$0x1] =	stream.indirect_vreg.gather [hbm4b:s9+s1], $0x80, v3, vm0, $0xb8;
	[tilespmem:$0x18180] =	vst v63  }
.Ltmp0:
0xe7: {  	_ = 	snop;
	(pc) =	sbr.rel @p2 .LBB2_2-.Ltmp0, $4  }
0xe8: {  	s14 =	sshll.u32 s14, $0x6;
	_ =	swait.ge [sflag:s2], $0x8000  }
0xe9: {  	p1 =	por $0x1, $0x1;
	s14 =	sadd.s32 s5, s14;
	[sflag:s2] =	ssyncset.done $0x0  }
0xea: {  	p0 =	por $0x0, $0x0;
	s22 =	simm.s32 $0xC0;
	[sflag:s2] =	ssyncadd.s32 $0xFFFF8000  }
0xeb: {  	[hbm4b:s14+s1] =	stream.linear.scatter [tilespmem:s31], [sflag:$0x2], $0x8000, $0x38;
	[tilespmem:$0x18180] =	vst v63  }
0xec: {  	s22 =	simm.s32 $0x2  }
0xed: {  	_ =	swait.ge [sflag:s22], $0x8000  }
0xee: {  	[sflag:s22] =	ssyncset.done $0x0  }
0xef: {  	s14 =	rddreg [dreg:$0x2];
	[sflag:s22] =	ssyncadd.s32 $0xFFFF8000  }
0xf0: {  	[tilespmem:s1], [sflag:$0x3] =	stream.linear.gather [hbm4b:s14+s1], $0x40, $0x38;
	[tilespmem:$0x18180] =	vst v63  }
0xf1: {  	_ =	swait.ge [sflag:s15], $0x40  }
0xf2: {  	[sflag:s15] =	ssyncset.done $0x0  }
0xf3: {  	[sflag:s15] =	ssyncadd.s32 $0xFFFFFFC0  }
0xf4: {  	v3 =	vld [tilespmem:$0x0];
	_ =	sdelay $0x4  }
0xf5: {  	v4 =	vshll.u32 v3, $0x2  }
0xf6: {  	v3 =	vand.u32 $0x7, v3;
	v4 =	vand.u32 $0xFFFFFFE0, v4  }
0xf7: {  	v3 =	vor.u32 v3, v4  }
0xf8: {  	v4 =	vperm.xlane v3, v0;
	_ =	sdelay $0x1  }
0xf9: {  	v4 =	vadd.s32 v1, v4;
	_ =	sdelay $0x1  }
0xfa: {  	v3 =	vperm.xlane v3, v2;
	_ =	sdelay $0x1  }
0xfb: {  	v3 =	vadd.s32 v1, v3  }
0xfc: {  	[tilespmem:s16], [sflag:$0x1] =	stream.indirect_vreg.gather [hbm4b:s3+s1], $0x80, v4, vm0, $0xb8;
	[tilespmem:$0x18180] =	vst v63  }
0xfd: {  	_ = 	snop  }
0xfe: {  	[tilespmem:s24], [sflag:$0x1] =	stream.indirect_vreg.gather [hbm4b:s9+s1], $0x80, v4, vm0, $0xb8;
	[tilespmem:$0x18180] =	vst v63  }
0xff: {  	_ = 	snop  }
0x100: {  	[tilespmem:s17], [sflag:$0x1] =	stream.indirect_vreg.gather [hbm4b:s3+s1], $0x80, v3, vm0, $0xb8;
	[tilespmem:$0x18180] =	vst v63  }
0x101: {  	_ = 	snop  }
0x102: {  	[tilespmem:s25], [sflag:$0x1] =	stream.indirect_vreg.gather [hbm4b:s9+s1], $0x80, v3, vm0, $0xb8;
	[tilespmem:$0x18180] =	vst v63  }
0x103: {  	v3 =	vld [tilespmem:$0x10];
	_ =	sdelay $0x4  }
0x104: {  	v57 =	vshll.u32 v3, $0x2  }
0x105: {  	v3 =	vand.u32 $0x7, v3;
	v4 =	vand.u32 $0xFFFFFFE0, v57  }
0x106: {  	v3 =	vor.u32 v3, v4  }
0x107: {  	v4 =	vperm.xlane v3, v0;
	_ =	sdelay $0x1  }
0x108: {  	v4 =	vadd.s32 v1, v4;
	_ =	sdelay $0x1  }
0x109: {  	v3 =	vperm.xlane v3, v2;
	_ =	sdelay $0x1  }
0x10a: {  	v3 =	vadd.s32 v1, v3  }
0x10b: {  	[tilespmem:s18], [sflag:$0x1] =	stream.indirect_vreg.gather [hbm4b:s3+s1], $0x80, v4, vm0, $0xb8;
	[tilespmem:$0x18180] =	vst v63  }
0x10c: {  	_ = 	snop  }
0x10d: {  	[tilespmem:s26], [sflag:$0x1] =	stream.indirect_vreg.gather [hbm4b:s9+s1], $0x80, v4, vm0, $0xb8;
	[tilespmem:$0x18180] =	vst v63  }
0x10e: {  	_ = 	snop  }
0x10f: {  	[tilespmem:s28], [sflag:$0x1] =	stream.indirect_vreg.gather [hbm4b:s3+s1], $0x80, v3, vm0, $0xb8;
	[tilespmem:$0x18180] =	vst v63  }
0x110: {  	_ = 	snop  }
0x111: {  	[tilespmem:s0], [sflag:$0x1] =	stream.indirect_vreg.gather [hbm4b:s9+s1], $0x80, v3, vm0, $0xb8;
	[tilespmem:$0x18180] =	vst v63  }
0x112: {  	v3 =	vld [tilespmem:$0x20];
	_ =	sdelay $0x4  }
0x113: {  	v58 =	vshll.u32 v3, $0x2  }
0x114: {  	v3 =	vand.u32 $0x7, v3;
	v4 =	vand.u32 $0xFFFFFFE0, v58  }
0x115: {  	v3 =	vor.u32 v3, v4  }
0x116: {  	v4 =	vperm.xlane v3, v0;
	_ =	sdelay $0x1  }
0x117: {  	v4 =	vadd.s32 v1, v4;
	_ =	sdelay $0x1  }
0x118: {  	v3 =	vperm.xlane v3, v2;
	_ =	sdelay $0x1  }
0x119: {  	v3 =	vadd.s32 v1, v3  }
0x11a: {  	[tilespmem:s29], [sflag:$0x1] =	stream.indirect_vreg.gather [hbm4b:s3+s1], $0x80, v4, vm0, $0xb8;
	[tilespmem:$0x18180] =	vst v63  }
0x11b: {  	_ = 	snop  }
0x11c: {  	[tilespmem:s19], [sflag:$0x1] =	stream.indirect_vreg.gather [hbm4b:s9+s1], $0x80, v4, vm0, $0xb8;
	[tilespmem:$0x18180] =	vst v63  }
0x11d: {  	_ = 	snop  }
0x11e: {  	[tilespmem:s10], [sflag:$0x1] =	stream.indirect_vreg.gather [hbm4b:s3+s1], $0x80, v3, vm0, $0xb8;
	[tilespmem:$0x18180] =	vst v63  }
0x11f: {  	_ = 	snop  }
0x120: {  	[tilespmem:s20], [sflag:$0x1] =	stream.indirect_vreg.gather [hbm4b:s9+s1], $0x80, v3, vm0, $0xb8;
	[tilespmem:$0x18180] =	vst v63  }
0x121: {  	v3 =	vld [tilespmem:$0x30];
	_ =	sdelay $0x4  }
0x122: {  	v59 =	vshll.u32 v3, $0x2  }
0x123: {  	v3 =	vand.u32 $0x7, v3;
	v4 =	vand.u32 $0xFFFFFFE0, v59  }
0x124: {  	v3 =	vor.u32 v3, v4  }
0x125: {  	v4 =	vperm.xlane v3, v0;
	_ =	sdelay $0x1  }
0x126: {  	v4 =	vadd.s32 v1, v4;
	_ =	sdelay $0x1  }
0x127: {  	v3 =	vperm.xlane v3, v2;
	_ =	sdelay $0x1  }
0x128: {  	v3 =	vadd.s32 v1, v3  }
0x129: {  	[tilespmem:s12], [sflag:$0x1] =	stream.indirect_vreg.gather [hbm4b:s3+s1], $0x80, v4, vm0, $0xb8;
	[tilespmem:$0x18180] =	vst v63  }
0x12a: {  	_ = 	snop  }
0x12b: {  	[tilespmem:s21], [sflag:$0x1] =	stream.indirect_vreg.gather [hbm4b:s9+s1], $0x80, v4, vm0, $0xb8;
	[tilespmem:$0x18180] =	vst v63  }
0x12c: {  	_ = 	snop  }
0x12d: {  	[tilespmem:s13], [sflag:$0x1] =	stream.indirect_vreg.gather [hbm4b:s3+s1], $0x80, v3, vm0, $0xb8;
	[tilespmem:$0x18180] =	vst v63  }
0x12e: {  	s14 =	simm.s32 $0x7980  }
0x12f: {  	[tilespmem:s14], [sflag:$0x1] =	stream.indirect_vreg.gather [hbm4b:s9+s1], $0x80, v3, vm0, $0xb8;
	[tilespmem:$0x18180] =	vst v63  }
0x130: {  	_ =	swait.ge [sflag:s2], $0x8000  }
0x131: {  	[sflag:s2] =	ssyncset.done $0x0  }
0x132: {  	s23 =	rddreg [dreg:$0x3];
	[sflag:s2] =	ssyncadd.s32 $0xFFFF8000  }
0x133: {  	[hbm4b:s23+s1] =	stream.linear.scatter [tilespmem:s16], [sflag:$0x2], $0x8000, $0x38;
	[tilespmem:$0x18180] =	vst v63  }
0x134: {  	_ =	swait.ge [sflag:s22], $0x8000  }
0x135: {  	[sflag:s22] =	ssyncset.done $0x0  }
0x136: {  	s0 =	rddreg [dreg:$0x4];
	[sflag:s22] =	ssyncadd.s32 $0xFFFF8000  }
0x137: {  	[tilespmem:s30], [sflag:$0x3] =	stream.linear.gather [hbm4b:s0+s1], $0x40, $0x38;
	[tilespmem:$0x18180] =	vst v63  }
0x138: {  	_ =	swait.ge [sflag:s15], $0x40  }
0x139: {  	[sflag:s15] =	ssyncset.done $0x0  }
0x13a: {  	[sflag:s15] =	ssyncadd.s32 $0xFFFFFFC0  }
0x13b: {  	v3 =	vld [tilespmem:$0x80];
	_ =	sdelay $0x4  }
0x13c: {  	v60 =	vshll.u32 v3, $0x2  }
0x13d: {  	v3 =	vand.u32 $0x7, v3;
	v4 =	vand.u32 $0xFFFFFFE0, v60  }
0x13e: {  	v3 =	vor.u32 v3, v4  }
0x13f: {  	v4 =	vperm.xlane v3, v0;
	_ =	sdelay $0x1  }
0x140: {  	v4 =	vadd.s32 v1, v4;
	_ =	sdelay $0x1  }
0x141: {  	v3 =	vperm.xlane v3, v2;
	_ =	sdelay $0x1  }
0x142: {  	v3 =	vadd.s32 v1, v3  }
0x143: {  	[tilespmem:s11], [sflag:$0x1] =	stream.indirect_vreg.gather [hbm4b:s3+s1], $0x80, v4, vm0, $0xb8;
	[tilespmem:$0x18180] =	vst v63  }
0x144: {  	s14 =	simm.s32 $0x8980  }
0x145: {  	[tilespmem:s14], [sflag:$0x1] =	stream.indirect_vreg.gather [hbm4b:s9+s1], $0x80, v4, vm0, $0xb8;
	[tilespmem:$0x18180] =	vst v63  }
0x146: {  	s23 =	simm.s32 $0x9180  }
0x147: {  	[tilespmem:s23], [sflag:$0x1] =	stream.indirect_vreg.gather [hbm4b:s3+s1], $0x80, v3, vm0, $0xb8;
	[tilespmem:$0x18180] =	vst v63  }
0x148: {  	s30 =	simm.s32 $0x9980  }
0x149: {  	[tilespmem:s30], [sflag:$0x1] =	stream.indirect_vreg.gather [hbm4b:s9+s1], $0x80, v3, vm0, $0xb8;
	[tilespmem:$0x18180] =	vst v63  }
0x14a: {  	v3 =	vld [tilespmem:$0x90];
	_ =	sdelay $0x4  }
0x14b: {  	v61 =	vshll.u32 v3, $0x2  }
0x14c: {  	v3 =	vand.u32 $0x7, v3;
	v4 =	vand.u32 $0xFFFFFFE0, v61  }
0x14d: {  	v3 =	vor.u32 v3, v4  }
0x14e: {  	v4 =	vperm.xlane v3, v0;
	_ =	sdelay $0x1  }
0x14f: {  	v4 =	vadd.s32 v1, v4;
	_ =	sdelay $0x1  }
0x150: {  	v3 =	vperm.xlane v3, v2;
	_ =	sdelay $0x1  }
0x151: {  	s14 =	simm.s32 $0xA180;
	v3 =	vadd.s32 v1, v3  }
0x152: {  	[tilespmem:s14], [sflag:$0x1] =	stream.indirect_vreg.gather [hbm4b:s3+s1], $0x80, v4, vm0, $0xb8;
	[tilespmem:$0x18180] =	vst v63  }
0x153: {  	s23 =	simm.s32 $0xA980  }
0x154: {  	[tilespmem:s23], [sflag:$0x1] =	stream.indirect_vreg.gather [hbm4b:s9+s1], $0x80, v4, vm0, $0xb8;
	[tilespmem:$0x18180] =	vst v63  }
0x155: {  	s30 =	simm.s32 $0xB180  }
0x156: {  	[tilespmem:s30], [sflag:$0x1] =	stream.indirect_vreg.gather [hbm4b:s3+s1], $0x80, v3, vm0, $0xb8;
	[tilespmem:$0x18180] =	vst v63  }
0x157: {  	s14 =	simm.s32 $0xB980  }
0x158: {  	[tilespmem:s14], [sflag:$0x1] =	stream.indirect_vreg.gather [hbm4b:s9+s1], $0x80, v3, vm0, $0xb8;
	[tilespmem:$0x18180] =	vst v63  }
0x159: {  	v3 =	vld [tilespmem:$0xA0];
	_ =	sdelay $0x4  }
0x15a: {  	v62 =	vshll.u32 v3, $0x2  }
0x15b: {  	v3 =	vand.u32 $0x7, v3;
	v4 =	vand.u32 $0xFFFFFFE0, v62  }
0x15c: {  	v3 =	vor.u32 v3, v4  }
0x15d: {  	v4 =	vperm.xlane v3, v0;
	_ =	sdelay $0x1  }
0x15e: {  	v4 =	vadd.s32 v1, v4;
	_ =	sdelay $0x1  }
0x15f: {  	v3 =	vperm.xlane v3, v2;
	_ =	sdelay $0x1  }
0x160: {  	s23 =	simm.s32 $0xC180;
	v3 =	vadd.s32 v1, v3  }
0x161: {  	[tilespmem:s23], [sflag:$0x1] =	stream.indirect_vreg.gather [hbm4b:s3+s1], $0x80, v4, vm0, $0xb8;
	[tilespmem:$0x18180] =	vst v63  }
0x162: {  	s30 =	simm.s32 $0xC980  }
0x163: {  	[tilespmem:s30], [sflag:$0x1] =	stream.indirect_vreg.gather [hbm4b:s9+s1], $0x80, v4, vm0, $0xb8;
	[tilespmem:$0x18180] =	vst v63  }
0x164: {  	s14 =	simm.s32 $0xD180  }
0x165: {  	[tilespmem:s14], [sflag:$0x1] =	stream.indirect_vreg.gather [hbm4b:s3+s1], $0x80, v3, vm0, $0xb8;
	[tilespmem:$0x18180] =	vst v63  }
0x166: {  	s23 =	simm.s32 $0xD980  }
0x167: {  	[tilespmem:s23], [sflag:$0x1] =	stream.indirect_vreg.gather [hbm4b:s9+s1], $0x80, v3, vm0, $0xb8;
	[tilespmem:$0x18180] =	vst v63  }
0x168: {  	v3 =	vld [tilespmem:$0xB0];
	_ =	sdelay $0x4  }
0x169: {  	v63 =	vshll.u32 v3, $0x2  }
0x16a: {  	v3 =	vand.u32 $0x7, v3;
	v4 =	vand.u32 $0xFFFFFFE0, v63  }
0x16b: {  	v3 =	vor.u32 v3, v4  }
0x16c: {  	v4 =	vperm.xlane v3, v0;
	_ =	sdelay $0x1  }
0x16d: {  	v4 =	vadd.s32 v1, v4;
	_ =	sdelay $0x1  }
0x16e: {  	v3 =	vperm.xlane v3, v2;
	_ =	sdelay $0x1  }
0x16f: {  	s30 =	simm.s32 $0xE180;
	v3 =	vadd.s32 v1, v3  }
0x170: {  	[tilespmem:s30], [sflag:$0x1] =	stream.indirect_vreg.gather [hbm4b:s3+s1], $0x80, v4, vm0, $0xb8;
	[tilespmem:$0x18180] =	vst v63  }
0x171: {  	s14 =	simm.s32 $0xE980  }
0x172: {  	[tilespmem:s14], [sflag:$0x1] =	stream.indirect_vreg.gather [hbm4b:s9+s1], $0x80, v4, vm0, $0xb8;
	[tilespmem:$0x18180] =	vst v63  }
0x173: {  	s23 =	simm.s32 $0xF180  }
0x174: {  	[tilespmem:s23], [sflag:$0x1] =	stream.indirect_vreg.gather [hbm4b:s3+s1], $0x80, v3, vm0, $0xb8;
	[tilespmem:$0x18180] =	vst v63  }
0x175: {  	s30 =	simm.s32 $0xF980  }
0x176: {  	[tilespmem:s30], [sflag:$0x1] =	stream.indirect_vreg.gather [hbm4b:s9+s1], $0x80, v3, vm0, $0xb8;
	[tilespmem:$0x18180] =	vst v63  }
0x177: {  	_ =	swait.ge [sflag:s2], $0x8000  }
0x178: {  	[sflag:s2] =	ssyncset.done $0x0  }
0x179: {  	s0 =	rddreg [dreg:$0x5];
	[sflag:s2] =	ssyncadd.s32 $0xFFFF8000  }
0x17a: {  	[hbm4b:s0+s1] =	stream.linear.scatter [tilespmem:s11], [sflag:$0x2], $0x8000, $0x38;
	[tilespmem:$0x18180] =	vst v63  }
0x17b: {  	_ =	swait.ge [sflag:s22], $0x8000  }
0x17c: {  	[sflag:s22] =	ssyncset.done $0x0  }
0x17d: {  	[sflag:s22] =	ssyncadd.s32 $0xFFFF8000  }
0x17e: {  	_ =	swait.ge [sflag:s22], $0x8000  }
0x17f: {  	[sflag:s22] =	ssyncset.done $0x0  }
0x180: {  	[sflag:s22] =	ssyncadd.s32 $0xFFFF8000  }
0x181: {  	_ =	swait.ge [sflag:s22], $0x8000  }
0x182: {  	s23 =	rddreg [dreg:$0x7]  }
0x183: {  	s30 =	rddreg [dreg:$0x6];
	s0 =	sadd.s32 $0x1, s23  }
0x184: {  	p0 =	sne.s32 s0, s30  }
.Ltmp1:
0x185: {  	_ = 	snop;
	(pc) =	sbr.rel @p0 .LBB2_1-.Ltmp1, $3  }
0x186: {  	_ =	sdelay $0x1  }
0x187: {  	[sflag:s22] =	ssyncset.done $0x0  }
0x188: {  	[sflag:s22] =	ssyncadd.s32 $0xFFFF8000  }
0x189: {  	_ =	sfence.sel $0x180000  }
0x18a: {  	[bflag:$0x0] =	sbarrier.arrive $0xFFFF  }
0x18b: {  	_ =	strace $0x9000004D  }
0x18c: {  	s0 =	stileid.u32;
	[bflag:$0x2] =	sbarrier.arrive $0xFFFF  }
0x18d: {  	p0 =	sne.s32 s0, $0x0;
	s0 =	rddreg [dreg:$0x1]  }
0x18e: {  	s0 =	sadd.s32 @!p0 $0x100000, s0  }
0x18f: {  	[sflag:s0] =	ssyncadd.tile.s32 @!p0 $0x1;
	_ =	shalt  }
.Lfunc_end2:
_tile_overlayer_lowered:
.L_overlay_start_2:
0x190: {  	(tag) =	ssettag $0x2  }
0x191: {  	s0 =	rddreg [dreg:$0x0];
	s2 =	stileid.u32  }
0x192: {  	s1 =	rddreg [dreg:$0x1];
	p0 =	sne.s32 s2, $0x0  }
0x193: {  	s3 =	rddreg [dreg:$0x2];
	[bflag:$0x3] =	sbarrier.arrive $0xFFFF;
	s2 =	simm.s32 @!p0 $0x1C03  }
0x194: {  	[timem:s3], [sflag:s2] =	dma.local @!p0 [hbm:s0], s1  }
0x195: {  	s0 =	simm.s32 @!p0 $0x3  }
0x196: {  	_ =	swait.ge @!p0 [sflag:s0], s1  }
0x197: {  	s1 =	ssub.s32 @!p0 $0x0, s1;
	[sflag:s0] =	ssyncset.done @!p0 $0x0  }
0x198: {  	[sflag:s0] =	ssyncadd.s32 @!p0 s1  }
0x199: {  	[bflag:$0x3] =	sbarrier.arrive $0xFFFF  }
0x19a: {  	_ =	shalt  }

// kernel: kernel.7.cloned.1.call-start
scs
__scs_entry_jumppad:
0x0: {  	(pc) =	sbr.rel $0x88, $3  }
0x1: {  	(tag) =	ssettag $0x0;
	lr =	simm.s32 $0x1  }
0x2: {  	[smem:$0x3F94] =	sst lr;
	_ =	strace $0xD0000000  }
0x3: {  	_ = 	snop  }
0x4: {  	_ = 	snop  }
0x5: {  	_ = 	snop  }
0x6: {  	_ = 	snop  }
0x7: {  	_ = 	snop  }
__scs_overlays_trampoline_lowered:
0x8: {  	[smem:$0x3FA3] =	sst s0  }
0x9: {  	[smem:$0x3FA4] =	sst s1  }
0xa: {  	[smem:$0x3FA5] =	sst s2  }
0xb: {  	[smem:$0x3FA6] =	sst s3  }
0xc: {  	[smem:$0x3FA7] =	sst s4  }
0xd: {  	[smem:$0x3FA8] =	sst s5  }
0xe: {  	[smem:$0x3FA9] =	sst s6  }
0xf: {  	[smem:$0x3FAA] =	sst s7  }
0x10: {  	[smem:$0x3FAB] =	sst s8  }
0x11: {  	[smem:$0x3FAC] =	sst s9;
	s0 =	simm.s32 @!p0 $0x0  }
0x12: {  	s1 =	sld [smem:$0x3F92];
	s0 =	simm.s32 @p0 $0x1  }
0x13: {  	[smem:$0x3FAD] =	sst s0;
	s0 =	simm.s32 @!p1 $0x0  }
0x14: {  	s2 =	sld [smem:$0x3F91];
	s0 =	simm.s32 @p1 $0x1  }
0x15: {  	[smem:$0x3FAE] =	sst s0;
	s0 =	simm.s32 @!p2 $0x0  }
0x16: {  	s3 =	sld [smem:$0x3FDB];
	s0 =	simm.s32 @p2 $0x1  }
0x17: {  	s4 =	simm.s32 $0x1BF5;
	[smem:$0x3FB0] =	sst s0  }
0x18: {  	s0 =	sld [smem:$0x3F93];
	_ =	swait.ge [sflag:s4], $0x0  }
0x19: {  	s7 =	sld [smem:$0x3F94]  }
0x1a: {  	s8 =	sadd.s32 $0xFFFFE003, lr  }
0x1b: {  	s9 =	sadd.s32 $0xFFFFFEF7, lr;
	s5 =	simm.s32 $0xFFFFFFFF;
	p2 =	slt.u32 s8, $0xFFFFF086  }
0x1c: {  	p1 =	slt.u32 s9, $0xF7A;
	s5 =	simm.s32 @!p2 $0x0  }
0x1d: {  	s5 =	simm.s32 @p1 $0x1;
	p0 =	seq.s32 s7, s2  }
0x1e: {  	s7 =	smul.u32 @!p0 $0xF7A, s2;
	p2 =	seq.s32 @!p0 s5, $0x0  }
0x1f: {  	s9 =	smul.u32 $0xF7A, s1;
	s8 =	simm.s32 @!p0 $0x1BF5;
	p2 =	por !p2, p0  }
0x20: {  	[sflag:s8] =	ssyncset.s32 @!p0 $0xFFFFF086;
	s6 =	sadd.s32 @!p0 s3, s7;
	s7 =	simm.s32 @!p0 $0x108  }
0x21: {  	s3 =	sadd.s32 s3, s9;
	s6 =	sadd.s32 @!p0 $0x88, s6;
	s7 =	simm.s32 @p2 $0x1082  }
0x22: {  	[simem:s7], [sflag:s8] =	dma.local @!p0 [hbm:s6], $0xF7A  }
0x23: {  	s9 =	sor.u32 $0xD0000000, s2;
	s6 =	simm.s32 $0x108;
	_ =	swait.ge @!p0 [sflag:s8], $0x0  }
0x24: {  	s3 =	sadd.s32 $0x88, s3;
	s6 =	simm.s32 @!p1 $0x1082;
	[sflag:s4] =	ssyncset.s32 $0xFFFFF086  }
0x25: {  	[simem:s6], [sflag:s4] =	dma.local [hbm:s3], $0xF7A  }
0x26: {  	[smem:$0x3F94] =	sst s1;
	(tag) =	ssettag s2;
	_ =	strace s9  }
0x27: {  	s1 =	sld [smem:$0x3FA4]  }
0x28: {  	s2 =	sld [smem:$0x3FA5]  }
0x29: {  	s4 =	sld [smem:$0x3FA7]  }
0x2a: {  	p0 =	seq.s32 s5, $0x0;
	s5 =	sld [smem:$0x3FA8]  }
0x2b: {  	s6 =	sld [smem:$0x3FA9]  }
0x2c: {  	s7 =	sld [smem:$0x3FAA]  }
0x2d: {  	s3 =	simm.s32 $0x108;
	s8 =	sld [smem:$0x3FAB]  }
0x2e: {  	s3 =	simm.s32 @!p0 $0x1082;
	s9 =	sld [smem:$0x3FAC]  }
0x2f: {  	lr =	sadd.s32 s0, s3;
	s0 =	sld [smem:$0x3FA3]  }
0x30: {  	s3 =	sld [smem:$0x3FA6]  }
0x31: {  	[smem:$0x3FAF] =	sst s10  }
0x32: {  	s10 =	sld [smem:$0x3FAD];
	_ =	sdelay $0x3  }
0x33: {  	p0 =	seq.s32 s10, $0x1;
	s10 =	sld [smem:$0x3FAF];
	_ =	sdelay $0x3  }
0x34: {  	[smem:$0x3FAF] =	sst s10  }
0x35: {  	s10 =	sld [smem:$0x3FAE];
	_ =	sdelay $0x3  }
0x36: {  	p1 =	seq.s32 s10, $0x1;
	s10 =	sld [smem:$0x3FAF];
	_ =	sdelay $0x3  }
0x37: {  	[smem:$0x3FAF] =	sst s10  }
0x38: {  	s10 =	sld [smem:$0x3FB0]  }
0x39: {  	_ = 	snop;
	(pc) =	sbr.ind lr, $3  }
0x3a: {  	_ = 	snop  }
0x3b: {  	_ = 	snop  }
0x3c: {  	p2 =	seq.s32 s10, $0x1;
	s10 =	sld [smem:$0x3FAF]  }
0x3d: {  	_ =	shalt  }
0x3e: {  	_ =	shalt  }
0x3f: {  	_ =	shalt  }
0x40: {  	_ =	shalt  }
0x41: {  	_ =	shalt  }
0x42: {  	_ =	shalt  }
0x43: {  	_ =	shalt  }
0x44: {  	_ =	shalt  }
0x45: {  	_ =	shalt  }
0x46: {  	_ =	shalt  }
0x47: {  	_ =	shalt  }
0x48: {  	_ =	shalt  }
0x49: {  	_ =	shalt  }
0x4a: {  	_ =	shalt  }
0x4b: {  	_ =	shalt  }
0x4c: {  	_ =	shalt  }
0x4d: {  	_ =	shalt  }
0x4e: {  	_ =	shalt  }
0x4f: {  	_ =	shalt  }
0x50: {  	_ =	shalt  }
0x51: {  	_ =	shalt  }
0x52: {  	_ =	shalt  }
0x53: {  	_ =	shalt  }
0x54: {  	_ =	shalt  }
0x55: {  	_ =	shalt  }
0x56: {  	_ =	shalt  }
0x57: {  	_ =	shalt  }
0x58: {  	_ =	shalt  }
0x59: {  	_ =	shalt  }
0x5a: {  	_ =	shalt  }
0x5b: {  	_ =	shalt  }
0x5c: {  	_ =	shalt  }
0x5d: {  	_ =	shalt  }
0x5e: {  	_ =	shalt  }
0x5f: {  	_ =	shalt  }
0x60: {  	_ =	shalt  }
0x61: {  	_ =	shalt  }
0x62: {  	_ =	shalt  }
0x63: {  	_ =	shalt  }
0x64: {  	_ =	shalt  }
0x65: {  	_ =	shalt  }
0x66: {  	_ =	shalt  }
0x67: {  	_ =	shalt  }
0x68: {  	_ =	shalt  }
0x69: {  	_ =	shalt  }
0x6a: {  	_ =	shalt  }
0x6b: {  	_ =	shalt  }
0x6c: {  	_ =	shalt  }
0x6d: {  	_ =	shalt  }
0x6e: {  	_ =	shalt  }
0x6f: {  	_ =	shalt  }
0x70: {  	_ =	shalt  }
0x71: {  	_ =	shalt  }
0x72: {  	_ =	shalt  }
0x73: {  	_ =	shalt  }
0x74: {  	_ =	shalt  }
0x75: {  	_ =	shalt  }
0x76: {  	_ =	shalt  }
0x77: {  	_ =	shalt  }
0x78: {  	_ =	shalt  }
0x79: {  	_ =	shalt  }
0x7a: {  	_ =	shalt  }
0x7b: {  	_ =	shalt  }
0x7c: {  	_ =	shalt  }
0x7d: {  	_ =	shalt  }
0x7e: {  	_ =	shalt  }
0x7f: {  	_ =	shalt  }
0x80: {  	_ =	shalt  }
0x81: {  	_ =	shalt  }
0x82: {  	_ =	shalt  }
0x83: {  	_ =	shalt  }
0x84: {  	_ =	shalt  }
0x85: {  	_ =	shalt  }
0x86: {  	_ =	shalt  }
0x87: {  	_ =	shalt  }
.Lfunc_end0:
.L_simem_size_0:
called_computation.1_lowered:
.L_overlay_start_0:
0x88: {  	s2 =	sld [smem:$0x3FD9]  }
0x89: {  	s3 =	sld [smem:$0x3FFE];
	_ =	sdelay $0x1  }
0x8a: {  	s1 =	srdreg.scid  }
0x8b: {  	s0 =	sand.u32 $0x1, s1  }
0x8c: {  	s16 =	sshll.u32 s0, $0xA;
	s2 =	sadd.s32 s3, s2  }
0x8d: {  	s2 =	sadd.s32 s2, s16  }
0x8e: {  	[smem:$0x3FBB] =	sst s2  }
0x8f: {  	_ = 	snop  }
0x90: {  	(tm) =	ssettm $0x1  }
0x91: {  	s17 =	sld [smem:$0x3FFB];
	_ =	sdelay $0x3  }
0x92: {  	_ =	strace s17  }
0x93: {  	s2 =	sld [smem:$0x3FFC];
	_ =	sdelay $0x3  }
0x94: {  	_ =	strace s2  }
0x95: {  	s2 =	sld [smem:$0x3FFD];
	_ =	sdelay $0x3  }
0x96: {  	_ =	strace s2  }
0x97: {  	_ =	strace $0x8FFFFFFF  }
0x98: {  	s18 =	sld [smem:$0x3FDB];
	_ =	sdelay $0x1  }
0x99: {  	s19 =	simm.s32 $_scs_section_size  }
0x9a: {  	s4 =	simm.s32 $_size__tile_overlayer_lowered;
	s5 =	simm.s32 $_tile_overlayer_lowered  }
0x9b: {  	s22 =	simm.s32 $0x1BFF;
	s21 =	sshll.u32 s5, $0x1;
	s2 =	sadd.s32 s19, s18  }
0x9c: {  	s6 =	simm.s32 $0x0;
	s20 =	sshll.u32 s4, $0x1;
	s4 =	sadd.s32 s21, s2  }
0x9d: {  	[timem:s6], [sflag:s22] =	dma.local [hbm:s4], s20  }
0x9e: {  	_ =	swait.ge [sflag:s22], s20  }
0x9f: {  	s3 =	ssub.s32 $0x0, s20;
	[sflag:s22] =	ssyncset.done $0x0  }
0xa0: {  	[sflag:s22] =	ssyncadd.s32 s3;
	_ =	sdelay $0x1  }
0xa1: {  	s23 =	simm.s32 $0x1B8B  }
0xa2: {  	_ =	swait.ge [sflag:s23], $0x1  }
0xa3: {  	[sflag:s23] =	ssyncset.done $0x0  }
0xa4: {  	s25 =	simm.s32 $0x1B8E;
	s24 =	sld [smem:$0x3FFE];
	[sflag:s23] =	ssyncadd.s32 $0xFFFFFFFF  }
0xa5: {  	s26 =	simm.s32 $execute0_lowered;
	[smem:$0x3FD2] =	sst s25  }
0xa6: {  	s4 =	sshll.u32 s26, $0x1;
	_ =	strace $0x80000049;
	[dreg:$0x1] =	wrdreg $0xFFFFFFFF  }
0xa7: {  	s28 =	simm.s32 $_size_execute0_lowered;
	s2 =	sadd.s32 s2, s4;
	[dreg:$0x0] =	wrdreg $0x0  }
0xa8: {  	s4 =	sshll.u32 s28, $0x1;
	[dreg:$0x2] =	wrdreg s2  }
0xa9: {  	[dreg:$0x3] =	wrdreg s4  }
0xaa: {  	[dreg:$0x4] =	wrdreg $0xC0  }
0xab: {  	_ =	task [dreg:s6], $0x5FFFF  }
0xac: {  	[dreg:$0x1] =	wrdreg $0xFFFFFFFF  }
0xad: {  	[dreg:$0x0] =	wrdreg $0x60  }
0xae: {  	[dreg:$0x2] =	wrdreg s24  }
0xaf: {  	[dreg:$0x3] =	wrdreg $0x9  }
0xb0: {  	_ =	task.clear_ibuf [dreg:s6], $0x4FFFF;
	_ =	strace $0x90000049  }
0xb1: {  	s29 =	simm.s32 $0x9;
	_ =	strace $0x8000004B  }
0xb2: {  	_ =	swait.ge [sflag:s29], $0x1  }
0xb3: {  	[sflag:s29] =	ssyncadd.s32 $0xFFFFFFFF  }
0xb4: {  	_ =	strace $0x9000004B  }
0xb5: {  	_ =	sfence  }
0xb6: {  	s30 =	sld [smem:$0x0];
	_ =	sdelay $0x2  }
0xb7: {  	s31 =	sshll.u32 s1, $0xD;
	s1 =	sshrl.u32 s1, $0x2  }
0xb8: {  	s3 =	sand.u32 $0x4000, s31;
	s1 =	sadd.s32 s1, s30  }
0xb9: {  	s0 =	sor.u32 s3, s0;
	s1 =	sshll.u32 s1, $0x11  }
0xba: {  	s0 =	sor.u32 s1, s0  }
0xbb: {  	s0 =	sadd.s32 $0x8F2B, s0  }
0xbc: {  	[sflag:s0] =	ssyncadd.remote.s32 $0x1  }
0xbd: {  	_ =	sfence.sel $0xFFFF  }
0xbe: {  	[dreg:$0x0] =	wrdreg $0xFFFFFFFF;
	(pc) =	sbr.abs _section_cstart, $3  }
0xbf: {  	[dreg:$0x1] =	wrdreg $0xFFFFFFFF  }
0xc0: {  	_ =	task.clear_ibuf [dreg:s6], $0x2FFFF;
	_ =	strace $0x9FFFFFFF  }
0xc1: {  	(tm) =	ssettm $0x7FFFFFFF  }
tec
execute0_lowered:
.L_overlay_start_1:
0x0: {  	(tag) =	ssettag $0x1  }
0x1: {  	s0 =	srdreg.scid;
	s2 =	rddreg [dreg:$0x0];
	s3 =	simm.s32 $0x0  }
0x2: {  	s12 =	stileid.u32;
	s14 =	simm.s32 $0x10980;
	[smem:$0x7FF] =	sst s3  }
0x3: {  	s16 =	simm.s32 $0x11180;
	_ =	strace $0x8000004A;
	[dreg:$0x4] =	wrdreg s14  }
0x4: {  	s17 =	simm.s32 $0x11980;
	s18 =	simm.s32 $0x12180;
	[dreg:$0x5] =	wrdreg s16  }
0x5: {  	s20 =	simm.s32 $0x12980;
	s21 =	simm.s32 $0x13180;
	[dreg:$0x6] =	wrdreg s17  }
0x6: {  	s22 =	simm.s32 $0x13980;
	s23 =	simm.s32 $0x14180;
	[dreg:$0x7] =	wrdreg s18  }
0x7: {  	s24 =	simm.s32 $0x14980;
	s25 =	simm.s32 $0x15180;
	[dreg:$0x8] =	wrdreg s20  }
0x8: {  	s26 =	simm.s32 $0x15980;
	s28 =	simm.s32 $0x16180;
	[dreg:$0x9] =	wrdreg s21  }
0x9: {  	s29 =	simm.s32 $0x16980;
	s0 =	sand.u32 $0x1, s0;
	[dreg:$0xa] =	wrdreg s22  }
0xa: {  	s1 =	sshll.u32 s12, $0x1;
	s7 =	sadd.s32 $0xA0200, s2;
	[dreg:$0xb] =	wrdreg s23  }
0xb: {  	s8 =	sadd.s32 $0xAA800, s2;
	s30 =	smul.u32 $0x28000, s12;
	[dreg:$0xc] =	wrdreg s24  }
0xc: {  	s6 =	sadd.s32 $0x300, s2;
	s12 =	smul.u32 $0x500, s12;
	[dreg:$0xd] =	wrdreg s25  }
0xd: {  	s1 =	sor.u32 s0, s1;
	s13 =	smul.u32 $0x280, s0;
	[dreg:$0xe] =	wrdreg s26  }
0xe: {  	s4 =	ssub.s32 $0x2, s0;
	s0 =	smul.u32 $0x14000, s0;
	[dreg:$0xf] =	wrdreg s28  }
0xf: {  	s16 =	simm.s32 $0x180;
	[dreg:$0x10] =	wrdreg s29;
	s26 =	simm.s32 $0x10180  }
0x10: {  	s14 =	simm.s32 $0x3180;
	s17 =	simm.s32 $0x3980;
	s18 =	simm.s32 $0x4180  }
0x11: {  	s20 =	simm.s32 $0x5180;
	s21 =	simm.s32 $0x5980;
	s22 =	simm.s32 $0x6180  }
0x12: {  	s23 =	simm.s32 $0x6980;
	s1 =	smul.u32 $0x280, s1;
	s5 =	sshrl.u32 s4, $0x1  }
0x13: {  	s24 =	simm.s32 $0x7180;
	s25 =	simm.s32 $0x7980;
	s9 =	ssub.s32 s4, s5  }
0x14: {  	s4 =	sadd.s32 $0x100, s2;
	s10 =	sadd.s32 $0x240, s1;
	s1 =	sadd.s32 $0x260, s1  }
0x15: {  	s9 =	smax.u32 s9, $0x1;
	s11 =	sshrl.u32 s10, $0x3;
	s10 =	sshll.u32 s10, $0x7  }
0x16: {  	s31 =	sshrl.u32 s1, $0x3;
	[dreg:$0x17] =	wrdreg s9;
	s11 =	sadd.s32 s7, s11  }
0x17: {  	s1 =	sshll.u32 s1, $0x7;
	s10 =	sadd.s32 s8, s10;
	[dreg:$0x13] =	wrdreg s11  }
0x18: {  	s5 =	sadd.s32 $0x200, s2;
	s1 =	sadd.s32 s8, s1;
	[dreg:$0x14] =	wrdreg s10  }
0x19: {  	s8 =	sadd.s32 s30, s8;
	s30 =	simm.s32 $0x17180;
	[dreg:$0x16] =	wrdreg s1  }
0x1a: {  	s9 =	simm.s32 $0x980;
	s10 =	sadd.s32 s7, s31;
	[dreg:$0x11] =	wrdreg s30  }
0x1b: {  	s0 =	sadd.s32 s0, s8;
	s31 =	simm.s32 $0x17980;
	[dreg:$0x15] =	wrdreg s10  }
0x1c: {  	s8 =	simm.s32 $0x8180;
	s10 =	sadd.s32 s13, s12;
	[dreg:$0x2] =	wrdreg s0  }
0x1d: {  	s13 =	simm.s32 $0x100;
	[dreg:$0x12] =	wrdreg s31;
	s11 =	sor.u32 $0x40, s10  }
0x1e: {  	[dreg:$0x3] =	wrdreg s13;
	s15 =	sor.u32 $0x20, s10;
	s19 =	sshrl.u32 s10, $0x3  }
0x1f: {  	s10 =	simm.s32 $0x0;
	s13 =	simm.s32 $0x2980;
	s12 =	sshrl.u32 s11, $0x3  }
0x20: {  	s1 =	sshrl.u32 s15, $0x3;
	s15 =	simm.s32 $0x3;
	s0 =	sadd.s32 s12, s7  }
0x21: {  	v2 =	vlaneseq.u32;
	s11 =	simm.s32 $0x1980;
	s1 =	sadd.s32 s1, s7;
	[dreg:$0x18] =	wrdreg s0  }
0x22: {  	vm0 =	vmmov $0xffff;
	v1 =	vshrl.u32 v2, $0x3;
	s12 =	simm.s32 $0x2180;
	[dreg:$0x19] =	wrdreg s1;
	s1 =	sadd.s32 s19, s7  }
0x23: {  	v0 =	vand.u32 $0x7, v2;
	v2 =	vor.u32 $0x8, v2;
	v1 =	vmul.u32 $0x8, v1;
	s0 =	simm.s32 $0x1;
	s19 =	simm.s32 $0x4980;
	[dreg:$0x1a] =	wrdreg s1  }
.LBB2_1:
0x24: {  	[dreg:$0x1b] =	wrdreg s10  }
0x25: {  	s28 =	rddreg [dreg:$0x1a]  }
0x26: {  	s29 =	rddreg [dreg:$0x19]  }
0x27: {  	s30 =	rddreg [dreg:$0x18];
	s31 =	simm.s32 $0x0;
	s10 =	simm.s32 $0x1180  }
.LBB2_2:
0x28: {  	p0 =	seq.s32 s31, $0x0  }
0x29: {  	s7 =	simm.s32 @!p0 $0x2  }
0x2a: {  	_ =	swait.ge @!p0 [sflag:s7], $0x8000  }
0x2b: {  	[sflag:s7] =	ssyncset.done @!p0 $0x0  }
0x2c: {  	[sflag:s7] =	ssyncadd.s32 @!p0 $0xFFFF8000  }
0x2d: {  	[tilespmem:s3], [sflag:$0x3] =	stream.linear.gather [hbm4b:s28+s3], $0x20, $0x38;
	[tilespmem:$0x18180] =	vst v63  }
0x2e: {  	_ =	swait.ge [sflag:s15], $0x20  }
0x2f: {  	[sflag:s15] =	ssyncset.done $0x0  }
0x30: {  	[sflag:s15] =	ssyncadd.s32 $0xFFFFFFE0  }
0x31: {  	v3 =	vld [tilespmem:$0x0];
	_ =	sdelay $0x4  }
0x32: {  	v4 =	vshll.u32 v3, $0x3  }
0x33: {  	v3 =	vand.u32 $0x7, v3;
	v4 =	vand.u32 $0xFFFFFFC0, v4  }
0x34: {  	v3 =	vor.u32 v3, v4  }
0x35: {  	v4 =	vperm.xlane v3, v0;
	_ =	sdelay $0x1  }
0x36: {  	v4 =	vadd.s32 v1, v4;
	_ =	sdelay $0x4  }
0x37: {  	[tilespmem:s16], [sflag:$0x1] =	stream.indirect_vreg.gather [hbm4b:s2+s3], $0x80, v4, vm0, $0xb8;
	[tilespmem:$0x18180] =	vst v63  }
0x38: {  	v3 =	vperm.xlane v3, v2  }
0x39: {  	[tilespmem:s9], [sflag:$0x1] =	stream.indirect_vreg.gather [hbm4b:s4+s3], $0x80, v4, vm0, $0xb8;
	[tilespmem:$0x18180] =	vst v63  }
0x3a: {  	v3 =	vadd.s32 v1, v3  }
0x3b: {  	[tilespmem:s10], [sflag:$0x1] =	stream.indirect_vreg.gather [hbm4b:s5+s3], $0x80, v4, vm0, $0xb8;
	[tilespmem:$0x18180] =	vst v63  }
0x3c: {  	_ = 	snop  }
0x3d: {  	[tilespmem:s11], [sflag:$0x1] =	stream.indirect_vreg.gather [hbm4b:s6+s3], $0x80, v4, vm0, $0xb8;
	[tilespmem:$0x18180] =	vst v63  }
0x3e: {  	_ = 	snop  }
0x3f: {  	[tilespmem:s12], [sflag:$0x1] =	stream.indirect_vreg.gather [hbm4b:s2+s3], $0x80, v3, vm0, $0xb8;
	[tilespmem:$0x18180] =	vst v63  }
0x40: {  	_ = 	snop  }
0x41: {  	[tilespmem:s13], [sflag:$0x1] =	stream.indirect_vreg.gather [hbm4b:s4+s3], $0x80, v3, vm0, $0xb8;
	[tilespmem:$0x18180] =	vst v63  }
0x42: {  	_ = 	snop  }
0x43: {  	[tilespmem:s14], [sflag:$0x1] =	stream.indirect_vreg.gather [hbm4b:s5+s3], $0x80, v3, vm0, $0xb8;
	[tilespmem:$0x18180] =	vst v63  }
0x44: {  	_ = 	snop  }
0x45: {  	[tilespmem:s17], [sflag:$0x1] =	stream.indirect_vreg.gather [hbm4b:s6+s3], $0x80, v3, vm0, $0xb8;
	[tilespmem:$0x18180] =	vst v63  }
0x46: {  	v3 =	vld [tilespmem:$0x10];
	_ =	sdelay $0x4  }
0x47: {  	v59 =	vshll.u32 v3, $0x3  }
0x48: {  	v3 =	vand.u32 $0x7, v3;
	v4 =	vand.u32 $0xFFFFFFC0, v59  }
0x49: {  	v3 =	vor.u32 v3, v4  }
0x4a: {  	v4 =	vperm.xlane v3, v0;
	_ =	sdelay $0x1  }
0x4b: {  	v4 =	vadd.s32 v1, v4;
	_ =	sdelay $0x4  }
0x4c: {  	[tilespmem:s18], [sflag:$0x1] =	stream.indirect_vreg.gather [hbm4b:s2+s3], $0x80, v4, vm0, $0xb8;
	[tilespmem:$0x18180] =	vst v63  }
0x4d: {  	v3 =	vperm.xlane v3, v2  }
0x4e: {  	[tilespmem:s19], [sflag:$0x1] =	stream.indirect_vreg.gather [hbm4b:s4+s3], $0x80, v4, vm0, $0xb8;
	[tilespmem:$0x18180] =	vst v63  }
0x4f: {  	v3 =	vadd.s32 v1, v3  }
0x50: {  	[tilespmem:s20], [sflag:$0x1] =	stream.indirect_vreg.gather [hbm4b:s5+s3], $0x80, v4, vm0, $0xb8;
	[tilespmem:$0x18180] =	vst v63  }
0x51: {  	_ = 	snop  }
0x52: {  	[tilespmem:s21], [sflag:$0x1] =	stream.indirect_vreg.gather [hbm4b:s6+s3], $0x80, v4, vm0, $0xb8;
	[tilespmem:$0x18180] =	vst v63  }
0x53: {  	_ = 	snop  }
0x54: {  	[tilespmem:s22], [sflag:$0x1] =	stream.indirect_vreg.gather [hbm4b:s2+s3], $0x80, v3, vm0, $0xb8;
	[tilespmem:$0x18180] =	vst v63  }
0x55: {  	_ = 	snop  }
0x56: {  	[tilespmem:s23], [sflag:$0x1] =	stream.indirect_vreg.gather [hbm4b:s4+s3], $0x80, v3, vm0, $0xb8;
	[tilespmem:$0x18180] =	vst v63  }
0x57: {  	_ = 	snop  }
0x58: {  	[tilespmem:s24], [sflag:$0x1] =	stream.indirect_vreg.gather [hbm4b:s5+s3], $0x80, v3, vm0, $0xb8;
	[tilespmem:$0x18180] =	vst v63  }
0x59: {  	_ = 	snop  }
0x5a: {  	[tilespmem:s25], [sflag:$0x1] =	stream.indirect_vreg.gather [hbm4b:s6+s3], $0x80, v3, vm0, $0xb8;
	[tilespmem:$0x18180] =	vst v63  }
0x5b: {  	_ =	swait.ge [sflag:s0], $0x8000  }
0x5c: {  	s1 =	rddreg [dreg:$0x2];
	[sflag:s0] =	ssyncset.done $0x0  }
0x5d: {  	[sflag:s0] =	ssyncadd.s32 $0xFFFF8000;
	s1 =	sadd.s32 s31, s1  }
0x5e: {  	[hbm4b:s1+s3] =	stream.linear.scatter [tilespmem:s16], [sflag:$0x2], $0x8000, $0x38;
	[tilespmem:$0x18180] =	vst v63  }
0x5f: {  	_ =	swait.ge @!p0 [sflag:s7], $0x8000  }
0x60: {  	[sflag:s7] =	ssyncset.done @!p0 $0x0  }
0x61: {  	s9 =	simm.s32 $0x80;
	[sflag:s7] =	ssyncadd.s32 @!p0 $0xFFFF8000  }
0x62: {  	[tilespmem:s9], [sflag:$0x3] =	stream.linear.gather [hbm4b:s29+s3], $0x20, $0x38;
	[tilespmem:$0x18180] =	vst v63  }
0x63: {  	_ =	swait.ge [sflag:s15], $0x20  }
0x64: {  	[sflag:s15] =	ssyncset.done $0x0  }
0x65: {  	[sflag:s15] =	ssyncadd.s32 $0xFFFFFFE0  }
0x66: {  	v3 =	vld [tilespmem:$0x80];
	_ =	sdelay $0x4  }
0x67: {  	v60 =	vshll.u32 v3, $0x3  }
0x68: {  	v3 =	vand.u32 $0x7, v3;
	v4 =	vand.u32 $0xFFFFFFC0, v60  }
0x69: {  	v3 =	vor.u32 v3, v4  }
0x6a: {  	v4 =	vperm.xlane v3, v0;
	_ =	sdelay $0x1  }
0x6b: {  	v4 =	vadd.s32 v1, v4;
	_ =	sdelay $0x4  }
0x6c: {  	[tilespmem:s8], [sflag:$0x1] =	stream.indirect_vreg.gather [hbm4b:s2+s3], $0x80, v4, vm0, $0xb8;
	[tilespmem:$0x18180] =	vst v63  }
0x6d: {  	s9 =	simm.s32 $0x8980;
	v3 =	vperm.xlane v3, v2  }
0x6e: {  	[tilespmem:s9], [sflag:$0x1] =	stream.indirect_vreg.gather [hbm4b:s4+s3], $0x80, v4, vm0, $0xb8;
	[tilespmem:$0x18180] =	vst v63  }
0x6f: {  	v3 =	vadd.s32 v1, v3;
	s9 =	simm.s32 $0x9180  }
0x70: {  	[tilespmem:s9], [sflag:$0x1] =	stream.indirect_vreg.gather [hbm4b:s5+s3], $0x80, v4, vm0, $0xb8;
	[tilespmem:$0x18180] =	vst v63  }
0x71: {  	s9 =	simm.s32 $0x9980  }
0x72: {  	[tilespmem:s9], [sflag:$0x1] =	stream.indirect_vreg.gather [hbm4b:s6+s3], $0x80, v4, vm0, $0xb8;
	[tilespmem:$0x18180] =	vst v63  }
0x73: {  	s9 =	simm.s32 $0xA180  }
0x74: {  	[tilespmem:s9], [sflag:$0x1] =	stream.indirect_vreg.gather [hbm4b:s2+s3], $0x80, v3, vm0, $0xb8;
	[tilespmem:$0x18180] =	vst v63  }
0x75: {  	s9 =	simm.s32 $0xA980  }
0x76: {  	[tilespmem:s9], [sflag:$0x1] =	stream.indirect_vreg.gather [hbm4b:s4+s3], $0x80, v3, vm0, $0xb8;
	[tilespmem:$0x18180] =	vst v63  }
0x77: {  	s9 =	simm.s32 $0xB180  }
0x78: {  	[tilespmem:s9], [sflag:$0x1] =	stream.indirect_vreg.gather [hbm4b:s5+s3], $0x80, v3, vm0, $0xb8;
	[tilespmem:$0x18180] =	vst v63  }
0x79: {  	s9 =	simm.s32 $0xB980  }
0x7a: {  	[tilespmem:s9], [sflag:$0x1] =	stream.indirect_vreg.gather [hbm4b:s6+s3], $0x80, v3, vm0, $0xb8;
	[tilespmem:$0x18180] =	vst v63  }
0x7b: {  	v3 =	vld [tilespmem:$0x90];
	_ =	sdelay $0x4  }
0x7c: {  	v61 =	vshll.u32 v3, $0x3  }
0x7d: {  	v3 =	vand.u32 $0x7, v3;
	v4 =	vand.u32 $0xFFFFFFC0, v61  }
0x7e: {  	v3 =	vor.u32 v3, v4  }
0x7f: {  	v4 =	vperm.xlane v3, v0;
	_ =	sdelay $0x1  }
0x80: {  	v4 =	vadd.s32 v1, v4;
	_ =	sdelay $0x3  }
0x81: {  	s9 =	simm.s32 $0xC180  }
0x82: {  	[tilespmem:s9], [sflag:$0x1] =	stream.indirect_vreg.gather [hbm4b:s2+s3], $0x80, v4, vm0, $0xb8;
	[tilespmem:$0x18180] =	vst v63  }
0x83: {  	v3 =	vperm.xlane v3, v2;
	s9 =	simm.s32 $0xC980  }
0x84: {  	[tilespmem:s9], [sflag:$0x1] =	stream.indirect_vreg.gather [hbm4b:s4+s3], $0x80, v4, vm0, $0xb8;
	[tilespmem:$0x18180] =	vst v63  }
0x85: {  	v3 =	vadd.s32 v1, v3;
	s9 =	simm.s32 $0xD180  }
0x86: {  	[tilespmem:s9], [sflag:$0x1] =	stream.indirect_vreg.gather [hbm4b:s5+s3], $0x80, v4, vm0, $0xb8;
	[tilespmem:$0x18180] =	vst v63  }
0x87: {  	s9 =	simm.s32 $0xD980  }
0x88: {  	[tilespmem:s9], [sflag:$0x1] =	stream.indirect_vreg.gather [hbm4b:s6+s3], $0x80, v4, vm0, $0xb8;
	[tilespmem:$0x18180] =	vst v63  }
0x89: {  	s9 =	simm.s32 $0xE180  }
0x8a: {  	[tilespmem:s9], [sflag:$0x1] =	stream.indirect_vreg.gather [hbm4b:s2+s3], $0x80, v3, vm0, $0xb8;
	[tilespmem:$0x18180] =	vst v63  }
0x8b: {  	s9 =	simm.s32 $0xE980  }
0x8c: {  	[tilespmem:s9], [sflag:$0x1] =	stream.indirect_vreg.gather [hbm4b:s4+s3], $0x80, v3, vm0, $0xb8;
	[tilespmem:$0x18180] =	vst v63  }
0x8d: {  	s9 =	simm.s32 $0xF180  }
0x8e: {  	[tilespmem:s9], [sflag:$0x1] =	stream.indirect_vreg.gather [hbm4b:s5+s3], $0x80, v3, vm0, $0xb8;
	[tilespmem:$0x18180] =	vst v63  }
0x8f: {  	s9 =	simm.s32 $0xF980  }
0x90: {  	[tilespmem:s9], [sflag:$0x1] =	stream.indirect_vreg.gather [hbm4b:s6+s3], $0x80, v3, vm0, $0xb8;
	[tilespmem:$0x18180] =	vst v63  }
0x91: {  	_ =	swait.ge [sflag:s0], $0x8000  }
0x92: {  	[sflag:s0] =	ssyncset.done $0x0  }
0x93: {  	s9 =	sadd.s32 $0x1000, s1;
	[sflag:s0] =	ssyncadd.s32 $0xFFFF8000  }
0x94: {  	[hbm4b:s9+s3] =	stream.linear.scatter [tilespmem:s8], [sflag:$0x2], $0x8000, $0x38;
	[tilespmem:$0x18180] =	vst v63  }
0x95: {  	_ =	swait.ge @!p0 [sflag:s7], $0x8000  }
0x96: {  	[sflag:s7] =	ssyncset.done @!p0 $0x0  }
0x97: {  	s9 =	rddreg [dreg:$0x3];
	[sflag:s7] =	ssyncadd.s32 @!p0 $0xFFFF8000  }
0x98: {  	[tilespmem:s9], [sflag:$0x3] =	stream.linear.gather [hbm4b:s30+s3], $0x20, $0x38;
	[tilespmem:$0x18180] =	vst v63  }
0x99: {  	_ =	swait.ge [sflag:s15], $0x20  }
0x9a: {  	[sflag:s15] =	ssyncset.done $0x0  }
0x9b: {  	[sflag:s15] =	ssyncadd.s32 $0xFFFFFFE0  }
0x9c: {  	v3 =	vld [tilespmem:$0x100];
	_ =	sdelay $0x4  }
0x9d: {  	v62 =	vshll.u32 v3, $0x3  }
0x9e: {  	v3 =	vand.u32 $0x7, v3;
	v4 =	vand.u32 $0xFFFFFFC0, v62  }
0x9f: {  	v3 =	vor.u32 v3, v4  }
0xa0: {  	v4 =	vperm.xlane v3, v0;
	_ =	sdelay $0x1  }
0xa1: {  	v4 =	vadd.s32 v1, v4;
	_ =	sdelay $0x4  }
0xa2: {  	[tilespmem:s26], [sflag:$0x1] =	stream.indirect_vreg.gather [hbm4b:s2+s3], $0x80, v4, vm0, $0xb8;
	[tilespmem:$0x18180] =	vst v63  }
0xa3: {  	s7 =	rddreg [dreg:$0x4];
	v3 =	vperm.xlane v3, v2  }
0xa4: {  	[tilespmem:s7], [sflag:$0x1] =	stream.indirect_vreg.gather [hbm4b:s4+s3], $0x80, v4, vm0, $0xb8;
	[tilespmem:$0x18180] =	vst v63  }
0xa5: {  	s9 =	rddreg [dreg:$0x5];
	v3 =	vadd.s32 v1, v3  }
0xa6: {  	[tilespmem:s9], [sflag:$0x1] =	stream.indirect_vreg.gather [hbm4b:s5+s3], $0x80, v4, vm0, $0xb8;
	[tilespmem:$0x18180] =	vst v63  }
0xa7: {  	s7 =	rddreg [dreg:$0x6]  }
0xa8: {  	[tilespmem:s7], [sflag:$0x1] =	stream.indirect_vreg.gather [hbm4b:s6+s3], $0x80, v4, vm0, $0xb8;
	[tilespmem:$0x18180] =	vst v63  }
0xa9: {  	s9 =	rddreg [dreg:$0x7]  }
0xaa: {  	[tilespmem:s9], [sflag:$0x1] =	stream.indirect_vreg.gather [hbm4b:s2+s3], $0x80, v3, vm0, $0xb8;
	[tilespmem:$0x18180] =	vst v63  }
0xab: {  	s7 =	rddreg [dreg:$0x8]  }
0xac: {  	[tilespmem:s7], [sflag:$0x1] =	stream.indirect_vreg.gather [hbm4b:s4+s3], $0x80, v3, vm0, $0xb8;
	[tilespmem:$0x18180] =	vst v63  }
0xad: {  	s9 =	rddreg [dreg:$0x9]  }
0xae: {  	[tilespmem:s9], [sflag:$0x1] =	stream.indirect_vreg.gather [hbm4b:s5+s3], $0x80, v3, vm0, $0xb8;
	[tilespmem:$0x18180] =	vst v63  }
0xaf: {  	s7 =	rddreg [dreg:$0xa]  }
0xb0: {  	[tilespmem:s7], [sflag:$0x1] =	stream.indirect_vreg.gather [hbm4b:s6+s3], $0x80, v3, vm0, $0xb8;
	[tilespmem:$0x18180] =	vst v63  }
0xb1: {  	v3 =	vld [tilespmem:$0x110];
	_ =	sdelay $0x4  }
0xb2: {  	v63 =	vshll.u32 v3, $0x3  }
0xb3: {  	v3 =	vand.u32 $0x7, v3;
	v4 =	vand.u32 $0xFFFFFFC0, v63  }
0xb4: {  	v3 =	vor.u32 v3, v4  }
0xb5: {  	v4 =	vperm.xlane v3, v0;
	_ =	sdelay $0x1  }
0xb6: {  	v4 =	vadd.s32 v1, v4;
	_ =	sdelay $0x3  }
0xb7: {  	s7 =	rddreg [dreg:$0xb]  }
0xb8: {  	[tilespmem:s7], [sflag:$0x1] =	stream.indirect_vreg.gather [hbm4b:s2+s3], $0x80, v4, vm0, $0xb8;
	[tilespmem:$0x18180] =	vst v63  }
0xb9: {  	s9 =	rddreg [dreg:$0xc];
	v3 =	vperm.xlane v3, v2  }
0xba: {  	[tilespmem:s9], [sflag:$0x1] =	stream.indirect_vreg.gather [hbm4b:s4+s3], $0x80, v4, vm0, $0xb8;
	[tilespmem:$0x18180] =	vst v63  }
0xbb: {  	v3 =	vadd.s32 v1, v3;
	s7 =	rddreg [dreg:$0xd]  }
0xbc: {  	[tilespmem:s7], [sflag:$0x1] =	stream.indirect_vreg.gather [hbm4b:s5+s3], $0x80, v4, vm0, $0xb8;
	[tilespmem:$0x18180] =	vst v63  }
0xbd: {  	s9 =	rddreg [dreg:$0xe]  }
0xbe: {  	[tilespmem:s9], [sflag:$0x1] =	stream.indirect_vreg.gather [hbm4b:s6+s3], $0x80, v4, vm0, $0xb8;
	[tilespmem:$0x18180] =	vst v63  }
0xbf: {  	s7 =	rddreg [dreg:$0xf]  }
0xc0: {  	[tilespmem:s7], [sflag:$0x1] =	stream.indirect_vreg.gather [hbm4b:s2+s3], $0x80, v3, vm0, $0xb8;
	[tilespmem:$0x18180] =	vst v63  }
0xc1: {  	s9 =	rddreg [dreg:$0x10]  }
0xc2: {  	[tilespmem:s9], [sflag:$0x1] =	stream.indirect_vreg.gather [hbm4b:s4+s3], $0x80, v3, vm0, $0xb8;
	[tilespmem:$0x18180] =	vst v63  }
0xc3: {  	s31 =	sadd.s32 $0x3000, s31;
	s7 =	rddreg [dreg:$0x11]  }
0xc4: {  	[tilespmem:s7], [sflag:$0x1] =	stream.indirect_vreg.gather [hbm4b:s5+s3], $0x80, v3, vm0, $0xb8;
	[tilespmem:$0x18180] =	vst v63  }
0xc5: {  	p0 =	sne.s32 s31, $0x12000;
	s9 =	rddreg [dreg:$0x12]  }
0xc6: {  	[tilespmem:s9], [sflag:$0x1] =	stream.indirect_vreg.gather [hbm4b:s6+s3], $0x80, v3, vm0, $0xb8;
	[tilespmem:$0x18180] =	vst v63  }
.Ltmp0:
0xc7: {  	_ = 	snop;
	(pc) =	sbr.rel @p0 .LBB2_2-.Ltmp0, $4  }
0xc8: {  	s28 =	sadd.s32 $0xC, s28;
	_ =	swait.ge [sflag:s0], $0x8000  }
0xc9: {  	s29 =	sadd.s32 $0xC, s29;
	s1 =	sadd.s32 $0x2000, s1;
	[sflag:s0] =	ssyncset.done $0x0  }
0xca: {  	s30 =	sadd.s32 $0xC, s30;
	s9 =	simm.s32 $0x980;
	[sflag:s0] =	ssyncadd.s32 $0xFFFF8000  }
0xcb: {  	[hbm4b:s1+s3] =	stream.linear.scatter [tilespmem:s26], [sflag:$0x2], $0x8000, $0x38;
	[tilespmem:$0x18180] =	vst v63  }
0xcc: {  	s7 =	simm.s32 $0x2  }
0xcd: {  	_ =	swait.ge [sflag:s7], $0x8000  }
0xce: {  	[sflag:s7] =	ssyncset.done $0x0  }
0xcf: {  	s1 =	rddreg [dreg:$0x13];
	[sflag:s7] =	ssyncadd.s32 $0xFFFF8000  }
0xd0: {  	[tilespmem:s3], [sflag:$0x3] =	stream.linear.gather [hbm4b:s1+s3], $0x20, $0x38;
	[tilespmem:$0x18180] =	vst v63  }
0xd1: {  	_ =	swait.ge [sflag:s15], $0x20  }
0xd2: {  	[sflag:s15] =	ssyncset.done $0x0  }
0xd3: {  	[sflag:s15] =	ssyncadd.s32 $0xFFFFFFE0  }
0xd4: {  	v3 =	vld [tilespmem:$0x0];
	_ =	sdelay $0x4  }
0xd5: {  	v4 =	vshll.u32 v3, $0x3  }
0xd6: {  	v3 =	vand.u32 $0x7, v3;
	v4 =	vand.u32 $0xFFFFFFC0, v4  }
0xd7: {  	v3 =	vor.u32 v3, v4  }
0xd8: {  	v4 =	vperm.xlane v3, v0;
	_ =	sdelay $0x1  }
0xd9: {  	v4 =	vadd.s32 v1, v4;
	_ =	sdelay $0x4  }
0xda: {  	[tilespmem:s16], [sflag:$0x1] =	stream.indirect_vreg.gather [hbm4b:s2+s3], $0x80, v4, vm0, $0xb8;
	[tilespmem:$0x18180] =	vst v63  }
0xdb: {  	v3 =	vperm.xlane v3, v2  }
0xdc: {  	[tilespmem:s9], [sflag:$0x1] =	stream.indirect_vreg.gather [hbm4b:s4+s3], $0x80, v4, vm0, $0xb8;
	[tilespmem:$0x18180] =	vst v63  }
0xdd: {  	v3 =	vadd.s32 v1, v3  }
0xde: {  	[tilespmem:s10], [sflag:$0x1] =	stream.indirect_vreg.gather [hbm4b:s5+s3], $0x80, v4, vm0, $0xb8;
	[tilespmem:$0x18180] =	vst v63  }
0xdf: {  	_ = 	snop  }
0xe0: {  	[tilespmem:s11], [sflag:$0x1] =	stream.indirect_vreg.gather [hbm4b:s6+s3], $0x80, v4, vm0, $0xb8;
	[tilespmem:$0x18180] =	vst v63  }
0xe1: {  	_ = 	snop  }
0xe2: {  	[tilespmem:s12], [sflag:$0x1] =	stream.indirect_vreg.gather [hbm4b:s2+s3], $0x80, v3, vm0, $0xb8;
	[tilespmem:$0x18180] =	vst v63  }
0xe3: {  	_ = 	snop  }
0xe4: {  	[tilespmem:s13], [sflag:$0x1] =	stream.indirect_vreg.gather [hbm4b:s4+s3], $0x80, v3, vm0, $0xb8;
	[tilespmem:$0x18180] =	vst v63  }
0xe5: {  	_ = 	snop  }
0xe6: {  	[tilespmem:s14], [sflag:$0x1] =	stream.indirect_vreg.gather [hbm4b:s5+s3], $0x80, v3, vm0, $0xb8;
	[tilespmem:$0x18180] =	vst v63  }
0xe7: {  	_ = 	snop  }
0xe8: {  	[tilespmem:s17], [sflag:$0x1] =	stream.indirect_vreg.gather [hbm4b:s6+s3], $0x80, v3, vm0, $0xb8;
	[tilespmem:$0x18180] =	vst v63  }
0xe9: {  	v3 =	vld [tilespmem:$0x10];
	_ =	sdelay $0x4  }
0xea: {  	v61 =	vshll.u32 v3, $0x3  }
0xeb: {  	v3 =	vand.u32 $0x7, v3;
	v4 =	vand.u32 $0xFFFFFFC0, v61  }
0xec: {  	v3 =	vor.u32 v3, v4  }
0xed: {  	v4 =	vperm.xlane v3, v0;
	_ =	sdelay $0x1  }
0xee: {  	v4 =	vadd.s32 v1, v4;
	_ =	sdelay $0x4  }
0xef: {  	[tilespmem:s18], [sflag:$0x1] =	stream.indirect_vreg.gather [hbm4b:s2+s3], $0x80, v4, vm0, $0xb8;
	[tilespmem:$0x18180] =	vst v63  }
0xf0: {  	v3 =	vperm.xlane v3, v2  }
0xf1: {  	[tilespmem:s19], [sflag:$0x1] =	stream.indirect_vreg.gather [hbm4b:s4+s3], $0x80, v4, vm0, $0xb8;
	[tilespmem:$0x18180] =	vst v63  }
0xf2: {  	v3 =	vadd.s32 v1, v3  }
0xf3: {  	[tilespmem:s20], [sflag:$0x1] =	stream.indirect_vreg.gather [hbm4b:s5+s3], $0x80, v4, vm0, $0xb8;
	[tilespmem:$0x18180] =	vst v63  }
0xf4: {  	_ = 	snop  }
0xf5: {  	[tilespmem:s21], [sflag:$0x1] =	stream.indirect_vreg.gather [hbm4b:s6+s3], $0x80, v4, vm0, $0xb8;
	[tilespmem:$0x18180] =	vst v63  }
0xf6: {  	_ = 	snop  }
0xf7: {  	[tilespmem:s22], [sflag:$0x1] =	stream.indirect_vreg.gather [hbm4b:s2+s3], $0x80, v3, vm0, $0xb8;
	[tilespmem:$0x18180] =	vst v63  }
0xf8: {  	_ = 	snop  }
0xf9: {  	[tilespmem:s23], [sflag:$0x1] =	stream.indirect_vreg.gather [hbm4b:s4+s3], $0x80, v3, vm0, $0xb8;
	[tilespmem:$0x18180] =	vst v63  }
0xfa: {  	_ = 	snop  }
0xfb: {  	[tilespmem:s24], [sflag:$0x1] =	stream.indirect_vreg.gather [hbm4b:s5+s3], $0x80, v3, vm0, $0xb8;
	[tilespmem:$0x18180] =	vst v63  }
0xfc: {  	_ = 	snop  }
0xfd: {  	[tilespmem:s25], [sflag:$0x1] =	stream.indirect_vreg.gather [hbm4b:s6+s3], $0x80, v3, vm0, $0xb8;
	[tilespmem:$0x18180] =	vst v63  }
0xfe: {  	_ =	swait.ge [sflag:s0], $0x8000  }
0xff: {  	[sflag:s0] =	ssyncset.done $0x0  }
0x100: {  	s31 =	rddreg [dreg:$0x14];
	[sflag:s0] =	ssyncadd.s32 $0xFFFF8000  }
0x101: {  	[hbm4b:s31+s3] =	stream.linear.scatter [tilespmem:s16], [sflag:$0x2], $0x8000, $0x38;
	[tilespmem:$0x18180] =	vst v63  }
0x102: {  	_ =	swait.ge [sflag:s7], $0x8000  }
0x103: {  	[sflag:s7] =	ssyncset.done $0x0  }
0x104: {  	s28 =	simm.s32 $0x80;
	s10 =	rddreg [dreg:$0x15];
	[sflag:s7] =	ssyncadd.s32 $0xFFFF8000  }
0x105: {  	[tilespmem:s28], [sflag:$0x3] =	stream.linear.gather [hbm4b:s10+s3], $0x20, $0x38;
	[tilespmem:$0x18180] =	vst v63  }
0x106: {  	_ =	swait.ge [sflag:s15], $0x20  }
0x107: {  	[sflag:s15] =	ssyncset.done $0x0  }
0x108: {  	[sflag:s15] =	ssyncadd.s32 $0xFFFFFFE0  }
0x109: {  	v3 =	vld [tilespmem:$0x80];
	_ =	sdelay $0x4  }
0x10a: {  	v62 =	vshll.u32 v3, $0x3  }
0x10b: {  	v3 =	vand.u32 $0x7, v3;
	v4 =	vand.u32 $0xFFFFFFC0, v62  }
0x10c: {  	v3 =	vor.u32 v3, v4  }
0x10d: {  	v4 =	vperm.xlane v3, v0;
	_ =	sdelay $0x1  }
0x10e: {  	v4 =	vadd.s32 v1, v4;
	_ =	sdelay $0x4  }
0x10f: {  	[tilespmem:s8], [sflag:$0x1] =	stream.indirect_vreg.gather [hbm4b:s2+s3], $0x80, v4, vm0, $0xb8;
	[tilespmem:$0x18180] =	vst v63  }
0x110: {  	s29 =	simm.s32 $0x8980;
	v3 =	vperm.xlane v3, v2  }
0x111: {  	[tilespmem:s29], [sflag:$0x1] =	stream.indirect_vreg.gather [hbm4b:s4+s3], $0x80, v4, vm0, $0xb8;
	[tilespmem:$0x18180] =	vst v63  }
0x112: {  	s30 =	simm.s32 $0x9180;
	v3 =	vadd.s32 v1, v3  }
0x113: {  	[tilespmem:s30], [sflag:$0x1] =	stream.indirect_vreg.gather [hbm4b:s5+s3], $0x80, v4, vm0, $0xb8;
	[tilespmem:$0x18180] =	vst v63  }
0x114: {  	s31 =	simm.s32 $0x9980  }
0x115: {  	[tilespmem:s31], [sflag:$0x1] =	stream.indirect_vreg.gather [hbm4b:s6+s3], $0x80, v4, vm0, $0xb8;
	[tilespmem:$0x18180] =	vst v63  }
0x116: {  	s10 =	simm.s32 $0xA180  }
0x117: {  	[tilespmem:s10], [sflag:$0x1] =	stream.indirect_vreg.gather [hbm4b:s2+s3], $0x80, v3, vm0, $0xb8;
	[tilespmem:$0x18180] =	vst v63  }
0x118: {  	s28 =	simm.s32 $0xA980  }
0x119: {  	[tilespmem:s28], [sflag:$0x1] =	stream.indirect_vreg.gather [hbm4b:s4+s3], $0x80, v3, vm0, $0xb8;
	[tilespmem:$0x18180] =	vst v63  }
0x11a: {  	s29 =	simm.s32 $0xB180  }
0x11b: {  	[tilespmem:s29], [sflag:$0x1] =	stream.indirect_vreg.gather [hbm4b:s5+s3], $0x80, v3, vm0, $0xb8;
	[tilespmem:$0x18180] =	vst v63  }
0x11c: {  	s30 =	simm.s32 $0xB980  }
0x11d: {  	[tilespmem:s30], [sflag:$0x1] =	stream.indirect_vreg.gather [hbm4b:s6+s3], $0x80, v3, vm0, $0xb8;
	[tilespmem:$0x18180] =	vst v63  }
0x11e: {  	v3 =	vld [tilespmem:$0x90];
	_ =	sdelay $0x4  }
0x11f: {  	v63 =	vshll.u32 v3, $0x3  }
0x120: {  	v3 =	vand.u32 $0x7, v3;
	v4 =	vand.u32 $0xFFFFFFC0, v63  }
0x121: {  	v3 =	vor.u32 v3, v4  }
0x122: {  	v4 =	vperm.xlane v3, v0;
	_ =	sdelay $0x1  }
0x123: {  	v4 =	vadd.s32 v1, v4;
	_ =	sdelay $0x3  }
0x124: {  	s31 =	simm.s32 $0xC180  }
0x125: {  	[tilespmem:s31], [sflag:$0x1] =	stream.indirect_vreg.gather [hbm4b:s2+s3], $0x80, v4, vm0, $0xb8;
	[tilespmem:$0x18180] =	vst v63  }
0x126: {  	s10 =	simm.s32 $0xC980;
	v3 =	vperm.xlane v3, v2  }
0x127: {  	[tilespmem:s10], [sflag:$0x1] =	stream.indirect_vreg.gather [hbm4b:s4+s3], $0x80, v4, vm0, $0xb8;
	[tilespmem:$0x18180] =	vst v63  }
0x128: {  	s28 =	simm.s32 $0xD180;
	v3 =	vadd.s32 v1, v3  }
0x129: {  	[tilespmem:s28], [sflag:$0x1] =	stream.indirect_vreg.gather [hbm4b:s5+s3], $0x80, v4, vm0, $0xb8;
	[tilespmem:$0x18180] =	vst v63  }
0x12a: {  	s29 =	simm.s32 $0xD980  }
0x12b: {  	[tilespmem:s29], [sflag:$0x1] =	stream.indirect_vreg.gather [hbm4b:s6+s3], $0x80, v4, vm0, $0xb8;
	[tilespmem:$0x18180] =	vst v63  }
0x12c: {  	s30 =	simm.s32 $0xE180  }
0x12d: {  	[tilespmem:s30], [sflag:$0x1] =	stream.indirect_vreg.gather [hbm4b:s2+s3], $0x80, v3, vm0, $0xb8;
	[tilespmem:$0x18180] =	vst v63  }
0x12e: {  	s31 =	simm.s32 $0xE980  }
0x12f: {  	[tilespmem:s31], [sflag:$0x1] =	stream.indirect_vreg.gather [hbm4b:s4+s3], $0x80, v3, vm0, $0xb8;
	[tilespmem:$0x18180] =	vst v63  }
0x130: {  	s10 =	simm.s32 $0xF180  }
0x131: {  	[tilespmem:s10], [sflag:$0x1] =	stream.indirect_vreg.gather [hbm4b:s5+s3], $0x80, v3, vm0, $0xb8;
	[tilespmem:$0x18180] =	vst v63  }
0x132: {  	s28 =	simm.s32 $0xF980  }
0x133: {  	[tilespmem:s28], [sflag:$0x1] =	stream.indirect_vreg.gather [hbm4b:s6+s3], $0x80, v3, vm0, $0xb8;
	[tilespmem:$0x18180] =	vst v63  }
0x134: {  	_ =	swait.ge [sflag:s0], $0x8000  }
0x135: {  	[sflag:s0] =	ssyncset.done $0x0  }
0x136: {  	s29 =	rddreg [dreg:$0x16];
	[sflag:s0] =	ssyncadd.s32 $0xFFFF8000  }
0x137: {  	[hbm4b:s29+s3] =	stream.linear.scatter [tilespmem:s8], [sflag:$0x2], $0x8000, $0x38;
	[tilespmem:$0x18180] =	vst v63  }
0x138: {  	_ =	swait.ge [sflag:s7], $0x8000  }
0x139: {  	[sflag:s7] =	ssyncset.done $0x0  }
0x13a: {  	[sflag:s7] =	ssyncadd.s32 $0xFFFF8000  }
0x13b: {  	_ =	swait.ge [sflag:s7], $0x8000  }
0x13c: {  	[sflag:s7] =	ssyncset.done $0x0  }
0x13d: {  	[sflag:s7] =	ssyncadd.s32 $0xFFFF8000  }
0x13e: {  	_ =	swait.ge [sflag:s7], $0x8000  }
0x13f: {  	s30 =	rddreg [dreg:$0x1b]  }
0x140: {  	s31 =	rddreg [dreg:$0x17];
	s10 =	sadd.s32 $0x1, s30  }
0x141: {  	p0 =	sne.s32 s10, s31  }
.Ltmp1:
0x142: {  	_ = 	snop;
	(pc) =	sbr.rel @p0 .LBB2_1-.Ltmp1, $3  }
0x143: {  	_ =	sdelay $0x1  }
0x144: {  	[sflag:s7] =	ssyncset.done $0x0  }
0x145: {  	[sflag:s7] =	ssyncadd.s32 $0xFFFF8000  }
0x146: {  	_ =	sfence.sel $0x180000  }
0x147: {  	[bflag:$0x0] =	sbarrier.arrive $0xFFFF  }
0x148: {  	_ =	strace $0x9000004A  }
0x149: {  	s0 =	stileid.u32;
	[bflag:$0x2] =	sbarrier.arrive $0xFFFF  }
0x14a: {  	p0 =	sne.s32 s0, $0x0;
	s0 =	rddreg [dreg:$0x1]  }
0x14b: {  	s0 =	sadd.s32 @!p0 $0x100000, s0  }
0x14c: {  	[sflag:s0] =	ssyncadd.tile.s32 @!p0 $0x1;
	_ =	shalt  }
.Lfunc_end2:
_tile_overlayer_lowered:
.L_overlay_start_2:
0x14d: {  	(tag) =	ssettag $0x2  }
0x14e: {  	s0 =	rddreg [dreg:$0x0];
	s2 =	stileid.u32  }
0x14f: {  	s1 =	rddreg [dreg:$0x1];
	p0 =	sne.s32 s2, $0x0  }
0x150: {  	s3 =	rddreg [dreg:$0x2];
	[bflag:$0x3] =	sbarrier.arrive $0xFFFF;
	s2 =	simm.s32 @!p0 $0x1C03  }
0x151: {  	[timem:s3], [sflag:s2] =	dma.local @!p0 [hbm:s0], s1  }
0x152: {  	s0 =	simm.s32 @!p0 $0x3  }
0x153: {  	_ =	swait.ge @!p0 [sflag:s0], s1  }
0x154: {  	s1 =	ssub.s32 @!p0 $0x0, s1;
	[sflag:s0] =	ssyncset.done @!p0 $0x0  }
0x155: {  	[sflag:s0] =	ssyncadd.s32 @!p0 s1  }
0x156: {  	[bflag:$0x3] =	sbarrier.arrive $0xFFFF  }
0x157: {  	_ =	shalt  }

</sc_bundles>
